<compile_context>
chip_gen: v7x
topology: tpu7x:2x2x1
jax: 0.10.2.dev20260603
libtpu: 0.0.44.dev20260713+nightly
codegen_flags: <defaults>
</compile_context>

<pallas_src>
import jax
import jax.numpy as jnp
from jax import lax
from jax.experimental import pallas as pl
from jax.experimental.pallas import tpu as pltpu
from jax.experimental.pallas import tpu_sc as plsc

N_NODES = 10000
NPAD = 10240
ROWS_PER_TILE = NPAD // 16
E = 320000
K = 128
NCHUNKS = E // K
NW = 32
DEG_LANES = 16


def _mesh():
    return plsc.VectorSubcoreMesh(core_axis_name="c", subcore_axis_name="s")


_CPT = NCHUNKS // NW
_REM = NCHUNKS - _CPT * NW


def _deg_body(ei3_hbm, zeros_hbm, out_hbm, didx_all, didx_t,
              obuf, acc, isem, ssem, tsem):
    dst2_hbm = ei3_hbm.at[1]
    c = lax.axis_index("c")
    s = lax.axis_index("s")
    wid = s * 2 + c
    c0 = wid * _CPT
    i1 = pltpu.async_copy(dst2_hbm.at[pl.ds(c0, _CPT)], didx_all, isem)

    def fill(i, carry):
        obuf[i, :] = jnp.full((16,), 1.0, jnp.float32)
        return carry

    lax.fori_loop(0, K, fill, 0)
    row0 = s * ROWS_PER_TILE
    pltpu.sync_copy(zeros_hbm.at[pl.ds(row0, ROWS_PER_TILE)],
                    acc.at[pl.ds(row0, ROWS_PER_TILE)])
    plsc.subcore_barrier()
    i1.wait()

    def fire(j, carry):
        pltpu.async_copy(obuf, acc.at[didx_all.at[j]], ssem, add=True)
        return carry

    lax.fori_loop(0, _CPT, fire, 0)

    def drain(j, carry):
        pltpu.make_async_copy(obuf, acc.at[didx_all.at[0]], ssem).wait()
        return carry

    lax.fori_loop(0, _CPT, drain, 0)

    @pl.when(wid < _REM)
    def _():
        ct = _CPT * NW + wid
        pltpu.sync_copy(dst2_hbm.at[ct], didx_t)
        pltpu.async_copy(obuf, acc.at[didx_t], tsem, add=True).wait()

    plsc.subcore_barrier()
    pltpu.sync_copy(acc.at[pl.ds(row0, ROWS_PER_TILE)],
                    out_hbm.at[pl.ds(row0, ROWS_PER_TILE),
                               pl.ds(DEG_LANES * c, DEG_LANES)])


def _degree_partials(ei, zeros_rows):
    kern = pl.kernel(
        _deg_body,
        out_type=jax.ShapeDtypeStruct((NPAD, 2 * DEG_LANES), jnp.float32),
        mesh=_mesh(),
        compiler_params=pltpu.CompilerParams(use_tc_tiling_on_sc=False),
        scratch_types=[
            pltpu.VMEM((_CPT, K), jnp.int32),
            pltpu.VMEM((K,), jnp.int32),
            pltpu.VMEM((K, DEG_LANES), jnp.float32),
            pltpu.VMEM_SHARED((NPAD, DEG_LANES), jnp.float32),
            pltpu.SemaphoreType.DMA,
            pltpu.SemaphoreType.DMA,
            pltpu.SemaphoreType.DMA,
        ],
    )
    return kern(ei, zeros_rows)


def _make_agg(D, packed):
    def body(y_hbm, ei3_hbm, *outs_and_scratch):
        if packed:
            (out_hbm, sidx_all, didx_all, sidx0, sidx1, rows0, rows1,
             acc, isem, gsem0, gsem1, esem0, esem1, tsem) = outs_and_scratch
        else:
            (out0_hbm, out1_hbm, sidx_all, didx_all, sidx0, sidx1, rows0,
             rows1, acc, isem, gsem0, gsem1, esem0, esem1, tsem) = \
                outs_and_scratch
        src2_hbm = ei3_hbm.at[0]
        dst2_hbm = ei3_hbm.at[1]
        c = lax.axis_index("c")
        s = lax.axis_index("s")
        wid = s * 2 + c
        row0 = s * ROWS_PER_TILE
        c0 = wid * _CPT
        i1 = pltpu.async_copy(dst2_hbm.at[pl.ds(c0, _CPT)], didx_all, isem)
        if packed:
            i2 = pltpu.async_copy(src2_hbm.at[pl.ds(c0, _CPT)], sidx_all,
                                  isem)
        else:
            pltpu.async_copy(src2_hbm.at[c0], sidx0, esem0)
            pltpu.async_copy(src2_hbm.at[c0 + 1], sidx1, esem1)
        @pl.when(c == 0)
        def _():
            pltpu.sync_copy(y_hbm.at[pl.ds(row0, ROWS_PER_TILE)],
                            acc.at[pl.ds(row0, ROWS_PER_TILE)])

        @pl.when(c == 1)
        def _():
            def zfill(i, carry):
                for jj in range(D // 16):
                    rows0[i, pl.ds(jj * 16, 16)] = jnp.zeros((16,),
                                                             jnp.float32)
                return carry

            lax.fori_loop(0, K, zfill, 0)
            for blk in range(ROWS_PER_TILE // K):
                pltpu.sync_copy(rows0,
                                acc.at[pl.ds(row0 + blk * K, K)])

        plsc.subcore_barrier()
        i1.wait()
        if packed:
            i2.wait()

            def gidx(j):
                return sidx_all.at[j]
        else:
            pltpu.make_async_copy(src2_hbm.at[c0], sidx0, esem0).wait()
            pltpu.make_async_copy(src2_hbm.at[c0], sidx1, esem1).wait()

        if packed:
            pltpu.async_copy(y_hbm.at[gidx(0)], rows0, gsem0)
            pltpu.async_copy(y_hbm.at[gidx(1)], rows1, gsem1)

            def pair(p, carry):
                ja = 2 * p
                pltpu.make_async_copy(y_hbm.at[gidx(0)], rows0, gsem0).wait()
                pltpu.sync_copy(rows0, acc.at[didx_all.at[ja]], add=True)

                @pl.when(p < _CPT // 2 - 1)
                def _():
                    pltpu.async_copy(y_hbm.at[gidx(ja + 2)], rows0, gsem0)

                pltpu.make_async_copy(y_hbm.at[gidx(0)], rows1, gsem1).wait()
                pltpu.sync_copy(rows1, acc.at[didx_all.at[ja + 1]], add=True)

                @pl.when(p < _CPT // 2 - 1)
                def _():
                    pltpu.async_copy(y_hbm.at[gidx(ja + 3)], rows1, gsem1)

                return carry
        else:
            pltpu.async_copy(y_hbm.at[sidx0], rows0, gsem0)
            pltpu.async_copy(y_hbm.at[sidx1], rows1, gsem1)

            def pair(p, carry):
                ja = 2 * p
                pltpu.make_async_copy(y_hbm.at[sidx0], rows0, gsem0).wait()

                @pl.when(p < _CPT // 2 - 1)
                def _():
                    pltpu.async_copy(src2_hbm.at[c0 + ja + 2], sidx0, esem0)

                pltpu.sync_copy(rows0, acc.at[didx_all.at[ja]], add=True)

                @pl.when(p < _CPT // 2 - 1)
                def _():
                    pltpu.make_async_copy(src2_hbm.at[c0], sidx0,
                                          esem0).wait()
                    pltpu.async_copy(y_hbm.at[sidx0], rows0, gsem0)

                pltpu.make_async_copy(y_hbm.at[sidx1], rows1, gsem1).wait()

                @pl.when(p < _CPT // 2 - 1)
                def _():
                    pltpu.async_copy(src2_hbm.at[c0 + ja + 3], sidx1, esem1)

                pltpu.sync_copy(rows1, acc.at[didx_all.at[ja + 1]], add=True)

                @pl.when(p < _CPT // 2 - 1)
                def _():
                    pltpu.make_async_copy(src2_hbm.at[c0], sidx1,
                                          esem1).wait()
                    pltpu.async_copy(y_hbm.at[sidx1], rows1, gsem1)

                return carry

        lax.fori_loop(0, _CPT // 2, pair, 0)

        @pl.when(wid < _REM)
        def _():
            ct = _CPT * NW + wid
            pltpu.sync_copy(src2_hbm.at[ct], sidx0)
            pltpu.sync_copy(dst2_hbm.at[ct], sidx1)
            pltpu.async_copy(y_hbm.at[sidx0], rows0, tsem).wait()
            pltpu.sync_copy(rows0, acc.at[sidx1], add=True)

        plsc.subcore_barrier()

        if packed:
            pltpu.sync_copy(acc.at[pl.ds(row0, ROWS_PER_TILE)],
                            out_hbm.at[pl.ds(row0, ROWS_PER_TILE),
                                       pl.ds(D * c, D)])
        else:
            @pl.when(c == 0)
            def _():
                pltpu.sync_copy(acc.at[pl.ds(row0, ROWS_PER_TILE)],
                                out0_hbm.at[pl.ds(row0, ROWS_PER_TILE)])

            @pl.when(c == 1)
            def _():
                pltpu.sync_copy(acc.at[pl.ds(row0, ROWS_PER_TILE)],
                                out1_hbm.at[pl.ds(row0, ROWS_PER_TILE)])

    if packed:
        out_type = jax.ShapeDtypeStruct((NPAD, 2 * D), jnp.float32)
        scratch = [
            pltpu.VMEM((_CPT, K), jnp.int32),
            pltpu.VMEM((_CPT, K), jnp.int32),
            pltpu.VMEM((K,), jnp.int32),
            pltpu.VMEM((K,), jnp.int32),
            pltpu.VMEM((K, D), jnp.float32),
            pltpu.VMEM((K, D), jnp.float32),
            pltpu.VMEM_SHARED((NPAD, D), jnp.float32),
        ]
    else:
        out_type = (jax.ShapeDtypeStruct((NPAD, D), jnp.float32),
                    jax.ShapeDtypeStruct((NPAD, D), jnp.float32))
        scratch = [
            pltpu.VMEM((1, K), jnp.int32),
            pltpu.VMEM((_CPT, K), jnp.int32),
            pltpu.VMEM((K,), jnp.int32),
            pltpu.VMEM((K,), jnp.int32),
            pltpu.VMEM((K, D), jnp.float32),
            pltpu.VMEM((K, D), jnp.float32),
            pltpu.VMEM_SHARED((NPAD, D), jnp.float32),
        ]
    kern = pl.kernel(
        body,
        out_type=out_type,
        mesh=_mesh(),
        compiler_params=pltpu.CompilerParams(use_tc_tiling_on_sc=False),
        scratch_types=scratch + [
            pltpu.SemaphoreType.DMA,
            pltpu.SemaphoreType.DMA,
            pltpu.SemaphoreType.DMA,
            pltpu.SemaphoreType.DMA,
            pltpu.SemaphoreType.DMA,
            pltpu.SemaphoreType.DMA,
        ],
    )
    return kern


_RB = 1280


def _mm1_body(x_ref, w_ref, xw_ref):
    xw_ref[...] = jnp.dot(x_ref[...], w_ref[...],
                          preferred_element_type=jnp.float32)


def _mm1(x_pad, w1):
    grid = NPAD // _RB
    return pl.pallas_call(
        _mm1_body,
        grid=(grid,),
        in_specs=[
            pl.BlockSpec((_RB, 128), lambda i: (i, 0)),
            pl.BlockSpec((128, 128), lambda i: (0, 0)),
        ],
        out_specs=pl.BlockSpec((_RB, 128), lambda i: (i, 0)),
        out_shape=jax.ShapeDtypeStruct((NPAD, 128), jnp.float32),
    )(x_pad, w1)


def _dinv_of(dp):
    return lax.rsqrt(dp[:, 0:1] + dp[:, DEG_LANES:DEG_LANES + 1] + 1.0)


def _scale1_body(xw_ref, dp_ref, y_ref):
    y_ref[...] = xw_ref[...] * _dinv_of(dp_ref[...])


def _scale1(xw, degp):
    grid = NPAD // _RB
    return pl.pallas_call(
        _scale1_body,
        grid=(grid,),
        in_specs=[
            pl.BlockSpec((_RB, 128), lambda i: (i, 0)),
            pl.BlockSpec((_RB, 2 * DEG_LANES), lambda i: (i, 0)),
        ],
        out_specs=pl.BlockSpec((_RB, 128), lambda i: (i, 0)),
        out_shape=jax.ShapeDtypeStruct((NPAD, 128), jnp.float32),
    )(xw, degp)


def _mid_body(p0_ref, p1_ref, dp_ref, b_ref, w_ref, y2_ref):
    dinv = _dinv_of(dp_ref[...])
    h = dinv * (p0_ref[...] + p1_ref[...]) + b_ref[...]
    h = jnp.maximum(h, 0.0)
    y2_ref[...] = jnp.dot(h, w_ref[...], preferred_element_type=jnp.float32) * dinv


def _mid(p0, p1, degp, b1, w2):
    grid = NPAD // _RB
    return pl.pallas_call(
        _mid_body,
        grid=(grid,),
        in_specs=[
            pl.BlockSpec((_RB, 128), lambda i: (i, 0)),
            pl.BlockSpec((_RB, 128), lambda i: (i, 0)),
            pl.BlockSpec((_RB, 2 * DEG_LANES), lambda i: (i, 0)),
            pl.BlockSpec((1, 128), lambda i: (0, 0)),
            pl.BlockSpec((128, 64), lambda i: (0, 0)),
        ],
        out_specs=pl.BlockSpec((_RB, 64), lambda i: (i, 0)),
        out_shape=jax.ShapeDtypeStruct((NPAD, 64), jnp.float32),
    )(p0, p1, degp, b1, w2)


_RF = 1000


def _final_body(q_ref, dp_ref, b_ref, o_ref):
    q = q_ref[:, 0:64] + q_ref[:, 64:128]
    t = _dinv_of(dp_ref[...]) * q + b_ref[...]
    m = jnp.max(t, axis=1, keepdims=True)
    e = t - m
    lse = jnp.log(jnp.sum(jnp.exp(e), axis=1, keepdims=True))
    o_ref[...] = e - lse


def _final(q, degp, b2):
    grid = N_NODES // _RF
    return pl.pallas_call(
        _final_body,
        grid=(grid,),
        in_specs=[
            pl.BlockSpec((_RF, 128), lambda i: (i, 0)),
            pl.BlockSpec((_RF, 2 * DEG_LANES), lambda i: (i, 0)),
            pl.BlockSpec((1, 64), lambda i: (0, 0)),
        ],
        out_specs=pl.BlockSpec((_RF, 64), lambda i: (i, 0)),
        out_shape=jax.ShapeDtypeStruct((N_NODES, 64), jnp.float32),
    )(q, degp, b2)


@jax.jit
def kernel(x, edge_index, W1, b1, W2, b2):
    ei3 = edge_index.astype(jnp.int32).reshape(2, NCHUNKS, K)
    x_pad = jnp.pad(x, ((0, NPAD - N_NODES), (0, 0)))
    zeros_rows = jnp.zeros((NPAD, DEG_LANES), jnp.float32)

    degp = _degree_partials(ei3, zeros_rows)
    xw = _mm1(x_pad, W1)
    y1 = _scale1(xw, degp)

    agg128 = _make_agg(128, packed=False)
    p10, p11 = agg128(y1, ei3)
    y2 = _mid(p10, p11, degp, b1.reshape(1, 128), W2)

    agg64 = _make_agg(64, packed=True)
    q = agg64(y2, ei3)
    return _final(q, degp, b2.reshape(1, 64))

# --- scband reference (transcript-rebuilt; emitter-appended) ---
"""Pipeline reference for scband-gcn-net-39238821216832 (READ-ONLY COPY).

The authoritative reference and input builder live on the scoring server;
editing this copy changes nothing except your own understanding.
"""

import jax, jax.numpy as jnp
import numpy as np

N_NODES = 10000


def gcn_layer(x, edge_index, W, b):
    # PyG GCNConv: add self-loops, symmetric normalization, message passing, bias
    src = edge_index[0]
    dst = edge_index[1]
    sl = jnp.arange(N_NODES, dtype=edge_index.dtype)
    src = jnp.concatenate([src, sl])
    dst = jnp.concatenate([dst, sl])
    # degree computed over destination (col) with unit edge weights
    deg = jnp.zeros((N_NODES,), dtype=x.dtype).at[dst].add(1.0)
    deg_inv_sqrt = jnp.where(deg > 0, 1.0 / jnp.sqrt(deg), 0.0)
    norm = deg_inv_sqrt[src] * deg_inv_sqrt[dst]
    xw = x @ W
    msgs = xw[src] * norm[:, None]
    out = jnp.zeros((N_NODES, W.shape[1]), dtype=x.dtype).at[dst].add(msgs)
    return out + b


def setup_inputs(seed: int = 0) -> dict:
    key = jax.random.key(seed)
    k1, k2, k3, k4, k5, k6 = jax.random.split(key, 6)
    x = jax.random.normal(k1, (N_NODES, 128), dtype=jnp.float32)
    edge_index = jax.random.randint(k2, (2, 320000), 0, N_NODES, dtype=jnp.int64)
    # GCNConv(128 -> 128) and GCNConv(128 -> 64) parameters (glorot init scale)
    W1 = jax.random.normal(k3, (128, 128), dtype=jnp.float32) * (1.0 / np.sqrt(128))
    b1 = jnp.zeros((128,), dtype=jnp.float32)
    W2 = jax.random.normal(k4, (128, 64), dtype=jnp.float32) * (1.0 / np.sqrt(128))
    b2 = jnp.zeros((64,), dtype=jnp.float32)
    return {"x": x, "edge_index": edge_index, "W1": W1, "b1": b1, "W2": W2, "b2": b2}


def reference(x, edge_index, W1, b1, W2, b2):
    h = gcn_layer(x, edge_index, W1, b1)
    h = jax.nn.relu(h)
    # dropout with training=self.training -> identity in eval mode
    out = gcn_layer(h, edge_index, W2, b2)
    return jax.nn.log_softmax(out, axis=1)

if __name__ == "__main__":
    import jax
    _d = setup_inputs()
    print(jax.jit(kernel)(*tuple(_d.values())))

</pallas_src>

<mosaic_0001>
#map = affine_map<(d0, d1) -> (0, 0, 0)>
#map1 = affine_map<(d0, d1) -> (0, 0)>
module attributes {stable_mosaic.version = 14 : i64} {
  func.func @_deg_body(%arg0: i32, %arg1: i32, %arg2: memref<2x2500x128xi32, #tpu.memory_space<hbm>>, %arg3: memref<10240x16xf32, #tpu.memory_space<hbm>>, %arg4: memref<10240x32xf32, #tpu.memory_space<hbm>>, %arg5: memref<78x128xi32, #tpu.memory_space<vmem>>, %arg6: memref<128xi32, #tpu.memory_space<vmem>>, %arg7: memref<128x16xf32, #tpu.memory_space<vmem>>, %arg8: memref<10240x16xf32, #tpu.memory_space<vmem_shared>>, %arg9: memref<!tpu.dma_semaphore, #tpu.memory_space<semaphore_mem>>, %arg10: memref<!tpu.dma_semaphore, #tpu.memory_space<semaphore_mem>>, %arg11: memref<!tpu.dma_semaphore, #tpu.memory_space<semaphore_mem>>) attributes {dimension_semantics = [#tpu.dimension_semantics<core_parallel>, #tpu.dimension_semantics<subcore_parallel>], iteration_bounds = array<i64: 2, 16>, scalar_prefetch = 0 : i64, scratch_operands = 7 : i64, tpu.core_type = #tpu.core_type<sc_vector_subcore>, window_params = [{transform_indices = #map}, {transform_indices = #map1}, {transform_indices = #map1}]} {
    %mul3A = arith.constant 2 : i32
    %mul3A_0 = arith.muli %arg1, %mul3A : i32
    %add3A = arith.addi %mul3A_0, %arg0 : i32
    %mul3A_1 = arith.constant 78 : i32
    %mul3A_2 = arith.muli %add3A, %mul3A_1 : i32
    %dma_start3A = arith.constant 1 : i32
    %dma_start3A_3 = arith.constant 0 : i32
    %dma_start3A_4 = arith.constant 0 : i32
    %dma_start3A_5 = tpu.memref_slice %arg2[%dma_start3A, %dma_start3A_3, %dma_start3A_4] : memref<2x2500x128xi32, #tpu.memory_space<hbm>> -> memref<1x2500x128xi32, #tpu.memory_space<hbm>>
    %dma_start3A_6 = tpu.memref_squeeze %dma_start3A_5 : memref<1x2500x128xi32, #tpu.memory_space<hbm>> -> memref<2500x128xi32, #tpu.memory_space<hbm>>
    %dma_start3A_7 = arith.constant 0 : i32
    %dma_start3A_8 = tpu.memref_slice %dma_start3A_6[%mul3A_2, %dma_start3A_7] : memref<2500x128xi32, #tpu.memory_space<hbm>> -> memref<78x128xi32, #tpu.memory_space<hbm>>
    %dma_start3A_9 = arith.constant 0 : i32
    %dma_start3A_10 = arith.constant 0 : i32
    %dma_start3A_11 = tpu.memref_slice %arg2[%dma_start3A, %dma_start3A_9, %dma_start3A_10] : memref<2x2500x128xi32, #tpu.memory_space<hbm>> -> memref<1x2500x128xi32, #tpu.memory_space<hbm>>
    %dma_start3A_12 = tpu.memref_squeeze %dma_start3A_11 : memref<1x2500x128xi32, #tpu.memory_space<hbm>> -> memref<2500x128xi32, #tpu.memory_space<hbm>>
    %dma_start3A_13 = arith.constant 0 : i32
    %dma_start3A_14 = tpu.memref_slice %dma_start3A_12[%mul3A_2, %dma_start3A_13] : memref<2500x128xi32, #tpu.memory_space<hbm>> -> memref<78x128xi32, #tpu.memory_space<hbm>>
    tpu.enqueue_dma source(%dma_start3A_14 : memref<78x128xi32, #tpu.memory_space<hbm>>) target(%arg5 : memref<78x128xi32, #tpu.memory_space<vmem>>) target_semaphore(%arg9 : memref<!tpu.dma_semaphore, #tpu.memory_space<semaphore_mem>>)
    %scan3A = arith.constant 0 : i32
    %scan3A_15 = arith.constant 0 : i32
    %scan3A_16 = arith.constant 128 : i32
    %scan3A_17 = arith.addi %scan3A_15, %scan3A_16 : i32
    %scan3A_18 = arith.constant 1 : i32
    scf.for %scan3A_52 = %scan3A_15 to %scan3A_17 step %scan3A_18  : i32 {
      %broadcast_in_dim3A = arith.constant 1.000000e+00 : f32
      %broadcast_in_dim3A_53 = vector.broadcast %broadcast_in_dim3A : f32 to vector<16xf32>
      %swap3A = arith.index_cast %scan3A_52 : i32 to index
      %swap3A_54 = arith.constant 0 : index
      %swap3A_55 = tpu.vector_load %arg7[%swap3A, %swap3A_54] {strides = array<i32>} : memref<128x16xf32, #tpu.memory_space<vmem>>, vector<1x16xf32>,
      %swap3A_56 = vector.shape_cast %swap3A_55 : vector<1x16xf32> to vector<16xf32>
      %swap3A_57 = vector.shape_cast %broadcast_in_dim3A_53 : vector<16xf32> to vector<1x16xf32>
      tpu.vector_store %arg7[%swap3A, %swap3A_54], %swap3A_57 {strides = array<i32>} : memref<128x16xf32, #tpu.memory_space<vmem>>, vector<1x16xf32>,
    }
    %scan3A_19 = arith.constant 128 : i32
    %mul3A_20 = arith.constant 640 : i32
    %mul3A_21 = arith.muli %arg1, %mul3A_20 : i32
    "tpu.region"() ({
      %run_scoped3A = tpu.sem_alloc : memref<!tpu.dma_semaphore, #tpu.memory_space<semaphore_mem>>
      %dma_start3A_52 = arith.constant 0 : i32
      %dma_start3A_53 = tpu.memref_slice %arg8[%mul3A_21, %dma_start3A_52] : memref<10240x16xf32, #tpu.memory_space<vmem_shared>> -> memref<640x16xf32, #tpu.memory_space<vmem_shared>>
      %dma_start3A_54 = arith.constant 0 : i32
      %dma_start3A_55 = tpu.memref_slice %arg3[%mul3A_21, %dma_start3A_54] : memref<10240x16xf32, #tpu.memory_space<hbm>> -> memref<640x16xf32, #tpu.memory_space<hbm>>
      tpu.enqueue_dma source(%dma_start3A_55 : memref<640x16xf32, #tpu.memory_space<hbm>>) target(%dma_start3A_53 : memref<640x16xf32, #tpu.memory_space<vmem_shared>>) target_semaphore(%run_scoped3A : memref<!tpu.dma_semaphore, #tpu.memory_space<semaphore_mem>>)
      %dma_wait3A_56 = arith.constant 0 : i32
      %dma_wait3A_57 = tpu.memref_slice %arg8[%mul3A_21, %dma_wait3A_56] : memref<10240x16xf32, #tpu.memory_space<vmem_shared>> -> memref<640x16xf32, #tpu.memory_space<vmem_shared>>
      %dma_wait3A_58 = arith.constant 0 : i32
      %dma_wait3A_59 = tpu.memref_slice %arg3[%mul3A_21, %dma_wait3A_58] : memref<10240x16xf32, #tpu.memory_space<hbm>> -> memref<640x16xf32, #tpu.memory_space<hbm>>
      tpu.wait_dma2 semaphore(%run_scoped3A : memref<!tpu.dma_semaphore, #tpu.memory_space<semaphore_mem>>) src(%dma_wait3A_59 : memref<640x16xf32, #tpu.memory_space<hbm>>) dst(%dma_wait3A_57 : memref<640x16xf32, #tpu.memory_space<vmem_shared>>)
      tpu.yield
    }) : () -> ()
    %barrier3A = arith.constant 0 : index
    tpu.barrier barrier_id(%barrier3A)
    %dma_wait3A = arith.constant 1 : i32
    %dma_wait3A_22 = arith.constant 0 : i32
    %dma_wait3A_23 = arith.constant 0 : i32
    %dma_wait3A_24 = tpu.memref_slice %arg2[%dma_wait3A, %dma_wait3A_22, %dma_wait3A_23] : memref<2x2500x128xi32, #tpu.memory_space<hbm>> -> memref<1x2500x128xi32, #tpu.memory_space<hbm>>
    %dma_wait3A_25 = tpu.memref_squeeze %dma_wait3A_24 : memref<1x2500x128xi32, #tpu.memory_space<hbm>> -> memref<2500x128xi32, #tpu.memory_space<hbm>>
    %dma_wait3A_26 = arith.constant 0 : i32
    %dma_wait3A_27 = tpu.memref_slice %dma_wait3A_25[%mul3A_2, %dma_wait3A_26] : memref<2500x128xi32, #tpu.memory_space<hbm>> -> memref<78x128xi32, #tpu.memory_space<hbm>>
    %dma_wait3A_28 = arith.constant 0 : i32
    %dma_wait3A_29 = arith.constant 0 : i32
    %dma_wait3A_30 = tpu.memref_slice %arg2[%dma_wait3A, %dma_wait3A_28, %dma_wait3A_29] : memref<2x2500x128xi32, #tpu.memory_space<hbm>> -> memref<1x2500x128xi32, #tpu.memory_space<hbm>>
    %dma_wait3A_31 = tpu.memref_squeeze %dma_wait3A_30 : memref<1x2500x128xi32, #tpu.memory_space<hbm>> -> memref<2500x128xi32, #tpu.memory_space<hbm>>
    %dma_wait3A_32 = arith.constant 0 : i32
    %dma_wait3A_33 = tpu.memref_slice %dma_wait3A_31[%mul3A_2, %dma_wait3A_32] : memref<2500x128xi32, #tpu.memory_space<hbm>> -> memref<78x128xi32, #tpu.memory_space<hbm>>
    tpu.wait_dma2 semaphore(%arg9 : memref<!tpu.dma_semaphore, #tpu.memory_space<semaphore_mem>>) src(%dma_wait3A_33 : memref<78x128xi32, #tpu.memory_space<hbm>>) dst(%arg5 : memref<78x128xi32, #tpu.memory_space<vmem>>)
    %scan3A_34 = arith.constant 0 : i32
    %scan3A_35 = arith.constant 0 : i32
    %scan3A_36 = arith.constant 78 : i32
    %scan3A_37 = arith.addi %scan3A_35, %scan3A_36 : i32
    %scan3A_38 = arith.constant 1 : i32
    scf.for %scan3A_52 = %scan3A_35 to %scan3A_37 step %scan3A_38  : i32 {
      %dma_start3A_53 = arith.constant 0 : i32
      %dma_start3A_54 = tpu.memref_slice %arg5[%scan3A_52, %dma_start3A_53] : memref<78x128xi32, #tpu.memory_space<vmem>> -> memref<1x128xi32, #tpu.memory_space<vmem>>
      %dma_start3A_55 = tpu.memref_squeeze %dma_start3A_54 : memref<1x128xi32, #tpu.memory_space<vmem>> -> memref<128xi32, #tpu.memory_space<vmem>>
      %dma_start3A_56 = arith.constant 0 : i32
      %dma_start3A_57 = arith.constant 0 : i32
      %dma_start3A_58 = tpu.memref_slice %arg8[%dma_start3A_56, %dma_start3A_57] : memref<10240x16xf32, #tpu.memory_space<vmem_shared>> -> memref<10240x16xf32, #tpu.memory_space<vmem_shared>>
      tpu.enqueue_indirect_dma source(%arg7 : memref<128x16xf32, #tpu.memory_space<vmem>>) target(%dma_start3A_58 : memref<10240x16xf32, #tpu.memory_space<vmem_shared>>) offsets(%dma_start3A_55 : memref<128xi32, #tpu.memory_space<vmem>>) semaphore(%arg10 : memref<!tpu.dma_semaphore, #tpu.memory_space<semaphore_mem>>) {add = true}
    }
    %scan3A_39 = arith.constant 78 : i32
    %scan3A_40 = arith.constant 0 : i32
    %scan3A_41 = arith.constant 0 : i32
    %scan3A_42 = arith.constant 78 : i32
    %scan3A_43 = arith.addi %scan3A_41, %scan3A_42 : i32
    %scan3A_44 = arith.constant 1 : i32
    scf.for %scan3A_52 = %scan3A_41 to %scan3A_43 step %scan3A_44  : i32 {
      %dma_wait3A_53 = arith.constant 0 : i32
      %dma_wait3A_54 = arith.constant 0 : i32
      %dma_wait3A_55 = tpu.memref_slice %arg5[%dma_wait3A_53, %dma_wait3A_54] : memref<78x128xi32, #tpu.memory_space<vmem>> -> memref<1x128xi32, #tpu.memory_space<vmem>>
      %dma_wait3A_56 = tpu.memref_squeeze %dma_wait3A_55 : memref<1x128xi32, #tpu.memory_space<vmem>> -> memref<128xi32, #tpu.memory_space<vmem>>
      %dma_wait3A_57 = arith.constant 0 : i32
      %dma_wait3A_58 = arith.constant 0 : i32
      %dma_wait3A_59 = tpu.memref_slice %arg8[%dma_wait3A_57, %dma_wait3A_58] : memref<10240x16xf32, #tpu.memory_space<vmem_shared>> -> memref<10240x16xf32, #tpu.memory_space<vmem_shared>>
      tpu.wait_indirect_dma semaphore(%arg10 : memref<!tpu.dma_semaphore, #tpu.memory_space<semaphore_mem>>) src(%arg7 : memref<128x16xf32, #tpu.memory_space<vmem>>) dst(%dma_wait3A_59 : memref<10240x16xf32, #tpu.memory_space<vmem_shared>>)
    }
    %scan3A_45 = arith.constant 78 : i32
    %lt3A = arith.constant 4 : i32
    %lt3A_46 = arith.cmpi slt, %add3A, %lt3A : i32
    %convert_element_type3A = arith.extui %lt3A_46 : i1 to i32
    %cond3A = arith.constant 1 : i32
    %cond3A_47 = arith.constant 0 : i32
    %cond3A_48 = arith.cmpi ne, %convert_element_type3A, %cond3A_47 : i32
    scf.if %cond3A_48 {
      %add3A_52 = arith.constant 2496 : i32
      %add3A_53 = arith.addi %add3A_52, %add3A : i32
      "tpu.region"() ({
        %run_scoped3A = tpu.sem_alloc : memref<!tpu.dma_semaphore, #tpu.memory_space<semaphore_mem>>
        %dma_start3A_60 = arith.constant 0 : i32
        %dma_start3A_61 = arith.constant 0 : i32
        %dma_start3A_62 = tpu.memref_slice %arg2[%cond3A, %dma_start3A_60, %dma_start3A_61] : memref<2x2500x128xi32, #tpu.memory_space<hbm>> -> memref<1x2500x128xi32, #tpu.memory_space<hbm>>
        %dma_start3A_63 = tpu.memref_squeeze %dma_start3A_62 : memref<1x2500x128xi32, #tpu.memory_space<hbm>> -> memref<2500x128xi32, #tpu.memory_space<hbm>>
        %dma_start3A_64 = arith.constant 0 : i32
        %dma_start3A_65 = tpu.memref_slice %dma_start3A_63[%add3A_53, %dma_start3A_64] : memref<2500x128xi32, #tpu.memory_space<hbm>> -> memref<1x128xi32, #tpu.memory_space<hbm>>
        %dma_start3A_66 = tpu.memref_squeeze %dma_start3A_65 : memref<1x128xi32, #tpu.memory_space<hbm>> -> memref<128xi32, #tpu.memory_space<hbm>>
        %dma_start3A_67 = arith.constant 0 : i32
        %dma_start3A_68 = arith.constant 0 : i32
        %dma_start3A_69 = tpu.memref_slice %arg2[%cond3A, %dma_start3A_67, %dma_start3A_68] : memref<2x2500x128xi32, #tpu.memory_space<hbm>> -> memref<1x2500x128xi32, #tpu.memory_space<hbm>>
        %dma_start3A_70 = tpu.memref_squeeze %dma_start3A_69 : memref<1x2500x128xi32, #tpu.memory_space<hbm>> -> memref<2500x128xi32, #tpu.memory_space<hbm>>
        %dma_start3A_71 = arith.constant 0 : i32
        %dma_start3A_72 = tpu.memref_slice %dma_start3A_70[%add3A_53, %dma_start3A_71] : memref<2500x128xi32, #tpu.memory_space<hbm>> -> memref<1x128xi32, #tpu.memory_space<hbm>>
        %dma_start3A_73 = tpu.memref_squeeze %dma_start3A_72 : memref<1x128xi32, #tpu.memory_space<hbm>> -> memref<128xi32, #tpu.memory_space<hbm>>
        tpu.enqueue_dma source(%dma_start3A_73 : memref<128xi32, #tpu.memory_space<hbm>>) target(%arg6 : memref<128xi32, #tpu.memory_space<vmem>>) target_semaphore(%run_scoped3A : memref<!tpu.dma_semaphore, #tpu.memory_space<semaphore_mem>>)
        %dma_wait3A_74 = arith.constant 0 : i32
        %dma_wait3A_75 = arith.constant 0 : i32
        %dma_wait3A_76 = tpu.memref_slice %arg2[%cond3A, %dma_wait3A_74, %dma_wait3A_75] : memref<2x2500x128xi32, #tpu.memory_space<hbm>> -> memref<1x2500x128xi32, #tpu.memory_space<hbm>>
        %dma_wait3A_77 = tpu.memref_squeeze %dma_wait3A_76 : memref<1x2500x128xi32, #tpu.memory_space<hbm>> -> memref<2500x128xi32, #tpu.memory_space<hbm>>
        %dma_wait3A_78 = arith.constant 0 : i32
        %dma_wait3A_79 = tpu.memref_slice %dma_wait3A_77[%add3A_53, %dma_wait3A_78] : memref<2500x128xi32, #tpu.memory_space<hbm>> -> memref<1x128xi32, #tpu.memory_space<hbm>>
        %dma_wait3A_80 = tpu.memref_squeeze %dma_wait3A_79 : memref<1x128xi32, #tpu.memory_space<hbm>> -> memref<128xi32, #tpu.memory_space<hbm>>
        %dma_wait3A_81 = arith.constant 0 : i32
        %dma_wait3A_82 = arith.constant 0 : i32
        %dma_wait3A_83 = tpu.memref_slice %arg2[%cond3A, %dma_wait3A_81, %dma_wait3A_82] : memref<2x2500x128xi32, #tpu.memory_space<hbm>> -> memref<1x2500x128xi32, #tpu.memory_space<hbm>>
        %dma_wait3A_84 = tpu.memref_squeeze %dma_wait3A_83 : memref<1x2500x128xi32, #tpu.memory_space<hbm>> -> memref<2500x128xi32, #tpu.memory_space<hbm>>
        %dma_wait3A_85 = arith.constant 0 : i32
        %dma_wait3A_86 = tpu.memref_slice %dma_wait3A_84[%add3A_53, %dma_wait3A_85] : memref<2500x128xi32, #tpu.memory_space<hbm>> -> memref<1x128xi32, #tpu.memory_space<hbm>>
        %dma_wait3A_87 = tpu.memref_squeeze %dma_wait3A_86 : memref<1x128xi32, #tpu.memory_space<hbm>> -> memref<128xi32, #tpu.memory_space<hbm>>
        tpu.wait_dma2 semaphore(%run_scoped3A : memref<!tpu.dma_semaphore, #tpu.memory_space<semaphore_mem>>) src(%dma_wait3A_87 : memref<128xi32, #tpu.memory_space<hbm>>) dst(%arg6 : memref<128xi32, #tpu.memory_space<vmem>>)
        tpu.yield
      }) : () -> ()
      %dma_start3A_54 = arith.constant 0 : i32
      %dma_start3A_55 = arith.constant 0 : i32
      %dma_start3A_56 = tpu.memref_slice %arg8[%dma_start3A_54, %dma_start3A_55] : memref<10240x16xf32, #tpu.memory_space<vmem_shared>> -> memref<10240x16xf32, #tpu.memory_space<vmem_shared>>
      tpu.enqueue_indirect_dma source(%arg7 : memref<128x16xf32, #tpu.memory_space<vmem>>) target(%dma_start3A_56 : memref<10240x16xf32, #tpu.memory_space<vmem_shared>>) offsets(%arg6 : memref<128xi32, #tpu.memory_space<vmem>>) semaphore(%arg11 : memref<!tpu.dma_semaphore, #tpu.memory_space<semaphore_mem>>) {add = true}
      %dma_wait3A_57 = arith.constant 0 : i32
      %dma_wait3A_58 = arith.constant 0 : i32
      %dma_wait3A_59 = tpu.memref_slice %arg8[%dma_wait3A_57, %dma_wait3A_58] : memref<10240x16xf32, #tpu.memory_space<vmem_shared>> -> memref<10240x16xf32, #tpu.memory_space<vmem_shared>>
      tpu.wait_indirect_dma semaphore(%arg11 : memref<!tpu.dma_semaphore, #tpu.memory_space<semaphore_mem>>) src(%arg7 : memref<128x16xf32, #tpu.memory_space<vmem>>) dst(%dma_wait3A_59 : memref<10240x16xf32, #tpu.memory_space<vmem_shared>>)
    } else {
    }
    %barrier3A_49 = arith.constant 0 : index
    tpu.barrier barrier_id(%barrier3A_49)
    %mul3A_50 = arith.constant 16 : i32
    %mul3A_51 = arith.muli %mul3A_50, %arg0 : i32
    "tpu.region"() ({
      %run_scoped3A = tpu.sem_alloc : memref<!tpu.dma_semaphore, #tpu.memory_space<semaphore_mem>>
      %dma_start3A_52 = tpu.memref_slice %arg4[%mul3A_21, %mul3A_51] : memref<10240x32xf32, #tpu.memory_space<hbm>> -> memref<640x16xf32, #tpu.memory_space<hbm>>
      %dma_start3A_53 = arith.constant 0 : i32
      %dma_start3A_54 = tpu.memref_slice %arg8[%mul3A_21, %dma_start3A_53] : memref<10240x16xf32, #tpu.memory_space<vmem_shared>> -> memref<640x16xf32, #tpu.memory_space<vmem_shared>>
      tpu.enqueue_dma source(%dma_start3A_54 : memref<640x16xf32, #tpu.memory_space<vmem_shared>>) target(%dma_start3A_52 : memref<640x16xf32, #tpu.memory_space<hbm>>) target_semaphore(%run_scoped3A : memref<!tpu.dma_semaphore, #tpu.memory_space<semaphore_mem>>)
      %dma_wait3A_55 = tpu.memref_slice %arg4[%mul3A_21, %mul3A_51] : memref<10240x32xf32, #tpu.memory_space<hbm>> -> memref<640x16xf32, #tpu.memory_space<hbm>>
      %dma_wait3A_56 = arith.constant 0 : i32
      %dma_wait3A_57 = tpu.memref_slice %arg8[%mul3A_21, %dma_wait3A_56] : memref<10240x16xf32, #tpu.memory_space<vmem_shared>> -> memref<640x16xf32, #tpu.memory_space<vmem_shared>>
      tpu.wait_dma2 semaphore(%run_scoped3A : memref<!tpu.dma_semaphore, #tpu.memory_space<semaphore_mem>>) src(%dma_wait3A_57 : memref<640x16xf32, #tpu.memory_space<vmem_shared>>) dst(%dma_wait3A_55 : memref<640x16xf32, #tpu.memory_space<hbm>>)
      tpu.yield
    }) : () -> ()
    return
  }
}

#map = affine_map<(d0, d1) -> (0, 0)>
#map1 = affine_map<(d0, d1) -> (0, 0, 0)>
module attributes {stable_mosaic.version = 14 : i64} {
  func.func @body(%arg0: i32, %arg1: i32, %arg2: memref<10240x64xf32, #tpu.memory_space<hbm>>, %arg3: memref<2x2500x128xi32, #tpu.memory_space<hbm>>, %arg4: memref<10240x128xf32, #tpu.memory_space<hbm>>, %arg5: memref<78x128xi32, #tpu.memory_space<vmem>>, %arg6: memref<78x128xi32, #tpu.memory_space<vmem>>, %arg7: memref<128xi32, #tpu.memory_space<vmem>>, %arg8: memref<128xi32, #tpu.memory_space<vmem>>, %arg9: memref<128x64xf32, #tpu.memory_space<vmem>>, %arg10: memref<128x64xf32, #tpu.memory_space<vmem>>, %arg11: memref<10240x64xf32, #tpu.memory_space<vmem_shared>>, %arg12: memref<!tpu.dma_semaphore, #tpu.memory_space<semaphore_mem>>, %arg13: memref<!tpu.dma_semaphore, #tpu.memory_space<semaphore_mem>>, %arg14: memref<!tpu.dma_semaphore, #tpu.memory_space<semaphore_mem>>, %arg15: memref<!tpu.dma_semaphore, #tpu.memory_space<semaphore_mem>>, %arg16: memref<!tpu.dma_semaphore, #tpu.memory_space<semaphore_mem>>, %arg17: memref<!tpu.dma_semaphore, #tpu.memory_space<semaphore_mem>>) attributes {dimension_semantics = [#tpu.dimension_semantics<core_parallel>, #tpu.dimension_semantics<subcore_parallel>], iteration_bounds = array<i64: 2, 16>, scalar_prefetch = 0 : i64, scratch_operands = 13 : i64, tpu.core_type = #tpu.core_type<sc_vector_subcore>, window_params = [{transform_indices = #map}, {transform_indices = #map1}, {transform_indices = #map}]} {
    %mul3A = arith.constant 2 : i32
    %mul3A_0 = arith.muli %arg1, %mul3A : i32
    %add3A = arith.addi %mul3A_0, %arg0 : i32
    %mul3A_1 = arith.constant 640 : i32
    %mul3A_2 = arith.muli %arg1, %mul3A_1 : i32
    %mul3A_3 = arith.constant 78 : i32
    %mul3A_4 = arith.muli %add3A, %mul3A_3 : i32
    %dma_start3A = arith.constant 1 : i32
    %dma_start3A_5 = arith.constant 0 : i32
    %dma_start3A_6 = arith.constant 0 : i32
    %dma_start3A_7 = tpu.memref_slice %arg3[%dma_start3A, %dma_start3A_5, %dma_start3A_6] : memref<2x2500x128xi32, #tpu.memory_space<hbm>> -> memref<1x2500x128xi32, #tpu.memory_space<hbm>>
    %dma_start3A_8 = tpu.memref_squeeze %dma_start3A_7 : memref<1x2500x128xi32, #tpu.memory_space<hbm>> -> memref<2500x128xi32, #tpu.memory_space<hbm>>
    %dma_start3A_9 = arith.constant 0 : i32
    %dma_start3A_10 = tpu.memref_slice %dma_start3A_8[%mul3A_4, %dma_start3A_9] : memref<2500x128xi32, #tpu.memory_space<hbm>> -> memref<78x128xi32, #tpu.memory_space<hbm>>
    %dma_start3A_11 = arith.constant 0 : i32
    %dma_start3A_12 = arith.constant 0 : i32
    %dma_start3A_13 = tpu.memref_slice %arg3[%dma_start3A, %dma_start3A_11, %dma_start3A_12] : memref<2x2500x128xi32, #tpu.memory_space<hbm>> -> memref<1x2500x128xi32, #tpu.memory_space<hbm>>
    %dma_start3A_14 = tpu.memref_squeeze %dma_start3A_13 : memref<1x2500x128xi32, #tpu.memory_space<hbm>> -> memref<2500x128xi32, #tpu.memory_space<hbm>>
    %dma_start3A_15 = arith.constant 0 : i32
    %dma_start3A_16 = tpu.memref_slice %dma_start3A_14[%mul3A_4, %dma_start3A_15] : memref<2500x128xi32, #tpu.memory_space<hbm>> -> memref<78x128xi32, #tpu.memory_space<hbm>>
    tpu.enqueue_dma source(%dma_start3A_16 : memref<78x128xi32, #tpu.memory_space<hbm>>) target(%arg6 : memref<78x128xi32, #tpu.memory_space<vmem>>) target_semaphore(%arg12 : memref<!tpu.dma_semaphore, #tpu.memory_space<semaphore_mem>>)
    %dma_start3A_17 = arith.constant 0 : i32
    %dma_start3A_18 = arith.constant 0 : i32
    %dma_start3A_19 = arith.constant 0 : i32
    %dma_start3A_20 = tpu.memref_slice %arg3[%dma_start3A_17, %dma_start3A_18, %dma_start3A_19] : memref<2x2500x128xi32, #tpu.memory_space<hbm>> -> memref<1x2500x128xi32, #tpu.memory_space<hbm>>
    %dma_start3A_21 = tpu.memref_squeeze %dma_start3A_20 : memref<1x2500x128xi32, #tpu.memory_space<hbm>> -> memref<2500x128xi32, #tpu.memory_space<hbm>>
    %dma_start3A_22 = arith.constant 0 : i32
    %dma_start3A_23 = tpu.memref_slice %dma_start3A_21[%mul3A_4, %dma_start3A_22] : memref<2500x128xi32, #tpu.memory_space<hbm>> -> memref<78x128xi32, #tpu.memory_space<hbm>>
    %dma_start3A_24 = arith.constant 0 : i32
    %dma_start3A_25 = arith.constant 0 : i32
    %dma_start3A_26 = tpu.memref_slice %arg3[%dma_start3A_17, %dma_start3A_24, %dma_start3A_25] : memref<2x2500x128xi32, #tpu.memory_space<hbm>> -> memref<1x2500x128xi32, #tpu.memory_space<hbm>>
    %dma_start3A_27 = tpu.memref_squeeze %dma_start3A_26 : memref<1x2500x128xi32, #tpu.memory_space<hbm>> -> memref<2500x128xi32, #tpu.memory_space<hbm>>
    %dma_start3A_28 = arith.constant 0 : i32
    %dma_start3A_29 = tpu.memref_slice %dma_start3A_27[%mul3A_4, %dma_start3A_28] : memref<2500x128xi32, #tpu.memory_space<hbm>> -> memref<78x128xi32, #tpu.memory_space<hbm>>
    tpu.enqueue_dma source(%dma_start3A_29 : memref<78x128xi32, #tpu.memory_space<hbm>>) target(%arg5 : memref<78x128xi32, #tpu.memory_space<vmem>>) target_semaphore(%arg12 : memref<!tpu.dma_semaphore, #tpu.memory_space<semaphore_mem>>)
    %eq3A = arith.constant 0 : i32
    %eq3A_30 = arith.cmpi eq, %arg0, %eq3A : i32
    %convert_element_type3A = arith.extui %eq3A_30 : i1 to i32
    %cond3A = arith.constant 0 : i32
    %cond3A_31 = arith.cmpi ne, %convert_element_type3A, %cond3A : i32
    scf.if %cond3A_31 {
      "tpu.region"() ({
        %run_scoped3A = tpu.sem_alloc : memref<!tpu.dma_semaphore, #tpu.memory_space<semaphore_mem>>
        %dma_start3A_90 = arith.constant 0 : i32
        %dma_start3A_91 = tpu.memref_slice %arg11[%mul3A_2, %dma_start3A_90] : memref<10240x64xf32, #tpu.memory_space<vmem_shared>> -> memref<640x64xf32, #tpu.memory_space<vmem_shared>>
        %dma_start3A_92 = arith.constant 0 : i32
        %dma_start3A_93 = tpu.memref_slice %arg2[%mul3A_2, %dma_start3A_92] : memref<10240x64xf32, #tpu.memory_space<hbm>> -> memref<640x64xf32, #tpu.memory_space<hbm>>
        tpu.enqueue_dma source(%dma_start3A_93 : memref<640x64xf32, #tpu.memory_space<hbm>>) target(%dma_start3A_91 : memref<640x64xf32, #tpu.memory_space<vmem_shared>>) target_semaphore(%run_scoped3A : memref<!tpu.dma_semaphore, #tpu.memory_space<semaphore_mem>>)
        %dma_wait3A_94 = arith.constant 0 : i32
        %dma_wait3A_95 = tpu.memref_slice %arg11[%mul3A_2, %dma_wait3A_94] : memref<10240x64xf32, #tpu.memory_space<vmem_shared>> -> memref<640x64xf32, #tpu.memory_space<vmem_shared>>
        %dma_wait3A_96 = arith.constant 0 : i32
        %dma_wait3A_97 = tpu.memref_slice %arg2[%mul3A_2, %dma_wait3A_96] : memref<10240x64xf32, #tpu.memory_space<hbm>> -> memref<640x64xf32, #tpu.memory_space<hbm>>
        tpu.wait_dma2 semaphore(%run_scoped3A : memref<!tpu.dma_semaphore, #tpu.memory_space<semaphore_mem>>) src(%dma_wait3A_97 : memref<640x64xf32, #tpu.memory_space<hbm>>) dst(%dma_wait3A_95 : memref<640x64xf32, #tpu.memory_space<vmem_shared>>)
        tpu.yield
      }) : () -> ()
    } else {
    }
    %eq3A_32 = arith.constant 1 : i32
    %eq3A_33 = arith.cmpi eq, %arg0, %eq3A_32 : i32
    %convert_element_type3A_34 = arith.extui %eq3A_33 : i1 to i32
    %cond3A_35 = arith.constant 0 : i32
    %cond3A_36 = arith.cmpi ne, %convert_element_type3A_34, %cond3A_35 : i32
    scf.if %cond3A_36 {
      %scan3A_90 = arith.constant 0 : i32
      %scan3A_91 = arith.constant 0 : i32
      %scan3A_92 = arith.constant 128 : i32
      %scan3A_93 = arith.addi %scan3A_91, %scan3A_92 : i32
      %scan3A_94 = arith.constant 1 : i32
      scf.for %scan3A_106 = %scan3A_91 to %scan3A_93 step %scan3A_94  : i32 {
        %broadcast_in_dim3A = arith.constant 0.000000e+00 : f32
        %broadcast_in_dim3A_107 = vector.broadcast %broadcast_in_dim3A : f32 to vector<16xf32>
        %swap3A = arith.index_cast %scan3A_106 : i32 to index
        %swap3A_108 = arith.constant 0 : index
        %swap3A_109 = tpu.vector_load %arg9[%swap3A, %swap3A_108] {strides = array<i32>} : memref<128x64xf32, #tpu.memory_space<vmem>>, vector<1x16xf32>,
        %swap3A_110 = vector.shape_cast %swap3A_109 : vector<1x16xf32> to vector<16xf32>
        %swap3A_111 = vector.shape_cast %broadcast_in_dim3A_107 : vector<16xf32> to vector<1x16xf32>
        tpu.vector_store %arg9[%swap3A, %swap3A_108], %swap3A_111 {strides = array<i32>} : memref<128x64xf32, #tpu.memory_space<vmem>>, vector<1x16xf32>,
        %broadcast_in_dim3A_112 = arith.constant 0.000000e+00 : f32
        %broadcast_in_dim3A_113 = vector.broadcast %broadcast_in_dim3A_112 : f32 to vector<16xf32>
        %swap3A_114 = arith.index_cast %scan3A_106 : i32 to index
        %swap3A_115 = arith.constant 16 : index
        %swap3A_116 = tpu.vector_load %arg9[%swap3A_114, %swap3A_115] {strides = array<i32>} : memref<128x64xf32, #tpu.memory_space<vmem>>, vector<1x16xf32>,
        %swap3A_117 = vector.shape_cast %swap3A_116 : vector<1x16xf32> to vector<16xf32>
        %swap3A_118 = vector.shape_cast %broadcast_in_dim3A_113 : vector<16xf32> to vector<1x16xf32>
        tpu.vector_store %arg9[%swap3A_114, %swap3A_115], %swap3A_118 {strides = array<i32>} : memref<128x64xf32, #tpu.memory_space<vmem>>, vector<1x16xf32>,
        %broadcast_in_dim3A_119 = arith.constant 0.000000e+00 : f32
        %broadcast_in_dim3A_120 = vector.broadcast %broadcast_in_dim3A_119 : f32 to vector<16xf32>
        %swap3A_121 = arith.index_cast %scan3A_106 : i32 to index
        %swap3A_122 = arith.constant 32 : index
        %swap3A_123 = tpu.vector_load %arg9[%swap3A_121, %swap3A_122] {strides = array<i32>} : memref<128x64xf32, #tpu.memory_space<vmem>>, vector<1x16xf32>,
        %swap3A_124 = vector.shape_cast %swap3A_123 : vector<1x16xf32> to vector<16xf32>
        %swap3A_125 = vector.shape_cast %broadcast_in_dim3A_120 : vector<16xf32> to vector<1x16xf32>
        tpu.vector_store %arg9[%swap3A_121, %swap3A_122], %swap3A_125 {strides = array<i32>} : memref<128x64xf32, #tpu.memory_space<vmem>>, vector<1x16xf32>,
        %broadcast_in_dim3A_126 = arith.constant 0.000000e+00 : f32
        %broadcast_in_dim3A_127 = vector.broadcast %broadcast_in_dim3A_126 : f32 to vector<16xf32>
        %swap3A_128 = arith.index_cast %scan3A_106 : i32 to index
        %swap3A_129 = arith.constant 48 : index
        %swap3A_130 = tpu.vector_load %arg9[%swap3A_128, %swap3A_129] {strides = array<i32>} : memref<128x64xf32, #tpu.memory_space<vmem>>, vector<1x16xf32>,
        %swap3A_131 = vector.shape_cast %swap3A_130 : vector<1x16xf32> to vector<16xf32>
        %swap3A_132 = vector.shape_cast %broadcast_in_dim3A_127 : vector<16xf32> to vector<1x16xf32>
        tpu.vector_store %arg9[%swap3A_128, %swap3A_129], %swap3A_132 {strides = array<i32>} : memref<128x64xf32, #tpu.memory_space<vmem>>, vector<1x16xf32>,
      }
      %scan3A_95 = arith.constant 128 : i32
      %add3A_96 = arith.constant 0 : i32
      %add3A_97 = arith.addi %mul3A_2, %add3A_96 : i32
      "tpu.region"() ({
        %run_scoped3A = tpu.sem_alloc : memref<!tpu.dma_semaphore, #tpu.memory_space<semaphore_mem>>
        %dma_start3A_106 = arith.constant 0 : i32
        %dma_start3A_107 = tpu.memref_slice %arg11[%add3A_97, %dma_start3A_106] : memref<10240x64xf32, #tpu.memory_space<vmem_shared>> -> memref<128x64xf32, #tpu.memory_space<vmem_shared>>
        %dma_start3A_108 = arith.constant 0 : i32
        %dma_start3A_109 = tpu.memref_slice %arg11[%add3A_97, %dma_start3A_108] : memref<10240x64xf32, #tpu.memory_space<vmem_shared>> -> memref<128x64xf32, #tpu.memory_space<vmem_shared>>
        tpu.enqueue_dma source(%arg9 : memref<128x64xf32, #tpu.memory_space<vmem>>) target(%dma_start3A_109 : memref<128x64xf32, #tpu.memory_space<vmem_shared>>) target_semaphore(%run_scoped3A : memref<!tpu.dma_semaphore, #tpu.memory_space<semaphore_mem>>)
        %dma_wait3A_110 = arith.constant 0 : i32
        %dma_wait3A_111 = tpu.memref_slice %arg11[%add3A_97, %dma_wait3A_110] : memref<10240x64xf32, #tpu.memory_space<vmem_shared>> -> memref<128x64xf32, #tpu.memory_space<vmem_shared>>
        %dma_wait3A_112 = arith.constant 0 : i32
        %dma_wait3A_113 = tpu.memref_slice %arg11[%add3A_97, %dma_wait3A_112] : memref<10240x64xf32, #tpu.memory_space<vmem_shared>> -> memref<128x64xf32, #tpu.memory_space<vmem_shared>>
        tpu.wait_dma2 semaphore(%run_scoped3A : memref<!tpu.dma_semaphore, #tpu.memory_space<semaphore_mem>>) src(%arg9 : memref<128x64xf32, #tpu.memory_space<vmem>>) dst(%dma_wait3A_113 : memref<128x64xf32, #tpu.memory_space<vmem_shared>>)
        tpu.yield
      }) : () -> ()
      %add3A_98 = arith.constant 128 : i32
      %add3A_99 = arith.addi %mul3A_2, %add3A_98 : i32
      "tpu.region"() ({
        %run_scoped3A = tpu.sem_alloc : memref<!tpu.dma_semaphore, #tpu.memory_space<semaphore_mem>>
        %dma_start3A_106 = arith.constant 0 : i32
        %dma_start3A_107 = tpu.memref_slice %arg11[%add3A_99, %dma_start3A_106] : memref<10240x64xf32, #tpu.memory_space<vmem_shared>> -> memref<128x64xf32, #tpu.memory_space<vmem_shared>>
        %dma_start3A_108 = arith.constant 0 : i32
        %dma_start3A_109 = tpu.memref_slice %arg11[%add3A_99, %dma_start3A_108] : memref<10240x64xf32, #tpu.memory_space<vmem_shared>> -> memref<128x64xf32, #tpu.memory_space<vmem_shared>>
        tpu.enqueue_dma source(%arg9 : memref<128x64xf32, #tpu.memory_space<vmem>>) target(%dma_start3A_109 : memref<128x64xf32, #tpu.memory_space<vmem_shared>>) target_semaphore(%run_scoped3A : memref<!tpu.dma_semaphore, #tpu.memory_space<semaphore_mem>>)
        %dma_wait3A_110 = arith.constant 0 : i32
        %dma_wait3A_111 = tpu.memref_slice %arg11[%add3A_99, %dma_wait3A_110] : memref<10240x64xf32, #tpu.memory_space<vmem_shared>> -> memref<128x64xf32, #tpu.memory_space<vmem_shared>>
        %dma_wait3A_112 = arith.constant 0 : i32
        %dma_wait3A_113 = tpu.memref_slice %arg11[%add3A_99, %dma_wait3A_112] : memref<10240x64xf32, #tpu.memory_space<vmem_shared>> -> memref<128x64xf32, #tpu.memory_space<vmem_shared>>
        tpu.wait_dma2 semaphore(%run_scoped3A : memref<!tpu.dma_semaphore, #tpu.memory_space<semaphore_mem>>) src(%arg9 : memref<128x64xf32, #tpu.memory_space<vmem>>) dst(%dma_wait3A_113 : memref<128x64xf32, #tpu.memory_space<vmem_shared>>)
        tpu.yield
      }) : () -> ()
      %add3A_100 = arith.constant 256 : i32
      %add3A_101 = arith.addi %mul3A_2, %add3A_100 : i32
      "tpu.region"() ({
        %run_scoped3A = tpu.sem_alloc : memref<!tpu.dma_semaphore, #tpu.memory_space<semaphore_mem>>
        %dma_start3A_106 = arith.constant 0 : i32
        %dma_start3A_107 = tpu.memref_slice %arg11[%add3A_101, %dma_start3A_106] : memref<10240x64xf32, #tpu.memory_space<vmem_shared>> -> memref<128x64xf32, #tpu.memory_space<vmem_shared>>
        %dma_start3A_108 = arith.constant 0 : i32
        %dma_start3A_109 = tpu.memref_slice %arg11[%add3A_101, %dma_start3A_108] : memref<10240x64xf32, #tpu.memory_space<vmem_shared>> -> memref<128x64xf32, #tpu.memory_space<vmem_shared>>
        tpu.enqueue_dma source(%arg9 : memref<128x64xf32, #tpu.memory_space<vmem>>) target(%dma_start3A_109 : memref<128x64xf32, #tpu.memory_space<vmem_shared>>) target_semaphore(%run_scoped3A : memref<!tpu.dma_semaphore, #tpu.memory_space<semaphore_mem>>)
        %dma_wait3A_110 = arith.constant 0 : i32
        %dma_wait3A_111 = tpu.memref_slice %arg11[%add3A_101, %dma_wait3A_110] : memref<10240x64xf32, #tpu.memory_space<vmem_shared>> -> memref<128x64xf32, #tpu.memory_space<vmem_shared>>
        %dma_wait3A_112 = arith.constant 0 : i32
        %dma_wait3A_113 = tpu.memref_slice %arg11[%add3A_101, %dma_wait3A_112] : memref<10240x64xf32, #tpu.memory_space<vmem_shared>> -> memref<128x64xf32, #tpu.memory_space<vmem_shared>>
        tpu.wait_dma2 semaphore(%run_scoped3A : memref<!tpu.dma_semaphore, #tpu.memory_space<semaphore_mem>>) src(%arg9 : memref<128x64xf32, #tpu.memory_space<vmem>>) dst(%dma_wait3A_113 : memref<128x64xf32, #tpu.memory_space<vmem_shared>>)
        tpu.yield
      }) : () -> ()
      %add3A_102 = arith.constant 384 : i32
      %add3A_103 = arith.addi %mul3A_2, %add3A_102 : i32
      "tpu.region"() ({
        %run_scoped3A = tpu.sem_alloc : memref<!tpu.dma_semaphore, #tpu.memory_space<semaphore_mem>>
        %dma_start3A_106 = arith.constant 0 : i32
        %dma_start3A_107 = tpu.memref_slice %arg11[%add3A_103, %dma_start3A_106] : memref<10240x64xf32, #tpu.memory_space<vmem_shared>> -> memref<128x64xf32, #tpu.memory_space<vmem_shared>>
        %dma_start3A_108 = arith.constant 0 : i32
        %dma_start3A_109 = tpu.memref_slice %arg11[%add3A_103, %dma_start3A_108] : memref<10240x64xf32, #tpu.memory_space<vmem_shared>> -> memref<128x64xf32, #tpu.memory_space<vmem_shared>>
        tpu.enqueue_dma source(%arg9 : memref<128x64xf32, #tpu.memory_space<vmem>>) target(%dma_start3A_109 : memref<128x64xf32, #tpu.memory_space<vmem_shared>>) target_semaphore(%run_scoped3A : memref<!tpu.dma_semaphore, #tpu.memory_space<semaphore_mem>>)
        %dma_wait3A_110 = arith.constant 0 : i32
        %dma_wait3A_111 = tpu.memref_slice %arg11[%add3A_103, %dma_wait3A_110] : memref<10240x64xf32, #tpu.memory_space<vmem_shared>> -> memref<128x64xf32, #tpu.memory_space<vmem_shared>>
        %dma_wait3A_112 = arith.constant 0 : i32
        %dma_wait3A_113 = tpu.memref_slice %arg11[%add3A_103, %dma_wait3A_112] : memref<10240x64xf32, #tpu.memory_space<vmem_shared>> -> memref<128x64xf32, #tpu.memory_space<vmem_shared>>
        tpu.wait_dma2 semaphore(%run_scoped3A : memref<!tpu.dma_semaphore, #tpu.memory_space<semaphore_mem>>) src(%arg9 : memref<128x64xf32, #tpu.memory_space<vmem>>) dst(%dma_wait3A_113 : memref<128x64xf32, #tpu.memory_space<vmem_shared>>)
        tpu.yield
      }) : () -> ()
      %add3A_104 = arith.constant 512 : i32
      %add3A_105 = arith.addi %mul3A_2, %add3A_104 : i32
      "tpu.region"() ({
        %run_scoped3A = tpu.sem_alloc : memref<!tpu.dma_semaphore, #tpu.memory_space<semaphore_mem>>
        %dma_start3A_106 = arith.constant 0 : i32
        %dma_start3A_107 = tpu.memref_slice %arg11[%add3A_105, %dma_start3A_106] : memref<10240x64xf32, #tpu.memory_space<vmem_shared>> -> memref<128x64xf32, #tpu.memory_space<vmem_shared>>
        %dma_start3A_108 = arith.constant 0 : i32
        %dma_start3A_109 = tpu.memref_slice %arg11[%add3A_105, %dma_start3A_108] : memref<10240x64xf32, #tpu.memory_space<vmem_shared>> -> memref<128x64xf32, #tpu.memory_space<vmem_shared>>
        tpu.enqueue_dma source(%arg9 : memref<128x64xf32, #tpu.memory_space<vmem>>) target(%dma_start3A_109 : memref<128x64xf32, #tpu.memory_space<vmem_shared>>) target_semaphore(%run_scoped3A : memref<!tpu.dma_semaphore, #tpu.memory_space<semaphore_mem>>)
        %dma_wait3A_110 = arith.constant 0 : i32
        %dma_wait3A_111 = tpu.memref_slice %arg11[%add3A_105, %dma_wait3A_110] : memref<10240x64xf32, #tpu.memory_space<vmem_shared>> -> memref<128x64xf32, #tpu.memory_space<vmem_shared>>
        %dma_wait3A_112 = arith.constant 0 : i32
        %dma_wait3A_113 = tpu.memref_slice %arg11[%add3A_105, %dma_wait3A_112] : memref<10240x64xf32, #tpu.memory_space<vmem_shared>> -> memref<128x64xf32, #tpu.memory_space<vmem_shared>>
        tpu.wait_dma2 semaphore(%run_scoped3A : memref<!tpu.dma_semaphore, #tpu.memory_space<semaphore_mem>>) src(%arg9 : memref<128x64xf32, #tpu.memory_space<vmem>>) dst(%dma_wait3A_113 : memref<128x64xf32, #tpu.memory_space<vmem_shared>>)
        tpu.yield
      }) : () -> ()
    } else {
    }
    %barrier3A = arith.constant 0 : index
    tpu.barrier barrier_id(%barrier3A)
    %dma_wait3A = arith.constant 1 : i32
    %dma_wait3A_37 = arith.constant 0 : i32
    %dma_wait3A_38 = arith.constant 0 : i32
    %dma_wait3A_39 = tpu.memref_slice %arg3[%dma_wait3A, %dma_wait3A_37, %dma_wait3A_38] : memref<2x2500x128xi32, #tpu.memory_space<hbm>> -> memref<1x2500x128xi32, #tpu.memory_space<hbm>>
    %dma_wait3A_40 = tpu.memref_squeeze %dma_wait3A_39 : memref<1x2500x128xi32, #tpu.memory_space<hbm>> -> memref<2500x128xi32, #tpu.memory_space<hbm>>
    %dma_wait3A_41 = arith.constant 0 : i32
    %dma_wait3A_42 = tpu.memref_slice %dma_wait3A_40[%mul3A_4, %dma_wait3A_41] : memref<2500x128xi32, #tpu.memory_space<hbm>> -> memref<78x128xi32, #tpu.memory_space<hbm>>
    %dma_wait3A_43 = arith.constant 0 : i32
    %dma_wait3A_44 = arith.constant 0 : i32
    %dma_wait3A_45 = tpu.memref_slice %arg3[%dma_wait3A, %dma_wait3A_43, %dma_wait3A_44] : memref<2x2500x128xi32, #tpu.memory_space<hbm>> -> memref<1x2500x128xi32, #tpu.memory_space<hbm>>
    %dma_wait3A_46 = tpu.memref_squeeze %dma_wait3A_45 : memref<1x2500x128xi32, #tpu.memory_space<hbm>> -> memref<2500x128xi32, #tpu.memory_space<hbm>>
    %dma_wait3A_47 = arith.constant 0 : i32
    %dma_wait3A_48 = tpu.memref_slice %dma_wait3A_46[%mul3A_4, %dma_wait3A_47] : memref<2500x128xi32, #tpu.memory_space<hbm>> -> memref<78x128xi32, #tpu.memory_space<hbm>>
    tpu.wait_dma2 semaphore(%arg12 : memref<!tpu.dma_semaphore, #tpu.memory_space<semaphore_mem>>) src(%dma_wait3A_48 : memref<78x128xi32, #tpu.memory_space<hbm>>) dst(%arg6 : memref<78x128xi32, #tpu.memory_space<vmem>>)
    %dma_wait3A_49 = arith.constant 0 : i32
    %dma_wait3A_50 = arith.constant 0 : i32
    %dma_wait3A_51 = arith.constant 0 : i32
    %dma_wait3A_52 = tpu.memref_slice %arg3[%dma_wait3A_49, %dma_wait3A_50, %dma_wait3A_51] : memref<2x2500x128xi32, #tpu.memory_space<hbm>> -> memref<1x2500x128xi32, #tpu.memory_space<hbm>>
    %dma_wait3A_53 = tpu.memref_squeeze %dma_wait3A_52 : memref<1x2500x128xi32, #tpu.memory_space<hbm>> -> memref<2500x128xi32, #tpu.memory_space<hbm>>
    %dma_wait3A_54 = arith.constant 0 : i32
    %dma_wait3A_55 = tpu.memref_slice %dma_wait3A_53[%mul3A_4, %dma_wait3A_54] : memref<2500x128xi32, #tpu.memory_space<hbm>> -> memref<78x128xi32, #tpu.memory_space<hbm>>
    %dma_wait3A_56 = arith.constant 0 : i32
    %dma_wait3A_57 = arith.constant 0 : i32
    %dma_wait3A_58 = tpu.memref_slice %arg3[%dma_wait3A_49, %dma_wait3A_56, %dma_wait3A_57] : memref<2x2500x128xi32, #tpu.memory_space<hbm>> -> memref<1x2500x128xi32, #tpu.memory_space<hbm>>
    %dma_wait3A_59 = tpu.memref_squeeze %dma_wait3A_58 : memref<1x2500x128xi32, #tpu.memory_space<hbm>> -> memref<2500x128xi32, #tpu.memory_space<hbm>>
    %dma_wait3A_60 = arith.constant 0 : i32
    %dma_wait3A_61 = tpu.memref_slice %dma_wait3A_59[%mul3A_4, %dma_wait3A_60] : memref<2500x128xi32, #tpu.memory_space<hbm>> -> memref<78x128xi32, #tpu.memory_space<hbm>>
    tpu.wait_dma2 semaphore(%arg12 : memref<!tpu.dma_semaphore, #tpu.memory_space<semaphore_mem>>) src(%dma_wait3A_61 : memref<78x128xi32, #tpu.memory_space<hbm>>) dst(%arg5 : memref<78x128xi32, #tpu.memory_space<vmem>>)
    %dma_start3A_62 = arith.constant 0 : i32
    %dma_start3A_63 = arith.constant 0 : i32
    %dma_start3A_64 = tpu.memref_slice %arg5[%dma_start3A_62, %dma_start3A_63] : memref<78x128xi32, #tpu.memory_space<vmem>> -> memref<1x128xi32, #tpu.memory_space<vmem>>
    %dma_start3A_65 = tpu.memref_squeeze %dma_start3A_64 : memref<1x128xi32, #tpu.memory_space<vmem>> -> memref<128xi32, #tpu.memory_space<vmem>>
    %dma_start3A_66 = arith.constant 0 : i32
    %dma_start3A_67 = arith.constant 0 : i32
    %dma_start3A_68 = tpu.memref_slice %arg2[%dma_start3A_66, %dma_start3A_67] : memref<10240x64xf32, #tpu.memory_space<hbm>> -> memref<10240x64xf32, #tpu.memory_space<hbm>>
    tpu.enqueue_indirect_dma source(%dma_start3A_68 : memref<10240x64xf32, #tpu.memory_space<hbm>>) target(%arg9 : memref<128x64xf32, #tpu.memory_space<vmem>>) offsets(%dma_start3A_65 : memref<128xi32, #tpu.memory_space<vmem>>) semaphore(%arg13 : memref<!tpu.dma_semaphore, #tpu.memory_space<semaphore_mem>>)
    %dma_start3A_69 = arith.constant 1 : i32
    %dma_start3A_70 = arith.constant 0 : i32
    %dma_start3A_71 = tpu.memref_slice %arg5[%dma_start3A_69, %dma_start3A_70] : memref<78x128xi32, #tpu.memory_space<vmem>> -> memref<1x128xi32, #tpu.memory_space<vmem>>
    %dma_start3A_72 = tpu.memref_squeeze %dma_start3A_71 : memref<1x128xi32, #tpu.memory_space<vmem>> -> memref<128xi32, #tpu.memory_space<vmem>>
    %dma_start3A_73 = arith.constant 0 : i32
    %dma_start3A_74 = arith.constant 0 : i32
    %dma_start3A_75 = tpu.memref_slice %arg2[%dma_start3A_73, %dma_start3A_74] : memref<10240x64xf32, #tpu.memory_space<hbm>> -> memref<10240x64xf32, #tpu.memory_space<hbm>>
    tpu.enqueue_indirect_dma source(%dma_start3A_75 : memref<10240x64xf32, #tpu.memory_space<hbm>>) target(%arg10 : memref<128x64xf32, #tpu.memory_space<vmem>>) offsets(%dma_start3A_72 : memref<128xi32, #tpu.memory_space<vmem>>) semaphore(%arg14 : memref<!tpu.dma_semaphore, #tpu.memory_space<semaphore_mem>>)
    %scan3A = arith.constant 0 : i32
    %scan3A_76 = arith.constant 0 : i32
    %scan3A_77 = arith.constant 39 : i32
    %scan3A_78 = arith.addi %scan3A_76, %scan3A_77 : i32
    %scan3A_79 = arith.constant 1 : i32
    scf.for %scan3A_90 = %scan3A_76 to %scan3A_78 step %scan3A_79  : i32 {
      %mul3A_91 = arith.constant 2 : i32
      %mul3A_92 = arith.muli %mul3A_91, %scan3A_90 : i32
      %dma_wait3A_93 = arith.constant 0 : i32
      %dma_wait3A_94 = arith.constant 0 : i32
      %dma_wait3A_95 = tpu.memref_slice %arg5[%dma_wait3A_93, %dma_wait3A_94] : memref<78x128xi32, #tpu.memory_space<vmem>> -> memref<1x128xi32, #tpu.memory_space<vmem>>
      %dma_wait3A_96 = tpu.memref_squeeze %dma_wait3A_95 : memref<1x128xi32, #tpu.memory_space<vmem>> -> memref<128xi32, #tpu.memory_space<vmem>>
      %dma_wait3A_97 = arith.constant 0 : i32
      %dma_wait3A_98 = arith.constant 0 : i32
      %dma_wait3A_99 = tpu.memref_slice %arg2[%dma_wait3A_97, %dma_wait3A_98] : memref<10240x64xf32, #tpu.memory_space<hbm>> -> memref<10240x64xf32, #tpu.memory_space<hbm>>
      tpu.wait_indirect_dma semaphore(%arg13 : memref<!tpu.dma_semaphore, #tpu.memory_space<semaphore_mem>>) src(%dma_wait3A_99 : memref<10240x64xf32, #tpu.memory_space<hbm>>) dst(%arg9 : memref<128x64xf32, #tpu.memory_space<vmem>>)
      "tpu.region"() ({
        %run_scoped3A = tpu.sem_alloc : memref<!tpu.dma_semaphore, #tpu.memory_space<semaphore_mem>>
        %dma_start3A_119 = arith.constant 0 : i32
        %dma_start3A_120 = tpu.memref_slice %arg6[%mul3A_92, %dma_start3A_119] : memref<78x128xi32, #tpu.memory_space<vmem>> -> memref<1x128xi32, #tpu.memory_space<vmem>>
        %dma_start3A_121 = tpu.memref_squeeze %dma_start3A_120 : memref<1x128xi32, #tpu.memory_space<vmem>> -> memref<128xi32, #tpu.memory_space<vmem>>
        %dma_start3A_122 = arith.constant 0 : i32
        %dma_start3A_123 = arith.constant 0 : i32
        %dma_start3A_124 = tpu.memref_slice %arg11[%dma_start3A_122, %dma_start3A_123] : memref<10240x64xf32, #tpu.memory_space<vmem_shared>> -> memref<10240x64xf32, #tpu.memory_space<vmem_shared>>
        tpu.enqueue_indirect_dma source(%arg9 : memref<128x64xf32, #tpu.memory_space<vmem>>) target(%dma_start3A_124 : memref<10240x64xf32, #tpu.memory_space<vmem_shared>>) offsets(%dma_start3A_121 : memref<128xi32, #tpu.memory_space<vmem>>) semaphore(%run_scoped3A : memref<!tpu.dma_semaphore, #tpu.memory_space<semaphore_mem>>) {add = true}
        %dma_wait3A_125 = arith.constant 0 : i32
        %dma_wait3A_126 = tpu.memref_slice %arg6[%mul3A_92, %dma_wait3A_125] : memref<78x128xi32, #tpu.memory_space<vmem>> -> memref<1x128xi32, #tpu.memory_space<vmem>>
        %dma_wait3A_127 = tpu.memref_squeeze %dma_wait3A_126 : memref<1x128xi32, #tpu.memory_space<vmem>> -> memref<128xi32, #tpu.memory_space<vmem>>
        %dma_wait3A_128 = arith.constant 0 : i32
        %dma_wait3A_129 = arith.constant 0 : i32
        %dma_wait3A_130 = tpu.memref_slice %arg11[%dma_wait3A_128, %dma_wait3A_129] : memref<10240x64xf32, #tpu.memory_space<vmem_shared>> -> memref<10240x64xf32, #tpu.memory_space<vmem_shared>>
        tpu.wait_indirect_dma semaphore(%run_scoped3A : memref<!tpu.dma_semaphore, #tpu.memory_space<semaphore_mem>>) src(%arg9 : memref<128x64xf32, #tpu.memory_space<vmem>>) dst(%dma_wait3A_130 : memref<10240x64xf32, #tpu.memory_space<vmem_shared>>)
        tpu.yield
      }) : () -> ()
      %lt3A_100 = arith.constant 38 : i32
      %lt3A_101 = arith.cmpi slt, %scan3A_90, %lt3A_100 : i32
      %convert_element_type3A_102 = arith.extui %lt3A_101 : i1 to i32
      %cond3A_103 = arith.constant 0 : i32
      %cond3A_104 = arith.cmpi ne, %convert_element_type3A_102, %cond3A_103 : i32
      scf.if %cond3A_104 {
        %add3A_119 = arith.constant 2 : i32
        %add3A_120 = arith.addi %mul3A_92, %add3A_119 : i32
        %dma_start3A_121 = arith.constant 0 : i32
        %dma_start3A_122 = tpu.memref_slice %arg5[%add3A_120, %dma_start3A_121] : memref<78x128xi32, #tpu.memory_space<vmem>> -> memref<1x128xi32, #tpu.memory_space<vmem>>
        %dma_start3A_123 = tpu.memref_squeeze %dma_start3A_122 : memref<1x128xi32, #tpu.memory_space<vmem>> -> memref<128xi32, #tpu.memory_space<vmem>>
        %dma_start3A_124 = arith.constant 0 : i32
        %dma_start3A_125 = arith.constant 0 : i32
        %dma_start3A_126 = tpu.memref_slice %arg2[%dma_start3A_124, %dma_start3A_125] : memref<10240x64xf32, #tpu.memory_space<hbm>> -> memref<10240x64xf32, #tpu.memory_space<hbm>>
        tpu.enqueue_indirect_dma source(%dma_start3A_126 : memref<10240x64xf32, #tpu.memory_space<hbm>>) target(%arg9 : memref<128x64xf32, #tpu.memory_space<vmem>>) offsets(%dma_start3A_123 : memref<128xi32, #tpu.memory_space<vmem>>) semaphore(%arg13 : memref<!tpu.dma_semaphore, #tpu.memory_space<semaphore_mem>>)
      } else {
      }
      %dma_wait3A_105 = arith.constant 0 : i32
      %dma_wait3A_106 = arith.constant 0 : i32
      %dma_wait3A_107 = tpu.memref_slice %arg5[%dma_wait3A_105, %dma_wait3A_106] : memref<78x128xi32, #tpu.memory_space<vmem>> -> memref<1x128xi32, #tpu.memory_space<vmem>>
      %dma_wait3A_108 = tpu.memref_squeeze %dma_wait3A_107 : memref<1x128xi32, #tpu.memory_space<vmem>> -> memref<128xi32, #tpu.memory_space<vmem>>
      %dma_wait3A_109 = arith.constant 0 : i32
      %dma_wait3A_110 = arith.constant 0 : i32
      %dma_wait3A_111 = tpu.memref_slice %arg2[%dma_wait3A_109, %dma_wait3A_110] : memref<10240x64xf32, #tpu.memory_space<hbm>> -> memref<10240x64xf32, #tpu.memory_space<hbm>>
      tpu.wait_indirect_dma semaphore(%arg14 : memref<!tpu.dma_semaphore, #tpu.memory_space<semaphore_mem>>) src(%dma_wait3A_111 : memref<10240x64xf32, #tpu.memory_space<hbm>>) dst(%arg10 : memref<128x64xf32, #tpu.memory_space<vmem>>)
      %add3A_112 = arith.constant 1 : i32
      %add3A_113 = arith.addi %mul3A_92, %add3A_112 : i32
      "tpu.region"() ({
        %run_scoped3A = tpu.sem_alloc : memref<!tpu.dma_semaphore, #tpu.memory_space<semaphore_mem>>
        %dma_start3A_119 = arith.constant 0 : i32
        %dma_start3A_120 = tpu.memref_slice %arg6[%add3A_113, %dma_start3A_119] : memref<78x128xi32, #tpu.memory_space<vmem>> -> memref<1x128xi32, #tpu.memory_space<vmem>>
        %dma_start3A_121 = tpu.memref_squeeze %dma_start3A_120 : memref<1x128xi32, #tpu.memory_space<vmem>> -> memref<128xi32, #tpu.memory_space<vmem>>
        %dma_start3A_122 = arith.constant 0 : i32
        %dma_start3A_123 = arith.constant 0 : i32
        %dma_start3A_124 = tpu.memref_slice %arg11[%dma_start3A_122, %dma_start3A_123] : memref<10240x64xf32, #tpu.memory_space<vmem_shared>> -> memref<10240x64xf32, #tpu.memory_space<vmem_shared>>
        tpu.enqueue_indirect_dma source(%arg10 : memref<128x64xf32, #tpu.memory_space<vmem>>) target(%dma_start3A_124 : memref<10240x64xf32, #tpu.memory_space<vmem_shared>>) offsets(%dma_start3A_121 : memref<128xi32, #tpu.memory_space<vmem>>) semaphore(%run_scoped3A : memref<!tpu.dma_semaphore, #tpu.memory_space<semaphore_mem>>) {add = true}
        %dma_wait3A_125 = arith.constant 0 : i32
        %dma_wait3A_126 = tpu.memref_slice %arg6[%add3A_113, %dma_wait3A_125] : memref<78x128xi32, #tpu.memory_space<vmem>> -> memref<1x128xi32, #tpu.memory_space<vmem>>
        %dma_wait3A_127 = tpu.memref_squeeze %dma_wait3A_126 : memref<1x128xi32, #tpu.memory_space<vmem>> -> memref<128xi32, #tpu.memory_space<vmem>>
        %dma_wait3A_128 = arith.constant 0 : i32
        %dma_wait3A_129 = arith.constant 0 : i32
        %dma_wait3A_130 = tpu.memref_slice %arg11[%dma_wait3A_128, %dma_wait3A_129] : memref<10240x64xf32, #tpu.memory_space<vmem_shared>> -> memref<10240x64xf32, #tpu.memory_space<vmem_shared>>
        tpu.wait_indirect_dma semaphore(%run_scoped3A : memref<!tpu.dma_semaphore, #tpu.memory_space<semaphore_mem>>) src(%arg10 : memref<128x64xf32, #tpu.memory_space<vmem>>) dst(%dma_wait3A_130 : memref<10240x64xf32, #tpu.memory_space<vmem_shared>>)
        tpu.yield
      }) : () -> ()
      %lt3A_114 = arith.constant 38 : i32
      %lt3A_115 = arith.cmpi slt, %scan3A_90, %lt3A_114 : i32
      %convert_element_type3A_116 = arith.extui %lt3A_115 : i1 to i32
      %cond3A_117 = arith.constant 0 : i32
      %cond3A_118 = arith.cmpi ne, %convert_element_type3A_116, %cond3A_117 : i32
      scf.if %cond3A_118 {
        %add3A_119 = arith.constant 3 : i32
        %add3A_120 = arith.addi %mul3A_92, %add3A_119 : i32
        %dma_start3A_121 = arith.constant 0 : i32
        %dma_start3A_122 = tpu.memref_slice %arg5[%add3A_120, %dma_start3A_121] : memref<78x128xi32, #tpu.memory_space<vmem>> -> memref<1x128xi32, #tpu.memory_space<vmem>>
        %dma_start3A_123 = tpu.memref_squeeze %dma_start3A_122 : memref<1x128xi32, #tpu.memory_space<vmem>> -> memref<128xi32, #tpu.memory_space<vmem>>
        %dma_start3A_124 = arith.constant 0 : i32
        %dma_start3A_125 = arith.constant 0 : i32
        %dma_start3A_126 = tpu.memref_slice %arg2[%dma_start3A_124, %dma_start3A_125] : memref<10240x64xf32, #tpu.memory_space<hbm>> -> memref<10240x64xf32, #tpu.memory_space<hbm>>
        tpu.enqueue_indirect_dma source(%dma_start3A_126 : memref<10240x64xf32, #tpu.memory_space<hbm>>) target(%arg10 : memref<128x64xf32, #tpu.memory_space<vmem>>) offsets(%dma_start3A_123 : memref<128xi32, #tpu.memory_space<vmem>>) semaphore(%arg14 : memref<!tpu.dma_semaphore, #tpu.memory_space<semaphore_mem>>)
      } else {
      }
    }
    %scan3A_80 = arith.constant 39 : i32
    %lt3A = arith.constant 4 : i32
    %lt3A_81 = arith.cmpi slt, %add3A, %lt3A : i32
    %convert_element_type3A_82 = arith.extui %lt3A_81 : i1 to i32
    %cond3A_83 = arith.constant 0 : i32
    %cond3A_84 = arith.constant 1 : i32
    %cond3A_85 = arith.constant 0 : i32
    %cond3A_86 = arith.cmpi ne, %convert_element_type3A_82, %cond3A_85 : i32
    scf.if %cond3A_86 {
      %add3A_90 = arith.constant 2496 : i32
      %add3A_91 = arith.addi %add3A_90, %add3A : i32
      "tpu.region"() ({
        %run_scoped3A = tpu.sem_alloc : memref<!tpu.dma_semaphore, #tpu.memory_space<semaphore_mem>>
        %dma_start3A_98 = arith.constant 0 : i32
        %dma_start3A_99 = arith.constant 0 : i32
        %dma_start3A_100 = tpu.memref_slice %arg3[%cond3A_83, %dma_start3A_98, %dma_start3A_99] : memref<2x2500x128xi32, #tpu.memory_space<hbm>> -> memref<1x2500x128xi32, #tpu.memory_space<hbm>>
        %dma_start3A_101 = tpu.memref_squeeze %dma_start3A_100 : memref<1x2500x128xi32, #tpu.memory_space<hbm>> -> memref<2500x128xi32, #tpu.memory_space<hbm>>
        %dma_start3A_102 = arith.constant 0 : i32
        %dma_start3A_103 = tpu.memref_slice %dma_start3A_101[%add3A_91, %dma_start3A_102] : memref<2500x128xi32, #tpu.memory_space<hbm>> -> memref<1x128xi32, #tpu.memory_space<hbm>>
        %dma_start3A_104 = tpu.memref_squeeze %dma_start3A_103 : memref<1x128xi32, #tpu.memory_space<hbm>> -> memref<128xi32, #tpu.memory_space<hbm>>
        %dma_start3A_105 = arith.constant 0 : i32
        %dma_start3A_106 = arith.constant 0 : i32
        %dma_start3A_107 = tpu.memref_slice %arg3[%cond3A_83, %dma_start3A_105, %dma_start3A_106] : memref<2x2500x128xi32, #tpu.memory_space<hbm>> -> memref<1x2500x128xi32, #tpu.memory_space<hbm>>
        %dma_start3A_108 = tpu.memref_squeeze %dma_start3A_107 : memref<1x2500x128xi32, #tpu.memory_space<hbm>> -> memref<2500x128xi32, #tpu.memory_space<hbm>>
        %dma_start3A_109 = arith.constant 0 : i32
        %dma_start3A_110 = tpu.memref_slice %dma_start3A_108[%add3A_91, %dma_start3A_109] : memref<2500x128xi32, #tpu.memory_space<hbm>> -> memref<1x128xi32, #tpu.memory_space<hbm>>
        %dma_start3A_111 = tpu.memref_squeeze %dma_start3A_110 : memref<1x128xi32, #tpu.memory_space<hbm>> -> memref<128xi32, #tpu.memory_space<hbm>>
        tpu.enqueue_dma source(%dma_start3A_111 : memref<128xi32, #tpu.memory_space<hbm>>) target(%arg7 : memref<128xi32, #tpu.memory_space<vmem>>) target_semaphore(%run_scoped3A : memref<!tpu.dma_semaphore, #tpu.memory_space<semaphore_mem>>)
        %dma_wait3A_112 = arith.constant 0 : i32
        %dma_wait3A_113 = arith.constant 0 : i32
        %dma_wait3A_114 = tpu.memref_slice %arg3[%cond3A_83, %dma_wait3A_112, %dma_wait3A_113] : memref<2x2500x128xi32, #tpu.memory_space<hbm>> -> memref<1x2500x128xi32, #tpu.memory_space<hbm>>
        %dma_wait3A_115 = tpu.memref_squeeze %dma_wait3A_114 : memref<1x2500x128xi32, #tpu.memory_space<hbm>> -> memref<2500x128xi32, #tpu.memory_space<hbm>>
        %dma_wait3A_116 = arith.constant 0 : i32
        %dma_wait3A_117 = tpu.memref_slice %dma_wait3A_115[%add3A_91, %dma_wait3A_116] : memref<2500x128xi32, #tpu.memory_space<hbm>> -> memref<1x128xi32, #tpu.memory_space<hbm>>
        %dma_wait3A_118 = tpu.memref_squeeze %dma_wait3A_117 : memref<1x128xi32, #tpu.memory_space<hbm>> -> memref<128xi32, #tpu.memory_space<hbm>>
        %dma_wait3A_119 = arith.constant 0 : i32
        %dma_wait3A_120 = arith.constant 0 : i32
        %dma_wait3A_121 = tpu.memref_slice %arg3[%cond3A_83, %dma_wait3A_119, %dma_wait3A_120] : memref<2x2500x128xi32, #tpu.memory_space<hbm>> -> memref<1x2500x128xi32, #tpu.memory_space<hbm>>
        %dma_wait3A_122 = tpu.memref_squeeze %dma_wait3A_121 : memref<1x2500x128xi32, #tpu.memory_space<hbm>> -> memref<2500x128xi32, #tpu.memory_space<hbm>>
        %dma_wait3A_123 = arith.constant 0 : i32
        %dma_wait3A_124 = tpu.memref_slice %dma_wait3A_122[%add3A_91, %dma_wait3A_123] : memref<2500x128xi32, #tpu.memory_space<hbm>> -> memref<1x128xi32, #tpu.memory_space<hbm>>
        %dma_wait3A_125 = tpu.memref_squeeze %dma_wait3A_124 : memref<1x128xi32, #tpu.memory_space<hbm>> -> memref<128xi32, #tpu.memory_space<hbm>>
        tpu.wait_dma2 semaphore(%run_scoped3A : memref<!tpu.dma_semaphore, #tpu.memory_space<semaphore_mem>>) src(%dma_wait3A_125 : memref<128xi32, #tpu.memory_space<hbm>>) dst(%arg7 : memref<128xi32, #tpu.memory_space<vmem>>)
        tpu.yield
      }) : () -> ()
      "tpu.region"() ({
        %run_scoped3A = tpu.sem_alloc : memref<!tpu.dma_semaphore, #tpu.memory_space<semaphore_mem>>
        %dma_start3A_98 = arith.constant 0 : i32
        %dma_start3A_99 = arith.constant 0 : i32
        %dma_start3A_100 = tpu.memref_slice %arg3[%cond3A_84, %dma_start3A_98, %dma_start3A_99] : memref<2x2500x128xi32, #tpu.memory_space<hbm>> -> memref<1x2500x128xi32, #tpu.memory_space<hbm>>
        %dma_start3A_101 = tpu.memref_squeeze %dma_start3A_100 : memref<1x2500x128xi32, #tpu.memory_space<hbm>> -> memref<2500x128xi32, #tpu.memory_space<hbm>>
        %dma_start3A_102 = arith.constant 0 : i32
        %dma_start3A_103 = tpu.memref_slice %dma_start3A_101[%add3A_91, %dma_start3A_102] : memref<2500x128xi32, #tpu.memory_space<hbm>> -> memref<1x128xi32, #tpu.memory_space<hbm>>
        %dma_start3A_104 = tpu.memref_squeeze %dma_start3A_103 : memref<1x128xi32, #tpu.memory_space<hbm>> -> memref<128xi32, #tpu.memory_space<hbm>>
        %dma_start3A_105 = arith.constant 0 : i32
        %dma_start3A_106 = arith.constant 0 : i32
        %dma_start3A_107 = tpu.memref_slice %arg3[%cond3A_84, %dma_start3A_105, %dma_start3A_106] : memref<2x2500x128xi32, #tpu.memory_space<hbm>> -> memref<1x2500x128xi32, #tpu.memory_space<hbm>>
        %dma_start3A_108 = tpu.memref_squeeze %dma_start3A_107 : memref<1x2500x128xi32, #tpu.memory_space<hbm>> -> memref<2500x128xi32, #tpu.memory_space<hbm>>
        %dma_start3A_109 = arith.constant 0 : i32
        %dma_start3A_110 = tpu.memref_slice %dma_start3A_108[%add3A_91, %dma_start3A_109] : memref<2500x128xi32, #tpu.memory_space<hbm>> -> memref<1x128xi32, #tpu.memory_space<hbm>>
        %dma_start3A_111 = tpu.memref_squeeze %dma_start3A_110 : memref<1x128xi32, #tpu.memory_space<hbm>> -> memref<128xi32, #tpu.memory_space<hbm>>
        tpu.enqueue_dma source(%dma_start3A_111 : memref<128xi32, #tpu.memory_space<hbm>>) target(%arg8 : memref<128xi32, #tpu.memory_space<vmem>>) target_semaphore(%run_scoped3A : memref<!tpu.dma_semaphore, #tpu.memory_space<semaphore_mem>>)
        %dma_wait3A_112 = arith.constant 0 : i32
        %dma_wait3A_113 = arith.constant 0 : i32
        %dma_wait3A_114 = tpu.memref_slice %arg3[%cond3A_84, %dma_wait3A_112, %dma_wait3A_113] : memref<2x2500x128xi32, #tpu.memory_space<hbm>> -> memref<1x2500x128xi32, #tpu.memory_space<hbm>>
        %dma_wait3A_115 = tpu.memref_squeeze %dma_wait3A_114 : memref<1x2500x128xi32, #tpu.memory_space<hbm>> -> memref<2500x128xi32, #tpu.memory_space<hbm>>
        %dma_wait3A_116 = arith.constant 0 : i32
        %dma_wait3A_117 = tpu.memref_slice %dma_wait3A_115[%add3A_91, %dma_wait3A_116] : memref<2500x128xi32, #tpu.memory_space<hbm>> -> memref<1x128xi32, #tpu.memory_space<hbm>>
        %dma_wait3A_118 = tpu.memref_squeeze %dma_wait3A_117 : memref<1x128xi32, #tpu.memory_space<hbm>> -> memref<128xi32, #tpu.memory_space<hbm>>
        %dma_wait3A_119 = arith.constant 0 : i32
        %dma_wait3A_120 = arith.constant 0 : i32
        %dma_wait3A_121 = tpu.memref_slice %arg3[%cond3A_84, %dma_wait3A_119, %dma_wait3A_120] : memref<2x2500x128xi32, #tpu.memory_space<hbm>> -> memref<1x2500x128xi32, #tpu.memory_space<hbm>>
        %dma_wait3A_122 = tpu.memref_squeeze %dma_wait3A_121 : memref<1x2500x128xi32, #tpu.memory_space<hbm>> -> memref<2500x128xi32, #tpu.memory_space<hbm>>
        %dma_wait3A_123 = arith.constant 0 : i32
        %dma_wait3A_124 = tpu.memref_slice %dma_wait3A_122[%add3A_91, %dma_wait3A_123] : memref<2500x128xi32, #tpu.memory_space<hbm>> -> memref<1x128xi32, #tpu.memory_space<hbm>>
        %dma_wait3A_125 = tpu.memref_squeeze %dma_wait3A_124 : memref<1x128xi32, #tpu.memory_space<hbm>> -> memref<128xi32, #tpu.memory_space<hbm>>
        tpu.wait_dma2 semaphore(%run_scoped3A : memref<!tpu.dma_semaphore, #tpu.memory_space<semaphore_mem>>) src(%dma_wait3A_125 : memref<128xi32, #tpu.memory_space<hbm>>) dst(%arg8 : memref<128xi32, #tpu.memory_space<vmem>>)
        tpu.yield
      }) : () -> ()
      %dma_start3A_92 = arith.constant 0 : i32
      %dma_start3A_93 = arith.constant 0 : i32
      %dma_start3A_94 = tpu.memref_slice %arg2[%dma_start3A_92, %dma_start3A_93] : memref<10240x64xf32, #tpu.memory_space<hbm>> -> memref<10240x64xf32, #tpu.memory_space<hbm>>
      tpu.enqueue_indirect_dma source(%dma_start3A_94 : memref<10240x64xf32, #tpu.memory_space<hbm>>) target(%arg9 : memref<128x64xf32, #tpu.memory_space<vmem>>) offsets(%arg7 : memref<128xi32, #tpu.memory_space<vmem>>) semaphore(%arg17 : memref<!tpu.dma_semaphore, #tpu.memory_space<semaphore_mem>>)
      %dma_wait3A_95 = arith.constant 0 : i32
      %dma_wait3A_96 = arith.constant 0 : i32
      %dma_wait3A_97 = tpu.memref_slice %arg2[%dma_wait3A_95, %dma_wait3A_96] : memref<10240x64xf32, #tpu.memory_space<hbm>> -> memref<10240x64xf32, #tpu.memory_space<hbm>>
      tpu.wait_indirect_dma semaphore(%arg17 : memref<!tpu.dma_semaphore, #tpu.memory_space<semaphore_mem>>) src(%dma_wait3A_97 : memref<10240x64xf32, #tpu.memory_space<hbm>>) dst(%arg9 : memref<128x64xf32, #tpu.memory_space<vmem>>)
      "tpu.region"() ({
        %run_scoped3A = tpu.sem_alloc : memref<!tpu.dma_semaphore, #tpu.memory_space<semaphore_mem>>
        %dma_start3A_98 = arith.constant 0 : i32
        %dma_start3A_99 = arith.constant 0 : i32
        %dma_start3A_100 = tpu.memref_slice %arg11[%dma_start3A_98, %dma_start3A_99] : memref<10240x64xf32, #tpu.memory_space<vmem_shared>> -> memref<10240x64xf32, #tpu.memory_space<vmem_shared>>
        tpu.enqueue_indirect_dma source(%arg9 : memref<128x64xf32, #tpu.memory_space<vmem>>) target(%dma_start3A_100 : memref<10240x64xf32, #tpu.memory_space<vmem_shared>>) offsets(%arg8 : memref<128xi32, #tpu.memory_space<vmem>>) semaphore(%run_scoped3A : memref<!tpu.dma_semaphore, #tpu.memory_space<semaphore_mem>>) {add = true}
        %dma_wait3A_101 = arith.constant 0 : i32
        %dma_wait3A_102 = arith.constant 0 : i32
        %dma_wait3A_103 = tpu.memref_slice %arg11[%dma_wait3A_101, %dma_wait3A_102] : memref<10240x64xf32, #tpu.memory_space<vmem_shared>> -> memref<10240x64xf32, #tpu.memory_space<vmem_shared>>
        tpu.wait_indirect_dma semaphore(%run_scoped3A : memref<!tpu.dma_semaphore, #tpu.memory_space<semaphore_mem>>) src(%arg9 : memref<128x64xf32, #tpu.memory_space<vmem>>) dst(%dma_wait3A_103 : memref<10240x64xf32, #tpu.memory_space<vmem_shared>>)
        tpu.yield
      }) : () -> ()
    } else {
    }
    %barrier3A_87 = arith.constant 0 : index
    tpu.barrier barrier_id(%barrier3A_87)
    %mul3A_88 = arith.constant 64 : i32
    %mul3A_89 = arith.muli %mul3A_88, %arg0 : i32
    "tpu.region"() ({
      %run_scoped3A = tpu.sem_alloc : memref<!tpu.dma_semaphore, #tpu.memory_space<semaphore_mem>>
      %dma_start3A_90 = tpu.memref_slice %arg4[%mul3A_2, %mul3A_89] : memref<10240x128xf32, #tpu.memory_space<hbm>> -> memref<640x64xf32, #tpu.memory_space<hbm>>
      %dma_start3A_91 = arith.constant 0 : i32
      %dma_start3A_92 = tpu.memref_slice %arg11[%mul3A_2, %dma_start3A_91] : memref<10240x64xf32, #tpu.memory_space<vmem_shared>> -> memref<640x64xf32, #tpu.memory_space<vmem_shared>>
      tpu.enqueue_dma source(%dma_start3A_92 : memref<640x64xf32, #tpu.memory_space<vmem_shared>>) target(%dma_start3A_90 : memref<640x64xf32, #tpu.memory_space<hbm>>) target_semaphore(%run_scoped3A : memref<!tpu.dma_semaphore, #tpu.memory_space<semaphore_mem>>)
      %dma_wait3A_93 = tpu.memref_slice %arg4[%mul3A_2, %mul3A_89] : memref<10240x128xf32, #tpu.memory_space<hbm>> -> memref<640x64xf32, #tpu.memory_space<hbm>>
      %dma_wait3A_94 = arith.constant 0 : i32
      %dma_wait3A_95 = tpu.memref_slice %arg11[%mul3A_2, %dma_wait3A_94] : memref<10240x64xf32, #tpu.memory_space<vmem_shared>> -> memref<640x64xf32, #tpu.memory_space<vmem_shared>>
      tpu.wait_dma2 semaphore(%run_scoped3A : memref<!tpu.dma_semaphore, #tpu.memory_space<semaphore_mem>>) src(%dma_wait3A_95 : memref<640x64xf32, #tpu.memory_space<vmem_shared>>) dst(%dma_wait3A_93 : memref<640x64xf32, #tpu.memory_space<hbm>>)
      tpu.yield
    }) : () -> ()
    return
  }
}

#map = affine_map<(d0, d1) -> (0, 0)>
#map1 = affine_map<(d0, d1) -> (0, 0, 0)>
module attributes {stable_mosaic.version = 14 : i64} {
  func.func @body(%arg0: i32, %arg1: i32, %arg2: memref<10240x128xf32, #tpu.memory_space<hbm>>, %arg3: memref<2x2500x128xi32, #tpu.memory_space<hbm>>, %arg4: memref<10240x128xf32, #tpu.memory_space<hbm>>, %arg5: memref<10240x128xf32, #tpu.memory_space<hbm>>, %arg6: memref<1x128xi32, #tpu.memory_space<vmem>>, %arg7: memref<78x128xi32, #tpu.memory_space<vmem>>, %arg8: memref<128xi32, #tpu.memory_space<vmem>>, %arg9: memref<128xi32, #tpu.memory_space<vmem>>, %arg10: memref<128x128xf32, #tpu.memory_space<vmem>>, %arg11: memref<128x128xf32, #tpu.memory_space<vmem>>, %arg12: memref<10240x128xf32, #tpu.memory_space<vmem_shared>>, %arg13: memref<!tpu.dma_semaphore, #tpu.memory_space<semaphore_mem>>, %arg14: memref<!tpu.dma_semaphore, #tpu.memory_space<semaphore_mem>>, %arg15: memref<!tpu.dma_semaphore, #tpu.memory_space<semaphore_mem>>, %arg16: memref<!tpu.dma_semaphore, #tpu.memory_space<semaphore_mem>>, %arg17: memref<!tpu.dma_semaphore, #tpu.memory_space<semaphore_mem>>, %arg18: memref<!tpu.dma_semaphore, #tpu.memory_space<semaphore_mem>>) attributes {dimension_semantics = [#tpu.dimension_semantics<core_parallel>, #tpu.dimension_semantics<subcore_parallel>], iteration_bounds = array<i64: 2, 16>, scalar_prefetch = 0 : i64, scratch_operands = 13 : i64, tpu.core_type = #tpu.core_type<sc_vector_subcore>, window_params = [{transform_indices = #map}, {transform_indices = #map1}, {transform_indices = #map}, {transform_indices = #map}]} {
    %mul3A = arith.constant 2 : i32
    %mul3A_0 = arith.muli %arg1, %mul3A : i32
    %add3A = arith.addi %mul3A_0, %arg0 : i32
    %mul3A_1 = arith.constant 640 : i32
    %mul3A_2 = arith.muli %arg1, %mul3A_1 : i32
    %mul3A_3 = arith.constant 78 : i32
    %mul3A_4 = arith.muli %add3A, %mul3A_3 : i32
    %dma_start3A = arith.constant 1 : i32
    %dma_start3A_5 = arith.constant 0 : i32
    %dma_start3A_6 = arith.constant 0 : i32
    %dma_start3A_7 = tpu.memref_slice %arg3[%dma_start3A, %dma_start3A_5, %dma_start3A_6] : memref<2x2500x128xi32, #tpu.memory_space<hbm>> -> memref<1x2500x128xi32, #tpu.memory_space<hbm>>
    %dma_start3A_8 = tpu.memref_squeeze %dma_start3A_7 : memref<1x2500x128xi32, #tpu.memory_space<hbm>> -> memref<2500x128xi32, #tpu.memory_space<hbm>>
    %dma_start3A_9 = arith.constant 0 : i32
    %dma_start3A_10 = tpu.memref_slice %dma_start3A_8[%mul3A_4, %dma_start3A_9] : memref<2500x128xi32, #tpu.memory_space<hbm>> -> memref<78x128xi32, #tpu.memory_space<hbm>>
    %dma_start3A_11 = arith.constant 0 : i32
    %dma_start3A_12 = arith.constant 0 : i32
    %dma_start3A_13 = tpu.memref_slice %arg3[%dma_start3A, %dma_start3A_11, %dma_start3A_12] : memref<2x2500x128xi32, #tpu.memory_space<hbm>> -> memref<1x2500x128xi32, #tpu.memory_space<hbm>>
    %dma_start3A_14 = tpu.memref_squeeze %dma_start3A_13 : memref<1x2500x128xi32, #tpu.memory_space<hbm>> -> memref<2500x128xi32, #tpu.memory_space<hbm>>
    %dma_start3A_15 = arith.constant 0 : i32
    %dma_start3A_16 = tpu.memref_slice %dma_start3A_14[%mul3A_4, %dma_start3A_15] : memref<2500x128xi32, #tpu.memory_space<hbm>> -> memref<78x128xi32, #tpu.memory_space<hbm>>
    tpu.enqueue_dma source(%dma_start3A_16 : memref<78x128xi32, #tpu.memory_space<hbm>>) target(%arg7 : memref<78x128xi32, #tpu.memory_space<vmem>>) target_semaphore(%arg13 : memref<!tpu.dma_semaphore, #tpu.memory_space<semaphore_mem>>)
    %dma_start3A_17 = arith.constant 0 : i32
    %dma_start3A_18 = arith.constant 0 : i32
    %dma_start3A_19 = arith.constant 0 : i32
    %dma_start3A_20 = tpu.memref_slice %arg3[%dma_start3A_17, %dma_start3A_18, %dma_start3A_19] : memref<2x2500x128xi32, #tpu.memory_space<hbm>> -> memref<1x2500x128xi32, #tpu.memory_space<hbm>>
    %dma_start3A_21 = tpu.memref_squeeze %dma_start3A_20 : memref<1x2500x128xi32, #tpu.memory_space<hbm>> -> memref<2500x128xi32, #tpu.memory_space<hbm>>
    %dma_start3A_22 = arith.constant 0 : i32
    %dma_start3A_23 = tpu.memref_slice %dma_start3A_21[%mul3A_4, %dma_start3A_22] : memref<2500x128xi32, #tpu.memory_space<hbm>> -> memref<1x128xi32, #tpu.memory_space<hbm>>
    %dma_start3A_24 = tpu.memref_squeeze %dma_start3A_23 : memref<1x128xi32, #tpu.memory_space<hbm>> -> memref<128xi32, #tpu.memory_space<hbm>>
    %dma_start3A_25 = arith.constant 0 : i32
    %dma_start3A_26 = arith.constant 0 : i32
    %dma_start3A_27 = tpu.memref_slice %arg3[%dma_start3A_17, %dma_start3A_25, %dma_start3A_26] : memref<2x2500x128xi32, #tpu.memory_space<hbm>> -> memref<1x2500x128xi32, #tpu.memory_space<hbm>>
    %dma_start3A_28 = tpu.memref_squeeze %dma_start3A_27 : memref<1x2500x128xi32, #tpu.memory_space<hbm>> -> memref<2500x128xi32, #tpu.memory_space<hbm>>
    %dma_start3A_29 = arith.constant 0 : i32
    %dma_start3A_30 = tpu.memref_slice %dma_start3A_28[%mul3A_4, %dma_start3A_29] : memref<2500x128xi32, #tpu.memory_space<hbm>> -> memref<1x128xi32, #tpu.memory_space<hbm>>
    %dma_start3A_31 = tpu.memref_squeeze %dma_start3A_30 : memref<1x128xi32, #tpu.memory_space<hbm>> -> memref<128xi32, #tpu.memory_space<hbm>>
    tpu.enqueue_dma source(%dma_start3A_31 : memref<128xi32, #tpu.memory_space<hbm>>) target(%arg8 : memref<128xi32, #tpu.memory_space<vmem>>) target_semaphore(%arg16 : memref<!tpu.dma_semaphore, #tpu.memory_space<semaphore_mem>>)
    %add3A_32 = arith.constant 1 : i32
    %add3A_33 = arith.addi %mul3A_4, %add3A_32 : i32
    %dma_start3A_34 = arith.constant 0 : i32
    %dma_start3A_35 = arith.constant 0 : i32
    %dma_start3A_36 = arith.constant 0 : i32
    %dma_start3A_37 = tpu.memref_slice %arg3[%dma_start3A_34, %dma_start3A_35, %dma_start3A_36] : memref<2x2500x128xi32, #tpu.memory_space<hbm>> -> memref<1x2500x128xi32, #tpu.memory_space<hbm>>
    %dma_start3A_38 = tpu.memref_squeeze %dma_start3A_37 : memref<1x2500x128xi32, #tpu.memory_space<hbm>> -> memref<2500x128xi32, #tpu.memory_space<hbm>>
    %dma_start3A_39 = arith.constant 0 : i32
    %dma_start3A_40 = tpu.memref_slice %dma_start3A_38[%add3A_33, %dma_start3A_39] : memref<2500x128xi32, #tpu.memory_space<hbm>> -> memref<1x128xi32, #tpu.memory_space<hbm>>
    %dma_start3A_41 = tpu.memref_squeeze %dma_start3A_40 : memref<1x128xi32, #tpu.memory_space<hbm>> -> memref<128xi32, #tpu.memory_space<hbm>>
    %dma_start3A_42 = arith.constant 0 : i32
    %dma_start3A_43 = arith.constant 0 : i32
    %dma_start3A_44 = tpu.memref_slice %arg3[%dma_start3A_34, %dma_start3A_42, %dma_start3A_43] : memref<2x2500x128xi32, #tpu.memory_space<hbm>> -> memref<1x2500x128xi32, #tpu.memory_space<hbm>>
    %dma_start3A_45 = tpu.memref_squeeze %dma_start3A_44 : memref<1x2500x128xi32, #tpu.memory_space<hbm>> -> memref<2500x128xi32, #tpu.memory_space<hbm>>
    %dma_start3A_46 = arith.constant 0 : i32
    %dma_start3A_47 = tpu.memref_slice %dma_start3A_45[%add3A_33, %dma_start3A_46] : memref<2500x128xi32, #tpu.memory_space<hbm>> -> memref<1x128xi32, #tpu.memory_space<hbm>>
    %dma_start3A_48 = tpu.memref_squeeze %dma_start3A_47 : memref<1x128xi32, #tpu.memory_space<hbm>> -> memref<128xi32, #tpu.memory_space<hbm>>
    tpu.enqueue_dma source(%dma_start3A_48 : memref<128xi32, #tpu.memory_space<hbm>>) target(%arg9 : memref<128xi32, #tpu.memory_space<vmem>>) target_semaphore(%arg17 : memref<!tpu.dma_semaphore, #tpu.memory_space<semaphore_mem>>)
    %eq3A = arith.constant 0 : i32
    %eq3A_49 = arith.cmpi eq, %arg0, %eq3A : i32
    %convert_element_type3A = arith.extui %eq3A_49 : i1 to i32
    %cond3A = arith.constant 0 : i32
    %cond3A_50 = arith.cmpi ne, %convert_element_type3A, %cond3A : i32
    scf.if %cond3A_50 {
      "tpu.region"() ({
        %run_scoped3A = tpu.sem_alloc : memref<!tpu.dma_semaphore, #tpu.memory_space<semaphore_mem>>
        %dma_start3A_127 = arith.constant 0 : i32
        %dma_start3A_128 = tpu.memref_slice %arg12[%mul3A_2, %dma_start3A_127] : memref<10240x128xf32, #tpu.memory_space<vmem_shared>> -> memref<640x128xf32, #tpu.memory_space<vmem_shared>>
        %dma_start3A_129 = arith.constant 0 : i32
        %dma_start3A_130 = tpu.memref_slice %arg2[%mul3A_2, %dma_start3A_129] : memref<10240x128xf32, #tpu.memory_space<hbm>> -> memref<640x128xf32, #tpu.memory_space<hbm>>
        tpu.enqueue_dma source(%dma_start3A_130 : memref<640x128xf32, #tpu.memory_space<hbm>>) target(%dma_start3A_128 : memref<640x128xf32, #tpu.memory_space<vmem_shared>>) target_semaphore(%run_scoped3A : memref<!tpu.dma_semaphore, #tpu.memory_space<semaphore_mem>>)
        %dma_wait3A_131 = arith.constant 0 : i32
        %dma_wait3A_132 = tpu.memref_slice %arg12[%mul3A_2, %dma_wait3A_131] : memref<10240x128xf32, #tpu.memory_space<vmem_shared>> -> memref<640x128xf32, #tpu.memory_space<vmem_shared>>
        %dma_wait3A_133 = arith.constant 0 : i32
        %dma_wait3A_134 = tpu.memref_slice %arg2[%mul3A_2, %dma_wait3A_133] : memref<10240x128xf32, #tpu.memory_space<hbm>> -> memref<640x128xf32, #tpu.memory_space<hbm>>
        tpu.wait_dma2 semaphore(%run_scoped3A : memref<!tpu.dma_semaphore, #tpu.memory_space<semaphore_mem>>) src(%dma_wait3A_134 : memref<640x128xf32, #tpu.memory_space<hbm>>) dst(%dma_wait3A_132 : memref<640x128xf32, #tpu.memory_space<vmem_shared>>)
        tpu.yield
      }) : () -> ()
    } else {
    }
    %eq3A_51 = arith.constant 1 : i32
    %eq3A_52 = arith.cmpi eq, %arg0, %eq3A_51 : i32
    %convert_element_type3A_53 = arith.extui %eq3A_52 : i1 to i32
    %cond3A_54 = arith.constant 0 : i32
    %cond3A_55 = arith.cmpi ne, %convert_element_type3A_53, %cond3A_54 : i32
    scf.if %cond3A_55 {
      %scan3A_127 = arith.constant 0 : i32
      %scan3A_128 = arith.constant 0 : i32
      %scan3A_129 = arith.constant 128 : i32
      %scan3A_130 = arith.addi %scan3A_128, %scan3A_129 : i32
      %scan3A_131 = arith.constant 1 : i32
      scf.for %scan3A_143 = %scan3A_128 to %scan3A_130 step %scan3A_131  : i32 {
        %broadcast_in_dim3A = arith.constant 0.000000e+00 : f32
        %broadcast_in_dim3A_144 = vector.broadcast %broadcast_in_dim3A : f32 to vector<16xf32>
        %swap3A = arith.index_cast %scan3A_143 : i32 to index
        %swap3A_145 = arith.constant 0 : index
        %swap3A_146 = tpu.vector_load %arg10[%swap3A, %swap3A_145] {strides = array<i32>} : memref<128x128xf32, #tpu.memory_space<vmem>>, vector<1x16xf32>,
        %swap3A_147 = vector.shape_cast %swap3A_146 : vector<1x16xf32> to vector<16xf32>
        %swap3A_148 = vector.shape_cast %broadcast_in_dim3A_144 : vector<16xf32> to vector<1x16xf32>
        tpu.vector_store %arg10[%swap3A, %swap3A_145], %swap3A_148 {strides = array<i32>} : memref<128x128xf32, #tpu.memory_space<vmem>>, vector<1x16xf32>,
        %broadcast_in_dim3A_149 = arith.constant 0.000000e+00 : f32
        %broadcast_in_dim3A_150 = vector.broadcast %broadcast_in_dim3A_149 : f32 to vector<16xf32>
        %swap3A_151 = arith.index_cast %scan3A_143 : i32 to index
        %swap3A_152 = arith.constant 16 : index
        %swap3A_153 = tpu.vector_load %arg10[%swap3A_151, %swap3A_152] {strides = array<i32>} : memref<128x128xf32, #tpu.memory_space<vmem>>, vector<1x16xf32>,
        %swap3A_154 = vector.shape_cast %swap3A_153 : vector<1x16xf32> to vector<16xf32>
        %swap3A_155 = vector.shape_cast %broadcast_in_dim3A_150 : vector<16xf32> to vector<1x16xf32>
        tpu.vector_store %arg10[%swap3A_151, %swap3A_152], %swap3A_155 {strides = array<i32>} : memref<128x128xf32, #tpu.memory_space<vmem>>, vector<1x16xf32>,
        %broadcast_in_dim3A_156 = arith.constant 0.000000e+00 : f32
        %broadcast_in_dim3A_157 = vector.broadcast %broadcast_in_dim3A_156 : f32 to vector<16xf32>
        %swap3A_158 = arith.index_cast %scan3A_143 : i32 to index
        %swap3A_159 = arith.constant 32 : index
        %swap3A_160 = tpu.vector_load %arg10[%swap3A_158, %swap3A_159] {strides = array<i32>} : memref<128x128xf32, #tpu.memory_space<vmem>>, vector<1x16xf32>,
        %swap3A_161 = vector.shape_cast %swap3A_160 : vector<1x16xf32> to vector<16xf32>
        %swap3A_162 = vector.shape_cast %broadcast_in_dim3A_157 : vector<16xf32> to vector<1x16xf32>
        tpu.vector_store %arg10[%swap3A_158, %swap3A_159], %swap3A_162 {strides = array<i32>} : memref<128x128xf32, #tpu.memory_space<vmem>>, vector<1x16xf32>,
        %broadcast_in_dim3A_163 = arith.constant 0.000000e+00 : f32
        %broadcast_in_dim3A_164 = vector.broadcast %broadcast_in_dim3A_163 : f32 to vector<16xf32>
        %swap3A_165 = arith.index_cast %scan3A_143 : i32 to index
        %swap3A_166 = arith.constant 48 : index
        %swap3A_167 = tpu.vector_load %arg10[%swap3A_165, %swap3A_166] {strides = array<i32>} : memref<128x128xf32, #tpu.memory_space<vmem>>, vector<1x16xf32>,
        %swap3A_168 = vector.shape_cast %swap3A_167 : vector<1x16xf32> to vector<16xf32>
        %swap3A_169 = vector.shape_cast %broadcast_in_dim3A_164 : vector<16xf32> to vector<1x16xf32>
        tpu.vector_store %arg10[%swap3A_165, %swap3A_166], %swap3A_169 {strides = array<i32>} : memref<128x128xf32, #tpu.memory_space<vmem>>, vector<1x16xf32>,
        %broadcast_in_dim3A_170 = arith.constant 0.000000e+00 : f32
        %broadcast_in_dim3A_171 = vector.broadcast %broadcast_in_dim3A_170 : f32 to vector<16xf32>
        %swap3A_172 = arith.index_cast %scan3A_143 : i32 to index
        %swap3A_173 = arith.constant 64 : index
        %swap3A_174 = tpu.vector_load %arg10[%swap3A_172, %swap3A_173] {strides = array<i32>} : memref<128x128xf32, #tpu.memory_space<vmem>>, vector<1x16xf32>,
        %swap3A_175 = vector.shape_cast %swap3A_174 : vector<1x16xf32> to vector<16xf32>
        %swap3A_176 = vector.shape_cast %broadcast_in_dim3A_171 : vector<16xf32> to vector<1x16xf32>
        tpu.vector_store %arg10[%swap3A_172, %swap3A_173], %swap3A_176 {strides = array<i32>} : memref<128x128xf32, #tpu.memory_space<vmem>>, vector<1x16xf32>,
        %broadcast_in_dim3A_177 = arith.constant 0.000000e+00 : f32
        %broadcast_in_dim3A_178 = vector.broadcast %broadcast_in_dim3A_177 : f32 to vector<16xf32>
        %swap3A_179 = arith.index_cast %scan3A_143 : i32 to index
        %swap3A_180 = arith.constant 80 : index
        %swap3A_181 = tpu.vector_load %arg10[%swap3A_179, %swap3A_180] {strides = array<i32>} : memref<128x128xf32, #tpu.memory_space<vmem>>, vector<1x16xf32>,
        %swap3A_182 = vector.shape_cast %swap3A_181 : vector<1x16xf32> to vector<16xf32>
        %swap3A_183 = vector.shape_cast %broadcast_in_dim3A_178 : vector<16xf32> to vector<1x16xf32>
        tpu.vector_store %arg10[%swap3A_179, %swap3A_180], %swap3A_183 {strides = array<i32>} : memref<128x128xf32, #tpu.memory_space<vmem>>, vector<1x16xf32>,
        %broadcast_in_dim3A_184 = arith.constant 0.000000e+00 : f32
        %broadcast_in_dim3A_185 = vector.broadcast %broadcast_in_dim3A_184 : f32 to vector<16xf32>
        %swap3A_186 = arith.index_cast %scan3A_143 : i32 to index
        %swap3A_187 = arith.constant 96 : index
        %swap3A_188 = tpu.vector_load %arg10[%swap3A_186, %swap3A_187] {strides = array<i32>} : memref<128x128xf32, #tpu.memory_space<vmem>>, vector<1x16xf32>,
        %swap3A_189 = vector.shape_cast %swap3A_188 : vector<1x16xf32> to vector<16xf32>
        %swap3A_190 = vector.shape_cast %broadcast_in_dim3A_185 : vector<16xf32> to vector<1x16xf32>
        tpu.vector_store %arg10[%swap3A_186, %swap3A_187], %swap3A_190 {strides = array<i32>} : memref<128x128xf32, #tpu.memory_space<vmem>>, vector<1x16xf32>,
        %broadcast_in_dim3A_191 = arith.constant 0.000000e+00 : f32
        %broadcast_in_dim3A_192 = vector.broadcast %broadcast_in_dim3A_191 : f32 to vector<16xf32>
        %swap3A_193 = arith.index_cast %scan3A_143 : i32 to index
        %swap3A_194 = arith.constant 112 : index
        %swap3A_195 = tpu.vector_load %arg10[%swap3A_193, %swap3A_194] {strides = array<i32>} : memref<128x128xf32, #tpu.memory_space<vmem>>, vector<1x16xf32>,
        %swap3A_196 = vector.shape_cast %swap3A_195 : vector<1x16xf32> to vector<16xf32>
        %swap3A_197 = vector.shape_cast %broadcast_in_dim3A_192 : vector<16xf32> to vector<1x16xf32>
        tpu.vector_store %arg10[%swap3A_193, %swap3A_194], %swap3A_197 {strides = array<i32>} : memref<128x128xf32, #tpu.memory_space<vmem>>, vector<1x16xf32>,
      }
      %scan3A_132 = arith.constant 128 : i32
      %add3A_133 = arith.constant 0 : i32
      %add3A_134 = arith.addi %mul3A_2, %add3A_133 : i32
      "tpu.region"() ({
        %run_scoped3A = tpu.sem_alloc : memref<!tpu.dma_semaphore, #tpu.memory_space<semaphore_mem>>
        %dma_start3A_143 = arith.constant 0 : i32
        %dma_start3A_144 = tpu.memref_slice %arg12[%add3A_134, %dma_start3A_143] : memref<10240x128xf32, #tpu.memory_space<vmem_shared>> -> memref<128x128xf32, #tpu.memory_space<vmem_shared>>
        %dma_start3A_145 = arith.constant 0 : i32
        %dma_start3A_146 = tpu.memref_slice %arg12[%add3A_134, %dma_start3A_145] : memref<10240x128xf32, #tpu.memory_space<vmem_shared>> -> memref<128x128xf32, #tpu.memory_space<vmem_shared>>
        tpu.enqueue_dma source(%arg10 : memref<128x128xf32, #tpu.memory_space<vmem>>) target(%dma_start3A_146 : memref<128x128xf32, #tpu.memory_space<vmem_shared>>) target_semaphore(%run_scoped3A : memref<!tpu.dma_semaphore, #tpu.memory_space<semaphore_mem>>)
        %dma_wait3A_147 = arith.constant 0 : i32
        %dma_wait3A_148 = tpu.memref_slice %arg12[%add3A_134, %dma_wait3A_147] : memref<10240x128xf32, #tpu.memory_space<vmem_shared>> -> memref<128x128xf32, #tpu.memory_space<vmem_shared>>
        %dma_wait3A_149 = arith.constant 0 : i32
        %dma_wait3A_150 = tpu.memref_slice %arg12[%add3A_134, %dma_wait3A_149] : memref<10240x128xf32, #tpu.memory_space<vmem_shared>> -> memref<128x128xf32, #tpu.memory_space<vmem_shared>>
        tpu.wait_dma2 semaphore(%run_scoped3A : memref<!tpu.dma_semaphore, #tpu.memory_space<semaphore_mem>>) src(%arg10 : memref<128x128xf32, #tpu.memory_space<vmem>>) dst(%dma_wait3A_150 : memref<128x128xf32, #tpu.memory_space<vmem_shared>>)
        tpu.yield
      }) : () -> ()
      %add3A_135 = arith.constant 128 : i32
      %add3A_136 = arith.addi %mul3A_2, %add3A_135 : i32
      "tpu.region"() ({
        %run_scoped3A = tpu.sem_alloc : memref<!tpu.dma_semaphore, #tpu.memory_space<semaphore_mem>>
        %dma_start3A_143 = arith.constant 0 : i32
        %dma_start3A_144 = tpu.memref_slice %arg12[%add3A_136, %dma_start3A_143] : memref<10240x128xf32, #tpu.memory_space<vmem_shared>> -> memref<128x128xf32, #tpu.memory_space<vmem_shared>>
        %dma_start3A_145 = arith.constant 0 : i32
        %dma_start3A_146 = tpu.memref_slice %arg12[%add3A_136, %dma_start3A_145] : memref<10240x128xf32, #tpu.memory_space<vmem_shared>> -> memref<128x128xf32, #tpu.memory_space<vmem_shared>>
        tpu.enqueue_dma source(%arg10 : memref<128x128xf32, #tpu.memory_space<vmem>>) target(%dma_start3A_146 : memref<128x128xf32, #tpu.memory_space<vmem_shared>>) target_semaphore(%run_scoped3A : memref<!tpu.dma_semaphore, #tpu.memory_space<semaphore_mem>>)
        %dma_wait3A_147 = arith.constant 0 : i32
        %dma_wait3A_148 = tpu.memref_slice %arg12[%add3A_136, %dma_wait3A_147] : memref<10240x128xf32, #tpu.memory_space<vmem_shared>> -> memref<128x128xf32, #tpu.memory_space<vmem_shared>>
        %dma_wait3A_149 = arith.constant 0 : i32
        %dma_wait3A_150 = tpu.memref_slice %arg12[%add3A_136, %dma_wait3A_149] : memref<10240x128xf32, #tpu.memory_space<vmem_shared>> -> memref<128x128xf32, #tpu.memory_space<vmem_shared>>
        tpu.wait_dma2 semaphore(%run_scoped3A : memref<!tpu.dma_semaphore, #tpu.memory_space<semaphore_mem>>) src(%arg10 : memref<128x128xf32, #tpu.memory_space<vmem>>) dst(%dma_wait3A_150 : memref<128x128xf32, #tpu.memory_space<vmem_shared>>)
        tpu.yield
      }) : () -> ()
      %add3A_137 = arith.constant 256 : i32
      %add3A_138 = arith.addi %mul3A_2, %add3A_137 : i32
      "tpu.region"() ({
        %run_scoped3A = tpu.sem_alloc : memref<!tpu.dma_semaphore, #tpu.memory_space<semaphore_mem>>
        %dma_start3A_143 = arith.constant 0 : i32
        %dma_start3A_144 = tpu.memref_slice %arg12[%add3A_138, %dma_start3A_143] : memref<10240x128xf32, #tpu.memory_space<vmem_shared>> -> memref<128x128xf32, #tpu.memory_space<vmem_shared>>
        %dma_start3A_145 = arith.constant 0 : i32
        %dma_start3A_146 = tpu.memref_slice %arg12[%add3A_138, %dma_start3A_145] : memref<10240x128xf32, #tpu.memory_space<vmem_shared>> -> memref<128x128xf32, #tpu.memory_space<vmem_shared>>
        tpu.enqueue_dma source(%arg10 : memref<128x128xf32, #tpu.memory_space<vmem>>) target(%dma_start3A_146 : memref<128x128xf32, #tpu.memory_space<vmem_shared>>) target_semaphore(%run_scoped3A : memref<!tpu.dma_semaphore, #tpu.memory_space<semaphore_mem>>)
        %dma_wait3A_147 = arith.constant 0 : i32
        %dma_wait3A_148 = tpu.memref_slice %arg12[%add3A_138, %dma_wait3A_147] : memref<10240x128xf32, #tpu.memory_space<vmem_shared>> -> memref<128x128xf32, #tpu.memory_space<vmem_shared>>
        %dma_wait3A_149 = arith.constant 0 : i32
        %dma_wait3A_150 = tpu.memref_slice %arg12[%add3A_138, %dma_wait3A_149] : memref<10240x128xf32, #tpu.memory_space<vmem_shared>> -> memref<128x128xf32, #tpu.memory_space<vmem_shared>>
        tpu.wait_dma2 semaphore(%run_scoped3A : memref<!tpu.dma_semaphore, #tpu.memory_space<semaphore_mem>>) src(%arg10 : memref<128x128xf32, #tpu.memory_space<vmem>>) dst(%dma_wait3A_150 : memref<128x128xf32, #tpu.memory_space<vmem_shared>>)
        tpu.yield
      }) : () -> ()
      %add3A_139 = arith.constant 384 : i32
      %add3A_140 = arith.addi %mul3A_2, %add3A_139 : i32
      "tpu.region"() ({
        %run_scoped3A = tpu.sem_alloc : memref<!tpu.dma_semaphore, #tpu.memory_space<semaphore_mem>>
        %dma_start3A_143 = arith.constant 0 : i32
        %dma_start3A_144 = tpu.memref_slice %arg12[%add3A_140, %dma_start3A_143] : memref<10240x128xf32, #tpu.memory_space<vmem_shared>> -> memref<128x128xf32, #tpu.memory_space<vmem_shared>>
        %dma_start3A_145 = arith.constant 0 : i32
        %dma_start3A_146 = tpu.memref_slice %arg12[%add3A_140, %dma_start3A_145] : memref<10240x128xf32, #tpu.memory_space<vmem_shared>> -> memref<128x128xf32, #tpu.memory_space<vmem_shared>>
        tpu.enqueue_dma source(%arg10 : memref<128x128xf32, #tpu.memory_space<vmem>>) target(%dma_start3A_146 : memref<128x128xf32, #tpu.memory_space<vmem_shared>>) target_semaphore(%run_scoped3A : memref<!tpu.dma_semaphore, #tpu.memory_space<semaphore_mem>>)
        %dma_wait3A_147 = arith.constant 0 : i32
        %dma_wait3A_148 = tpu.memref_slice %arg12[%add3A_140, %dma_wait3A_147] : memref<10240x128xf32, #tpu.memory_space<vmem_shared>> -> memref<128x128xf32, #tpu.memory_space<vmem_shared>>
        %dma_wait3A_149 = arith.constant 0 : i32
        %dma_wait3A_150 = tpu.memref_slice %arg12[%add3A_140, %dma_wait3A_149] : memref<10240x128xf32, #tpu.memory_space<vmem_shared>> -> memref<128x128xf32, #tpu.memory_space<vmem_shared>>
        tpu.wait_dma2 semaphore(%run_scoped3A : memref<!tpu.dma_semaphore, #tpu.memory_space<semaphore_mem>>) src(%arg10 : memref<128x128xf32, #tpu.memory_space<vmem>>) dst(%dma_wait3A_150 : memref<128x128xf32, #tpu.memory_space<vmem_shared>>)
        tpu.yield
      }) : () -> ()
      %add3A_141 = arith.constant 512 : i32
      %add3A_142 = arith.addi %mul3A_2, %add3A_141 : i32
      "tpu.region"() ({
        %run_scoped3A = tpu.sem_alloc : memref<!tpu.dma_semaphore, #tpu.memory_space<semaphore_mem>>
        %dma_start3A_143 = arith.constant 0 : i32
        %dma_start3A_144 = tpu.memref_slice %arg12[%add3A_142, %dma_start3A_143] : memref<10240x128xf32, #tpu.memory_space<vmem_shared>> -> memref<128x128xf32, #tpu.memory_space<vmem_shared>>
        %dma_start3A_145 = arith.constant 0 : i32
        %dma_start3A_146 = tpu.memref_slice %arg12[%add3A_142, %dma_start3A_145] : memref<10240x128xf32, #tpu.memory_space<vmem_shared>> -> memref<128x128xf32, #tpu.memory_space<vmem_shared>>
        tpu.enqueue_dma source(%arg10 : memref<128x128xf32, #tpu.memory_space<vmem>>) target(%dma_start3A_146 : memref<128x128xf32, #tpu.memory_space<vmem_shared>>) target_semaphore(%run_scoped3A : memref<!tpu.dma_semaphore, #tpu.memory_space<semaphore_mem>>)
        %dma_wait3A_147 = arith.constant 0 : i32
        %dma_wait3A_148 = tpu.memref_slice %arg12[%add3A_142, %dma_wait3A_147] : memref<10240x128xf32, #tpu.memory_space<vmem_shared>> -> memref<128x128xf32, #tpu.memory_space<vmem_shared>>
        %dma_wait3A_149 = arith.constant 0 : i32
        %dma_wait3A_150 = tpu.memref_slice %arg12[%add3A_142, %dma_wait3A_149] : memref<10240x128xf32, #tpu.memory_space<vmem_shared>> -> memref<128x128xf32, #tpu.memory_space<vmem_shared>>
        tpu.wait_dma2 semaphore(%run_scoped3A : memref<!tpu.dma_semaphore, #tpu.memory_space<semaphore_mem>>) src(%arg10 : memref<128x128xf32, #tpu.memory_space<vmem>>) dst(%dma_wait3A_150 : memref<128x128xf32, #tpu.memory_space<vmem_shared>>)
        tpu.yield
      }) : () -> ()
    } else {
    }
    %barrier3A = arith.constant 0 : index
    tpu.barrier barrier_id(%barrier3A)
    %dma_wait3A = arith.constant 1 : i32
    %dma_wait3A_56 = arith.constant 0 : i32
    %dma_wait3A_57 = arith.constant 0 : i32
    %dma_wait3A_58 = tpu.memref_slice %arg3[%dma_wait3A, %dma_wait3A_56, %dma_wait3A_57] : memref<2x2500x128xi32, #tpu.memory_space<hbm>> -> memref<1x2500x128xi32, #tpu.memory_space<hbm>>
    %dma_wait3A_59 = tpu.memref_squeeze %dma_wait3A_58 : memref<1x2500x128xi32, #tpu.memory_space<hbm>> -> memref<2500x128xi32, #tpu.memory_space<hbm>>
    %dma_wait3A_60 = arith.constant 0 : i32
    %dma_wait3A_61 = tpu.memref_slice %dma_wait3A_59[%mul3A_4, %dma_wait3A_60] : memref<2500x128xi32, #tpu.memory_space<hbm>> -> memref<78x128xi32, #tpu.memory_space<hbm>>
    %dma_wait3A_62 = arith.constant 0 : i32
    %dma_wait3A_63 = arith.constant 0 : i32
    %dma_wait3A_64 = tpu.memref_slice %arg3[%dma_wait3A, %dma_wait3A_62, %dma_wait3A_63] : memref<2x2500x128xi32, #tpu.memory_space<hbm>> -> memref<1x2500x128xi32, #tpu.memory_space<hbm>>
    %dma_wait3A_65 = tpu.memref_squeeze %dma_wait3A_64 : memref<1x2500x128xi32, #tpu.memory_space<hbm>> -> memref<2500x128xi32, #tpu.memory_space<hbm>>
    %dma_wait3A_66 = arith.constant 0 : i32
    %dma_wait3A_67 = tpu.memref_slice %dma_wait3A_65[%mul3A_4, %dma_wait3A_66] : memref<2500x128xi32, #tpu.memory_space<hbm>> -> memref<78x128xi32, #tpu.memory_space<hbm>>
    tpu.wait_dma2 semaphore(%arg13 : memref<!tpu.dma_semaphore, #tpu.memory_space<semaphore_mem>>) src(%dma_wait3A_67 : memref<78x128xi32, #tpu.memory_space<hbm>>) dst(%arg7 : memref<78x128xi32, #tpu.memory_space<vmem>>)
    %dma_wait3A_68 = arith.constant 0 : i32
    %dma_wait3A_69 = arith.constant 0 : i32
    %dma_wait3A_70 = arith.constant 0 : i32
    %dma_wait3A_71 = tpu.memref_slice %arg3[%dma_wait3A_68, %dma_wait3A_69, %dma_wait3A_70] : memref<2x2500x128xi32, #tpu.memory_space<hbm>> -> memref<1x2500x128xi32, #tpu.memory_space<hbm>>
    %dma_wait3A_72 = tpu.memref_squeeze %dma_wait3A_71 : memref<1x2500x128xi32, #tpu.memory_space<hbm>> -> memref<2500x128xi32, #tpu.memory_space<hbm>>
    %dma_wait3A_73 = arith.constant 0 : i32
    %dma_wait3A_74 = tpu.memref_slice %dma_wait3A_72[%mul3A_4, %dma_wait3A_73] : memref<2500x128xi32, #tpu.memory_space<hbm>> -> memref<1x128xi32, #tpu.memory_space<hbm>>
    %dma_wait3A_75 = tpu.memref_squeeze %dma_wait3A_74 : memref<1x128xi32, #tpu.memory_space<hbm>> -> memref<128xi32, #tpu.memory_space<hbm>>
    %dma_wait3A_76 = arith.constant 0 : i32
    %dma_wait3A_77 = arith.constant 0 : i32
    %dma_wait3A_78 = tpu.memref_slice %arg3[%dma_wait3A_68, %dma_wait3A_76, %dma_wait3A_77] : memref<2x2500x128xi32, #tpu.memory_space<hbm>> -> memref<1x2500x128xi32, #tpu.memory_space<hbm>>
    %dma_wait3A_79 = tpu.memref_squeeze %dma_wait3A_78 : memref<1x2500x128xi32, #tpu.memory_space<hbm>> -> memref<2500x128xi32, #tpu.memory_space<hbm>>
    %dma_wait3A_80 = arith.constant 0 : i32
    %dma_wait3A_81 = tpu.memref_slice %dma_wait3A_79[%mul3A_4, %dma_wait3A_80] : memref<2500x128xi32, #tpu.memory_space<hbm>> -> memref<1x128xi32, #tpu.memory_space<hbm>>
    %dma_wait3A_82 = tpu.memref_squeeze %dma_wait3A_81 : memref<1x128xi32, #tpu.memory_space<hbm>> -> memref<128xi32, #tpu.memory_space<hbm>>
    tpu.wait_dma2 semaphore(%arg16 : memref<!tpu.dma_semaphore, #tpu.memory_space<semaphore_mem>>) src(%dma_wait3A_82 : memref<128xi32, #tpu.memory_space<hbm>>) dst(%arg8 : memref<128xi32, #tpu.memory_space<vmem>>)
    %dma_wait3A_83 = arith.constant 0 : i32
    %dma_wait3A_84 = arith.constant 0 : i32
    %dma_wait3A_85 = arith.constant 0 : i32
    %dma_wait3A_86 = tpu.memref_slice %arg3[%dma_wait3A_83, %dma_wait3A_84, %dma_wait3A_85] : memref<2x2500x128xi32, #tpu.memory_space<hbm>> -> memref<1x2500x128xi32, #tpu.memory_space<hbm>>
    %dma_wait3A_87 = tpu.memref_squeeze %dma_wait3A_86 : memref<1x2500x128xi32, #tpu.memory_space<hbm>> -> memref<2500x128xi32, #tpu.memory_space<hbm>>
    %dma_wait3A_88 = arith.constant 0 : i32
    %dma_wait3A_89 = tpu.memref_slice %dma_wait3A_87[%mul3A_4, %dma_wait3A_88] : memref<2500x128xi32, #tpu.memory_space<hbm>> -> memref<1x128xi32, #tpu.memory_space<hbm>>
    %dma_wait3A_90 = tpu.memref_squeeze %dma_wait3A_89 : memref<1x128xi32, #tpu.memory_space<hbm>> -> memref<128xi32, #tpu.memory_space<hbm>>
    %dma_wait3A_91 = arith.constant 0 : i32
    %dma_wait3A_92 = arith.constant 0 : i32
    %dma_wait3A_93 = tpu.memref_slice %arg3[%dma_wait3A_83, %dma_wait3A_91, %dma_wait3A_92] : memref<2x2500x128xi32, #tpu.memory_space<hbm>> -> memref<1x2500x128xi32, #tpu.memory_space<hbm>>
    %dma_wait3A_94 = tpu.memref_squeeze %dma_wait3A_93 : memref<1x2500x128xi32, #tpu.memory_space<hbm>> -> memref<2500x128xi32, #tpu.memory_space<hbm>>
    %dma_wait3A_95 = arith.constant 0 : i32
    %dma_wait3A_96 = tpu.memref_slice %dma_wait3A_94[%mul3A_4, %dma_wait3A_95] : memref<2500x128xi32, #tpu.memory_space<hbm>> -> memref<1x128xi32, #tpu.memory_space<hbm>>
    %dma_wait3A_97 = tpu.memref_squeeze %dma_wait3A_96 : memref<1x128xi32, #tpu.memory_space<hbm>> -> memref<128xi32, #tpu.memory_space<hbm>>
    tpu.wait_dma2 semaphore(%arg17 : memref<!tpu.dma_semaphore, #tpu.memory_space<semaphore_mem>>) src(%dma_wait3A_97 : memref<128xi32, #tpu.memory_space<hbm>>) dst(%arg9 : memref<128xi32, #tpu.memory_space<vmem>>)
    %dma_start3A_98 = arith.constant 0 : i32
    %dma_start3A_99 = arith.constant 0 : i32
    %dma_start3A_100 = tpu.memref_slice %arg2[%dma_start3A_98, %dma_start3A_99] : memref<10240x128xf32, #tpu.memory_space<hbm>> -> memref<10240x128xf32, #tpu.memory_space<hbm>>
    tpu.enqueue_indirect_dma source(%dma_start3A_100 : memref<10240x128xf32, #tpu.memory_space<hbm>>) target(%arg10 : memref<128x128xf32, #tpu.memory_space<vmem>>) offsets(%arg8 : memref<128xi32, #tpu.memory_space<vmem>>) semaphore(%arg14 : memref<!tpu.dma_semaphore, #tpu.memory_space<semaphore_mem>>)
    %dma_start3A_101 = arith.constant 0 : i32
    %dma_start3A_102 = arith.constant 0 : i32
    %dma_start3A_103 = tpu.memref_slice %arg2[%dma_start3A_101, %dma_start3A_102] : memref<10240x128xf32, #tpu.memory_space<hbm>> -> memref<10240x128xf32, #tpu.memory_space<hbm>>
    tpu.enqueue_indirect_dma source(%dma_start3A_103 : memref<10240x128xf32, #tpu.memory_space<hbm>>) target(%arg11 : memref<128x128xf32, #tpu.memory_space<vmem>>) offsets(%arg9 : memref<128xi32, #tpu.memory_space<vmem>>) semaphore(%arg15 : memref<!tpu.dma_semaphore, #tpu.memory_space<semaphore_mem>>)
    %scan3A = arith.constant 0 : i32
    %scan3A_104 = arith.constant 0 : i32
    %scan3A_105 = arith.constant 0 : i32
    %scan3A_106 = arith.constant 39 : i32
    %scan3A_107 = arith.addi %scan3A_105, %scan3A_106 : i32
    %scan3A_108 = arith.constant 1 : i32
    scf.for %scan3A_127 = %scan3A_105 to %scan3A_107 step %scan3A_108  : i32 {
      %mul3A_128 = arith.constant 2 : i32
      %mul3A_129 = arith.muli %mul3A_128, %scan3A_127 : i32
      %dma_wait3A_130 = arith.constant 0 : i32
      %dma_wait3A_131 = arith.constant 0 : i32
      %dma_wait3A_132 = tpu.memref_slice %arg2[%dma_wait3A_130, %dma_wait3A_131] : memref<10240x128xf32, #tpu.memory_space<hbm>> -> memref<10240x128xf32, #tpu.memory_space<hbm>>
      tpu.wait_indirect_dma semaphore(%arg14 : memref<!tpu.dma_semaphore, #tpu.memory_space<semaphore_mem>>) src(%dma_wait3A_132 : memref<10240x128xf32, #tpu.memory_space<hbm>>) dst(%arg10 : memref<128x128xf32, #tpu.memory_space<vmem>>)
      %lt3A_133 = arith.constant 38 : i32
      %lt3A_134 = arith.cmpi slt, %scan3A_127, %lt3A_133 : i32
      %convert_element_type3A_135 = arith.extui %lt3A_134 : i1 to i32
      %cond3A_136 = arith.constant 0 : i32
      %cond3A_137 = arith.cmpi ne, %convert_element_type3A_135, %cond3A_136 : i32
      scf.if %cond3A_137 {
        %add3A_158 = arith.addi %mul3A_4, %mul3A_129 : i32
        %add3A_159 = arith.constant 2 : i32
        %add3A_160 = arith.addi %add3A_158, %add3A_159 : i32
        %dma_start3A_161 = arith.constant 0 : i32
        %dma_start3A_162 = arith.constant 0 : i32
        %dma_start3A_163 = tpu.memref_slice %arg3[%scan3A_104, %dma_start3A_161, %dma_start3A_162] : memref<2x2500x128xi32, #tpu.memory_space<hbm>> -> memref<1x2500x128xi32, #tpu.memory_space<hbm>>
        %dma_start3A_164 = tpu.memref_squeeze %dma_start3A_163 : memref<1x2500x128xi32, #tpu.memory_space<hbm>> -> memref<2500x128xi32, #tpu.memory_space<hbm>>
        %dma_start3A_165 = arith.constant 0 : i32
        %dma_start3A_166 = tpu.memref_slice %dma_start3A_164[%add3A_160, %dma_start3A_165] : memref<2500x128xi32, #tpu.memory_space<hbm>> -> memref<1x128xi32, #tpu.memory_space<hbm>>
        %dma_start3A_167 = tpu.memref_squeeze %dma_start3A_166 : memref<1x128xi32, #tpu.memory_space<hbm>> -> memref<128xi32, #tpu.memory_space<hbm>>
        %dma_start3A_168 = arith.constant 0 : i32
        %dma_start3A_169 = arith.constant 0 : i32
        %dma_start3A_170 = tpu.memref_slice %arg3[%scan3A_104, %dma_start3A_168, %dma_start3A_169] : memref<2x2500x128xi32, #tpu.memory_space<hbm>> -> memref<1x2500x128xi32, #tpu.memory_space<hbm>>
        %dma_start3A_171 = tpu.memref_squeeze %dma_start3A_170 : memref<1x2500x128xi32, #tpu.memory_space<hbm>> -> memref<2500x128xi32, #tpu.memory_space<hbm>>
        %dma_start3A_172 = arith.constant 0 : i32
        %dma_start3A_173 = tpu.memref_slice %dma_start3A_171[%add3A_160, %dma_start3A_172] : memref<2500x128xi32, #tpu.memory_space<hbm>> -> memref<1x128xi32, #tpu.memory_space<hbm>>
        %dma_start3A_174 = tpu.memref_squeeze %dma_start3A_173 : memref<1x128xi32, #tpu.memory_space<hbm>> -> memref<128xi32, #tpu.memory_space<hbm>>
        tpu.enqueue_dma source(%dma_start3A_174 : memref<128xi32, #tpu.memory_space<hbm>>) target(%arg8 : memref<128xi32, #tpu.memory_space<vmem>>) target_semaphore(%arg16 : memref<!tpu.dma_semaphore, #tpu.memory_space<semaphore_mem>>)
      } else {
      }
      "tpu.region"() ({
        %run_scoped3A = tpu.sem_alloc : memref<!tpu.dma_semaphore, #tpu.memory_space<semaphore_mem>>
        %dma_start3A_158 = arith.constant 0 : i32
        %dma_start3A_159 = tpu.memref_slice %arg7[%mul3A_129, %dma_start3A_158] : memref<78x128xi32, #tpu.memory_space<vmem>> -> memref<1x128xi32, #tpu.memory_space<vmem>>
        %dma_start3A_160 = tpu.memref_squeeze %dma_start3A_159 : memref<1x128xi32, #tpu.memory_space<vmem>> -> memref<128xi32, #tpu.memory_space<vmem>>
        %dma_start3A_161 = arith.constant 0 : i32
        %dma_start3A_162 = arith.constant 0 : i32
        %dma_start3A_163 = tpu.memref_slice %arg12[%dma_start3A_161, %dma_start3A_162] : memref<10240x128xf32, #tpu.memory_space<vmem_shared>> -> memref<10240x128xf32, #tpu.memory_space<vmem_shared>>
        tpu.enqueue_indirect_dma source(%arg10 : memref<128x128xf32, #tpu.memory_space<vmem>>) target(%dma_start3A_163 : memref<10240x128xf32, #tpu.memory_space<vmem_shared>>) offsets(%dma_start3A_160 : memref<128xi32, #tpu.memory_space<vmem>>) semaphore(%run_scoped3A : memref<!tpu.dma_semaphore, #tpu.memory_space<semaphore_mem>>) {add = true}
        %dma_wait3A_164 = arith.constant 0 : i32
        %dma_wait3A_165 = tpu.memref_slice %arg7[%mul3A_129, %dma_wait3A_164] : memref<78x128xi32, #tpu.memory_space<vmem>> -> memref<1x128xi32, #tpu.memory_space<vmem>>
        %dma_wait3A_166 = tpu.memref_squeeze %dma_wait3A_165 : memref<1x128xi32, #tpu.memory_space<vmem>> -> memref<128xi32, #tpu.memory_space<vmem>>
        %dma_wait3A_167 = arith.constant 0 : i32
        %dma_wait3A_168 = arith.constant 0 : i32
        %dma_wait3A_169 = tpu.memref_slice %arg12[%dma_wait3A_167, %dma_wait3A_168] : memref<10240x128xf32, #tpu.memory_space<vmem_shared>> -> memref<10240x128xf32, #tpu.memory_space<vmem_shared>>
        tpu.wait_indirect_dma semaphore(%run_scoped3A : memref<!tpu.dma_semaphore, #tpu.memory_space<semaphore_mem>>) src(%arg10 : memref<128x128xf32, #tpu.memory_space<vmem>>) dst(%dma_wait3A_169 : memref<10240x128xf32, #tpu.memory_space<vmem_shared>>)
        tpu.yield
      }) : () -> ()
      %lt3A_138 = arith.constant 38 : i32
      %lt3A_139 = arith.cmpi slt, %scan3A_127, %lt3A_138 : i32
      %convert_element_type3A_140 = arith.extui %lt3A_139 : i1 to i32
      %cond3A_141 = arith.constant 0 : i32
      %cond3A_142 = arith.cmpi ne, %convert_element_type3A_140, %cond3A_141 : i32
      scf.if %cond3A_142 {
        %dma_wait3A_158 = arith.constant 0 : i32
        %dma_wait3A_159 = arith.constant 0 : i32
        %dma_wait3A_160 = tpu.memref_slice %arg3[%scan3A_104, %dma_wait3A_158, %dma_wait3A_159] : memref<2x2500x128xi32, #tpu.memory_space<hbm>> -> memref<1x2500x128xi32, #tpu.memory_space<hbm>>
        %dma_wait3A_161 = tpu.memref_squeeze %dma_wait3A_160 : memref<1x2500x128xi32, #tpu.memory_space<hbm>> -> memref<2500x128xi32, #tpu.memory_space<hbm>>
        %dma_wait3A_162 = arith.constant 0 : i32
        %dma_wait3A_163 = tpu.memref_slice %dma_wait3A_161[%mul3A_4, %dma_wait3A_162] : memref<2500x128xi32, #tpu.memory_space<hbm>> -> memref<1x128xi32, #tpu.memory_space<hbm>>
        %dma_wait3A_164 = tpu.memref_squeeze %dma_wait3A_163 : memref<1x128xi32, #tpu.memory_space<hbm>> -> memref<128xi32, #tpu.memory_space<hbm>>
        %dma_wait3A_165 = arith.constant 0 : i32
        %dma_wait3A_166 = arith.constant 0 : i32
        %dma_wait3A_167 = tpu.memref_slice %arg3[%scan3A_104, %dma_wait3A_165, %dma_wait3A_166] : memref<2x2500x128xi32, #tpu.memory_space<hbm>> -> memref<1x2500x128xi32, #tpu.memory_space<hbm>>
        %dma_wait3A_168 = tpu.memref_squeeze %dma_wait3A_167 : memref<1x2500x128xi32, #tpu.memory_space<hbm>> -> memref<2500x128xi32, #tpu.memory_space<hbm>>
        %dma_wait3A_169 = arith.constant 0 : i32
        %dma_wait3A_170 = tpu.memref_slice %dma_wait3A_168[%mul3A_4, %dma_wait3A_169] : memref<2500x128xi32, #tpu.memory_space<hbm>> -> memref<1x128xi32, #tpu.memory_space<hbm>>
        %dma_wait3A_171 = tpu.memref_squeeze %dma_wait3A_170 : memref<1x128xi32, #tpu.memory_space<hbm>> -> memref<128xi32, #tpu.memory_space<hbm>>
        tpu.wait_dma2 semaphore(%arg16 : memref<!tpu.dma_semaphore, #tpu.memory_space<semaphore_mem>>) src(%dma_wait3A_171 : memref<128xi32, #tpu.memory_space<hbm>>) dst(%arg8 : memref<128xi32, #tpu.memory_space<vmem>>)
        %dma_start3A_172 = arith.constant 0 : i32
        %dma_start3A_173 = arith.constant 0 : i32
        %dma_start3A_174 = tpu.memref_slice %arg2[%dma_start3A_172, %dma_start3A_173] : memref<10240x128xf32, #tpu.memory_space<hbm>> -> memref<10240x128xf32, #tpu.memory_space<hbm>>
        tpu.enqueue_indirect_dma source(%dma_start3A_174 : memref<10240x128xf32, #tpu.memory_space<hbm>>) target(%arg10 : memref<128x128xf32, #tpu.memory_space<vmem>>) offsets(%arg8 : memref<128xi32, #tpu.memory_space<vmem>>) semaphore(%arg14 : memref<!tpu.dma_semaphore, #tpu.memory_space<semaphore_mem>>)
      } else {
      }
      %dma_wait3A_143 = arith.constant 0 : i32
      %dma_wait3A_144 = arith.constant 0 : i32
      %dma_wait3A_145 = tpu.memref_slice %arg2[%dma_wait3A_143, %dma_wait3A_144] : memref<10240x128xf32, #tpu.memory_space<hbm>> -> memref<10240x128xf32, #tpu.memory_space<hbm>>
      tpu.wait_indirect_dma semaphore(%arg15 : memref<!tpu.dma_semaphore, #tpu.memory_space<semaphore_mem>>) src(%dma_wait3A_145 : memref<10240x128xf32, #tpu.memory_space<hbm>>) dst(%arg11 : memref<128x128xf32, #tpu.memory_space<vmem>>)
      %lt3A_146 = arith.constant 38 : i32
      %lt3A_147 = arith.cmpi slt, %scan3A_127, %lt3A_146 : i32
      %convert_element_type3A_148 = arith.extui %lt3A_147 : i1 to i32
      %cond3A_149 = arith.constant 0 : i32
      %cond3A_150 = arith.cmpi ne, %convert_element_type3A_148, %cond3A_149 : i32
      scf.if %cond3A_150 {
        %add3A_158 = arith.addi %mul3A_4, %mul3A_129 : i32
        %add3A_159 = arith.constant 3 : i32
        %add3A_160 = arith.addi %add3A_158, %add3A_159 : i32
        %dma_start3A_161 = arith.constant 0 : i32
        %dma_start3A_162 = arith.constant 0 : i32
        %dma_start3A_163 = tpu.memref_slice %arg3[%scan3A_104, %dma_start3A_161, %dma_start3A_162] : memref<2x2500x128xi32, #tpu.memory_space<hbm>> -> memref<1x2500x128xi32, #tpu.memory_space<hbm>>
        %dma_start3A_164 = tpu.memref_squeeze %dma_start3A_163 : memref<1x2500x128xi32, #tpu.memory_space<hbm>> -> memref<2500x128xi32, #tpu.memory_space<hbm>>
        %dma_start3A_165 = arith.constant 0 : i32
        %dma_start3A_166 = tpu.memref_slice %dma_start3A_164[%add3A_160, %dma_start3A_165] : memref<2500x128xi32, #tpu.memory_space<hbm>> -> memref<1x128xi32, #tpu.memory_space<hbm>>
        %dma_start3A_167 = tpu.memref_squeeze %dma_start3A_166 : memref<1x128xi32, #tpu.memory_space<hbm>> -> memref<128xi32, #tpu.memory_space<hbm>>
        %dma_start3A_168 = arith.constant 0 : i32
        %dma_start3A_169 = arith.constant 0 : i32
        %dma_start3A_170 = tpu.memref_slice %arg3[%scan3A_104, %dma_start3A_168, %dma_start3A_169] : memref<2x2500x128xi32, #tpu.memory_space<hbm>> -> memref<1x2500x128xi32, #tpu.memory_space<hbm>>
        %dma_start3A_171 = tpu.memref_squeeze %dma_start3A_170 : memref<1x2500x128xi32, #tpu.memory_space<hbm>> -> memref<2500x128xi32, #tpu.memory_space<hbm>>
        %dma_start3A_172 = arith.constant 0 : i32
        %dma_start3A_173 = tpu.memref_slice %dma_start3A_171[%add3A_160, %dma_start3A_172] : memref<2500x128xi32, #tpu.memory_space<hbm>> -> memref<1x128xi32, #tpu.memory_space<hbm>>
        %dma_start3A_174 = tpu.memref_squeeze %dma_start3A_173 : memref<1x128xi32, #tpu.memory_space<hbm>> -> memref<128xi32, #tpu.memory_space<hbm>>
        tpu.enqueue_dma source(%dma_start3A_174 : memref<128xi32, #tpu.memory_space<hbm>>) target(%arg9 : memref<128xi32, #tpu.memory_space<vmem>>) target_semaphore(%arg17 : memref<!tpu.dma_semaphore, #tpu.memory_space<semaphore_mem>>)
      } else {
      }
      %add3A_151 = arith.constant 1 : i32
      %add3A_152 = arith.addi %mul3A_129, %add3A_151 : i32
      "tpu.region"() ({
        %run_scoped3A = tpu.sem_alloc : memref<!tpu.dma_semaphore, #tpu.memory_space<semaphore_mem>>
        %dma_start3A_158 = arith.constant 0 : i32
        %dma_start3A_159 = tpu.memref_slice %arg7[%add3A_152, %dma_start3A_158] : memref<78x128xi32, #tpu.memory_space<vmem>> -> memref<1x128xi32, #tpu.memory_space<vmem>>
        %dma_start3A_160 = tpu.memref_squeeze %dma_start3A_159 : memref<1x128xi32, #tpu.memory_space<vmem>> -> memref<128xi32, #tpu.memory_space<vmem>>
        %dma_start3A_161 = arith.constant 0 : i32
        %dma_start3A_162 = arith.constant 0 : i32
        %dma_start3A_163 = tpu.memref_slice %arg12[%dma_start3A_161, %dma_start3A_162] : memref<10240x128xf32, #tpu.memory_space<vmem_shared>> -> memref<10240x128xf32, #tpu.memory_space<vmem_shared>>
        tpu.enqueue_indirect_dma source(%arg11 : memref<128x128xf32, #tpu.memory_space<vmem>>) target(%dma_start3A_163 : memref<10240x128xf32, #tpu.memory_space<vmem_shared>>) offsets(%dma_start3A_160 : memref<128xi32, #tpu.memory_space<vmem>>) semaphore(%run_scoped3A : memref<!tpu.dma_semaphore, #tpu.memory_space<semaphore_mem>>) {add = true}
        %dma_wait3A_164 = arith.constant 0 : i32
        %dma_wait3A_165 = tpu.memref_slice %arg7[%add3A_152, %dma_wait3A_164] : memref<78x128xi32, #tpu.memory_space<vmem>> -> memref<1x128xi32, #tpu.memory_space<vmem>>
        %dma_wait3A_166 = tpu.memref_squeeze %dma_wait3A_165 : memref<1x128xi32, #tpu.memory_space<vmem>> -> memref<128xi32, #tpu.memory_space<vmem>>
        %dma_wait3A_167 = arith.constant 0 : i32
        %dma_wait3A_168 = arith.constant 0 : i32
        %dma_wait3A_169 = tpu.memref_slice %arg12[%dma_wait3A_167, %dma_wait3A_168] : memref<10240x128xf32, #tpu.memory_space<vmem_shared>> -> memref<10240x128xf32, #tpu.memory_space<vmem_shared>>
        tpu.wait_indirect_dma semaphore(%run_scoped3A : memref<!tpu.dma_semaphore, #tpu.memory_space<semaphore_mem>>) src(%arg11 : memref<128x128xf32, #tpu.memory_space<vmem>>) dst(%dma_wait3A_169 : memref<10240x128xf32, #tpu.memory_space<vmem_shared>>)
        tpu.yield
      }) : () -> ()
      %lt3A_153 = arith.constant 38 : i32
      %lt3A_154 = arith.cmpi slt, %scan3A_127, %lt3A_153 : i32
      %convert_element_type3A_155 = arith.extui %lt3A_154 : i1 to i32
      %cond3A_156 = arith.constant 0 : i32
      %cond3A_157 = arith.cmpi ne, %convert_element_type3A_155, %cond3A_156 : i32
      scf.if %cond3A_157 {
        %dma_wait3A_158 = arith.constant 0 : i32
        %dma_wait3A_159 = arith.constant 0 : i32
        %dma_wait3A_160 = tpu.memref_slice %arg3[%scan3A_104, %dma_wait3A_158, %dma_wait3A_159] : memref<2x2500x128xi32, #tpu.memory_space<hbm>> -> memref<1x2500x128xi32, #tpu.memory_space<hbm>>
        %dma_wait3A_161 = tpu.memref_squeeze %dma_wait3A_160 : memref<1x2500x128xi32, #tpu.memory_space<hbm>> -> memref<2500x128xi32, #tpu.memory_space<hbm>>
        %dma_wait3A_162 = arith.constant 0 : i32
        %dma_wait3A_163 = tpu.memref_slice %dma_wait3A_161[%mul3A_4, %dma_wait3A_162] : memref<2500x128xi32, #tpu.memory_space<hbm>> -> memref<1x128xi32, #tpu.memory_space<hbm>>
        %dma_wait3A_164 = tpu.memref_squeeze %dma_wait3A_163 : memref<1x128xi32, #tpu.memory_space<hbm>> -> memref<128xi32, #tpu.memory_space<hbm>>
        %dma_wait3A_165 = arith.constant 0 : i32
        %dma_wait3A_166 = arith.constant 0 : i32
        %dma_wait3A_167 = tpu.memref_slice %arg3[%scan3A_104, %dma_wait3A_165, %dma_wait3A_166] : memref<2x2500x128xi32, #tpu.memory_space<hbm>> -> memref<1x2500x128xi32, #tpu.memory_space<hbm>>
        %dma_wait3A_168 = tpu.memref_squeeze %dma_wait3A_167 : memref<1x2500x128xi32, #tpu.memory_space<hbm>> -> memref<2500x128xi32, #tpu.memory_space<hbm>>
        %dma_wait3A_169 = arith.constant 0 : i32
        %dma_wait3A_170 = tpu.memref_slice %dma_wait3A_168[%mul3A_4, %dma_wait3A_169] : memref<2500x128xi32, #tpu.memory_space<hbm>> -> memref<1x128xi32, #tpu.memory_space<hbm>>
        %dma_wait3A_171 = tpu.memref_squeeze %dma_wait3A_170 : memref<1x128xi32, #tpu.memory_space<hbm>> -> memref<128xi32, #tpu.memory_space<hbm>>
        tpu.wait_dma2 semaphore(%arg17 : memref<!tpu.dma_semaphore, #tpu.memory_space<semaphore_mem>>) src(%dma_wait3A_171 : memref<128xi32, #tpu.memory_space<hbm>>) dst(%arg9 : memref<128xi32, #tpu.memory_space<vmem>>)
        %dma_start3A_172 = arith.constant 0 : i32
        %dma_start3A_173 = arith.constant 0 : i32
        %dma_start3A_174 = tpu.memref_slice %arg2[%dma_start3A_172, %dma_start3A_173] : memref<10240x128xf32, #tpu.memory_space<hbm>> -> memref<10240x128xf32, #tpu.memory_space<hbm>>
        tpu.enqueue_indirect_dma source(%dma_start3A_174 : memref<10240x128xf32, #tpu.memory_space<hbm>>) target(%arg11 : memref<128x128xf32, #tpu.memory_space<vmem>>) offsets(%arg9 : memref<128xi32, #tpu.memory_space<vmem>>) semaphore(%arg15 : memref<!tpu.dma_semaphore, #tpu.memory_space<semaphore_mem>>)
      } else {
      }
    }
    %scan3A_109 = arith.constant 39 : i32
    %lt3A = arith.constant 4 : i32
    %lt3A_110 = arith.cmpi slt, %add3A, %lt3A : i32
    %convert_element_type3A_111 = arith.extui %lt3A_110 : i1 to i32
    %cond3A_112 = arith.constant 0 : i32
    %cond3A_113 = arith.constant 1 : i32
    %cond3A_114 = arith.constant 0 : i32
    %cond3A_115 = arith.cmpi ne, %convert_element_type3A_111, %cond3A_114 : i32
    scf.if %cond3A_115 {
      %add3A_127 = arith.constant 2496 : i32
      %add3A_128 = arith.addi %add3A_127, %add3A : i32
      "tpu.region"() ({
        %run_scoped3A = tpu.sem_alloc : memref<!tpu.dma_semaphore, #tpu.memory_space<semaphore_mem>>
        %dma_start3A_135 = arith.constant 0 : i32
        %dma_start3A_136 = arith.constant 0 : i32
        %dma_start3A_137 = tpu.memref_slice %arg3[%cond3A_112, %dma_start3A_135, %dma_start3A_136] : memref<2x2500x128xi32, #tpu.memory_space<hbm>> -> memref<1x2500x128xi32, #tpu.memory_space<hbm>>
        %dma_start3A_138 = tpu.memref_squeeze %dma_start3A_137 : memref<1x2500x128xi32, #tpu.memory_space<hbm>> -> memref<2500x128xi32, #tpu.memory_space<hbm>>
        %dma_start3A_139 = arith.constant 0 : i32
        %dma_start3A_140 = tpu.memref_slice %dma_start3A_138[%add3A_128, %dma_start3A_139] : memref<2500x128xi32, #tpu.memory_space<hbm>> -> memref<1x128xi32, #tpu.memory_space<hbm>>
        %dma_start3A_141 = tpu.memref_squeeze %dma_start3A_140 : memref<1x128xi32, #tpu.memory_space<hbm>> -> memref<128xi32, #tpu.memory_space<hbm>>
        %dma_start3A_142 = arith.constant 0 : i32
        %dma_start3A_143 = arith.constant 0 : i32
        %dma_start3A_144 = tpu.memref_slice %arg3[%cond3A_112, %dma_start3A_142, %dma_start3A_143] : memref<2x2500x128xi32, #tpu.memory_space<hbm>> -> memref<1x2500x128xi32, #tpu.memory_space<hbm>>
        %dma_start3A_145 = tpu.memref_squeeze %dma_start3A_144 : memref<1x2500x128xi32, #tpu.memory_space<hbm>> -> memref<2500x128xi32, #tpu.memory_space<hbm>>
        %dma_start3A_146 = arith.constant 0 : i32
        %dma_start3A_147 = tpu.memref_slice %dma_start3A_145[%add3A_128, %dma_start3A_146] : memref<2500x128xi32, #tpu.memory_space<hbm>> -> memref<1x128xi32, #tpu.memory_space<hbm>>
        %dma_start3A_148 = tpu.memref_squeeze %dma_start3A_147 : memref<1x128xi32, #tpu.memory_space<hbm>> -> memref<128xi32, #tpu.memory_space<hbm>>
        tpu.enqueue_dma source(%dma_start3A_148 : memref<128xi32, #tpu.memory_space<hbm>>) target(%arg8 : memref<128xi32, #tpu.memory_space<vmem>>) target_semaphore(%run_scoped3A : memref<!tpu.dma_semaphore, #tpu.memory_space<semaphore_mem>>)
        %dma_wait3A_149 = arith.constant 0 : i32
        %dma_wait3A_150 = arith.constant 0 : i32
        %dma_wait3A_151 = tpu.memref_slice %arg3[%cond3A_112, %dma_wait3A_149, %dma_wait3A_150] : memref<2x2500x128xi32, #tpu.memory_space<hbm>> -> memref<1x2500x128xi32, #tpu.memory_space<hbm>>
        %dma_wait3A_152 = tpu.memref_squeeze %dma_wait3A_151 : memref<1x2500x128xi32, #tpu.memory_space<hbm>> -> memref<2500x128xi32, #tpu.memory_space<hbm>>
        %dma_wait3A_153 = arith.constant 0 : i32
        %dma_wait3A_154 = tpu.memref_slice %dma_wait3A_152[%add3A_128, %dma_wait3A_153] : memref<2500x128xi32, #tpu.memory_space<hbm>> -> memref<1x128xi32, #tpu.memory_space<hbm>>
        %dma_wait3A_155 = tpu.memref_squeeze %dma_wait3A_154 : memref<1x128xi32, #tpu.memory_space<hbm>> -> memref<128xi32, #tpu.memory_space<hbm>>
        %dma_wait3A_156 = arith.constant 0 : i32
        %dma_wait3A_157 = arith.constant 0 : i32
        %dma_wait3A_158 = tpu.memref_slice %arg3[%cond3A_112, %dma_wait3A_156, %dma_wait3A_157] : memref<2x2500x128xi32, #tpu.memory_space<hbm>> -> memref<1x2500x128xi32, #tpu.memory_space<hbm>>
        %dma_wait3A_159 = tpu.memref_squeeze %dma_wait3A_158 : memref<1x2500x128xi32, #tpu.memory_space<hbm>> -> memref<2500x128xi32, #tpu.memory_space<hbm>>
        %dma_wait3A_160 = arith.constant 0 : i32
        %dma_wait3A_161 = tpu.memref_slice %dma_wait3A_159[%add3A_128, %dma_wait3A_160] : memref<2500x128xi32, #tpu.memory_space<hbm>> -> memref<1x128xi32, #tpu.memory_space<hbm>>
        %dma_wait3A_162 = tpu.memref_squeeze %dma_wait3A_161 : memref<1x128xi32, #tpu.memory_space<hbm>> -> memref<128xi32, #tpu.memory_space<hbm>>
        tpu.wait_dma2 semaphore(%run_scoped3A : memref<!tpu.dma_semaphore, #tpu.memory_space<semaphore_mem>>) src(%dma_wait3A_162 : memref<128xi32, #tpu.memory_space<hbm>>) dst(%arg8 : memref<128xi32, #tpu.memory_space<vmem>>)
        tpu.yield
      }) : () -> ()
      "tpu.region"() ({
        %run_scoped3A = tpu.sem_alloc : memref<!tpu.dma_semaphore, #tpu.memory_space<semaphore_mem>>
        %dma_start3A_135 = arith.constant 0 : i32
        %dma_start3A_136 = arith.constant 0 : i32
        %dma_start3A_137 = tpu.memref_slice %arg3[%cond3A_113, %dma_start3A_135, %dma_start3A_136] : memref<2x2500x128xi32, #tpu.memory_space<hbm>> -> memref<1x2500x128xi32, #tpu.memory_space<hbm>>
        %dma_start3A_138 = tpu.memref_squeeze %dma_start3A_137 : memref<1x2500x128xi32, #tpu.memory_space<hbm>> -> memref<2500x128xi32, #tpu.memory_space<hbm>>
        %dma_start3A_139 = arith.constant 0 : i32
        %dma_start3A_140 = tpu.memref_slice %dma_start3A_138[%add3A_128, %dma_start3A_139] : memref<2500x128xi32, #tpu.memory_space<hbm>> -> memref<1x128xi32, #tpu.memory_space<hbm>>
        %dma_start3A_141 = tpu.memref_squeeze %dma_start3A_140 : memref<1x128xi32, #tpu.memory_space<hbm>> -> memref<128xi32, #tpu.memory_space<hbm>>
        %dma_start3A_142 = arith.constant 0 : i32
        %dma_start3A_143 = arith.constant 0 : i32
        %dma_start3A_144 = tpu.memref_slice %arg3[%cond3A_113, %dma_start3A_142, %dma_start3A_143] : memref<2x2500x128xi32, #tpu.memory_space<hbm>> -> memref<1x2500x128xi32, #tpu.memory_space<hbm>>
        %dma_start3A_145 = tpu.memref_squeeze %dma_start3A_144 : memref<1x2500x128xi32, #tpu.memory_space<hbm>> -> memref<2500x128xi32, #tpu.memory_space<hbm>>
        %dma_start3A_146 = arith.constant 0 : i32
        %dma_start3A_147 = tpu.memref_slice %dma_start3A_145[%add3A_128, %dma_start3A_146] : memref<2500x128xi32, #tpu.memory_space<hbm>> -> memref<1x128xi32, #tpu.memory_space<hbm>>
        %dma_start3A_148 = tpu.memref_squeeze %dma_start3A_147 : memref<1x128xi32, #tpu.memory_space<hbm>> -> memref<128xi32, #tpu.memory_space<hbm>>
        tpu.enqueue_dma source(%dma_start3A_148 : memref<128xi32, #tpu.memory_space<hbm>>) target(%arg9 : memref<128xi32, #tpu.memory_space<vmem>>) target_semaphore(%run_scoped3A : memref<!tpu.dma_semaphore, #tpu.memory_space<semaphore_mem>>)
        %dma_wait3A_149 = arith.constant 0 : i32
        %dma_wait3A_150 = arith.constant 0 : i32
        %dma_wait3A_151 = tpu.memref_slice %arg3[%cond3A_113, %dma_wait3A_149, %dma_wait3A_150] : memref<2x2500x128xi32, #tpu.memory_space<hbm>> -> memref<1x2500x128xi32, #tpu.memory_space<hbm>>
        %dma_wait3A_152 = tpu.memref_squeeze %dma_wait3A_151 : memref<1x2500x128xi32, #tpu.memory_space<hbm>> -> memref<2500x128xi32, #tpu.memory_space<hbm>>
        %dma_wait3A_153 = arith.constant 0 : i32
        %dma_wait3A_154 = tpu.memref_slice %dma_wait3A_152[%add3A_128, %dma_wait3A_153] : memref<2500x128xi32, #tpu.memory_space<hbm>> -> memref<1x128xi32, #tpu.memory_space<hbm>>
        %dma_wait3A_155 = tpu.memref_squeeze %dma_wait3A_154 : memref<1x128xi32, #tpu.memory_space<hbm>> -> memref<128xi32, #tpu.memory_space<hbm>>
        %dma_wait3A_156 = arith.constant 0 : i32
        %dma_wait3A_157 = arith.constant 0 : i32
        %dma_wait3A_158 = tpu.memref_slice %arg3[%cond3A_113, %dma_wait3A_156, %dma_wait3A_157] : memref<2x2500x128xi32, #tpu.memory_space<hbm>> -> memref<1x2500x128xi32, #tpu.memory_space<hbm>>
        %dma_wait3A_159 = tpu.memref_squeeze %dma_wait3A_158 : memref<1x2500x128xi32, #tpu.memory_space<hbm>> -> memref<2500x128xi32, #tpu.memory_space<hbm>>
        %dma_wait3A_160 = arith.constant 0 : i32
        %dma_wait3A_161 = tpu.memref_slice %dma_wait3A_159[%add3A_128, %dma_wait3A_160] : memref<2500x128xi32, #tpu.memory_space<hbm>> -> memref<1x128xi32, #tpu.memory_space<hbm>>
        %dma_wait3A_162 = tpu.memref_squeeze %dma_wait3A_161 : memref<1x128xi32, #tpu.memory_space<hbm>> -> memref<128xi32, #tpu.memory_space<hbm>>
        tpu.wait_dma2 semaphore(%run_scoped3A : memref<!tpu.dma_semaphore, #tpu.memory_space<semaphore_mem>>) src(%dma_wait3A_162 : memref<128xi32, #tpu.memory_space<hbm>>) dst(%arg9 : memref<128xi32, #tpu.memory_space<vmem>>)
        tpu.yield
      }) : () -> ()
      %dma_start3A_129 = arith.constant 0 : i32
      %dma_start3A_130 = arith.constant 0 : i32
      %dma_start3A_131 = tpu.memref_slice %arg2[%dma_start3A_129, %dma_start3A_130] : memref<10240x128xf32, #tpu.memory_space<hbm>> -> memref<10240x128xf32, #tpu.memory_space<hbm>>
      tpu.enqueue_indirect_dma source(%dma_start3A_131 : memref<10240x128xf32, #tpu.memory_space<hbm>>) target(%arg10 : memref<128x128xf32, #tpu.memory_space<vmem>>) offsets(%arg8 : memref<128xi32, #tpu.memory_space<vmem>>) semaphore(%arg18 : memref<!tpu.dma_semaphore, #tpu.memory_space<semaphore_mem>>)
      %dma_wait3A_132 = arith.constant 0 : i32
      %dma_wait3A_133 = arith.constant 0 : i32
      %dma_wait3A_134 = tpu.memref_slice %arg2[%dma_wait3A_132, %dma_wait3A_133] : memref<10240x128xf32, #tpu.memory_space<hbm>> -> memref<10240x128xf32, #tpu.memory_space<hbm>>
      tpu.wait_indirect_dma semaphore(%arg18 : memref<!tpu.dma_semaphore, #tpu.memory_space<semaphore_mem>>) src(%dma_wait3A_134 : memref<10240x128xf32, #tpu.memory_space<hbm>>) dst(%arg10 : memref<128x128xf32, #tpu.memory_space<vmem>>)
      "tpu.region"() ({
        %run_scoped3A = tpu.sem_alloc : memref<!tpu.dma_semaphore, #tpu.memory_space<semaphore_mem>>
        %dma_start3A_135 = arith.constant 0 : i32
        %dma_start3A_136 = arith.constant 0 : i32
        %dma_start3A_137 = tpu.memref_slice %arg12[%dma_start3A_135, %dma_start3A_136] : memref<10240x128xf32, #tpu.memory_space<vmem_shared>> -> memref<10240x128xf32, #tpu.memory_space<vmem_shared>>
        tpu.enqueue_indirect_dma source(%arg10 : memref<128x128xf32, #tpu.memory_space<vmem>>) target(%dma_start3A_137 : memref<10240x128xf32, #tpu.memory_space<vmem_shared>>) offsets(%arg9 : memref<128xi32, #tpu.memory_space<vmem>>) semaphore(%run_scoped3A : memref<!tpu.dma_semaphore, #tpu.memory_space<semaphore_mem>>) {add = true}
        %dma_wait3A_138 = arith.constant 0 : i32
        %dma_wait3A_139 = arith.constant 0 : i32
        %dma_wait3A_140 = tpu.memref_slice %arg12[%dma_wait3A_138, %dma_wait3A_139] : memref<10240x128xf32, #tpu.memory_space<vmem_shared>> -> memref<10240x128xf32, #tpu.memory_space<vmem_shared>>
        tpu.wait_indirect_dma semaphore(%run_scoped3A : memref<!tpu.dma_semaphore, #tpu.memory_space<semaphore_mem>>) src(%arg10 : memref<128x128xf32, #tpu.memory_space<vmem>>) dst(%dma_wait3A_140 : memref<10240x128xf32, #tpu.memory_space<vmem_shared>>)
        tpu.yield
      }) : () -> ()
    } else {
    }
    %barrier3A_116 = arith.constant 0 : index
    tpu.barrier barrier_id(%barrier3A_116)
    %eq3A_117 = arith.constant 0 : i32
    %eq3A_118 = arith.cmpi eq, %arg0, %eq3A_117 : i32
    %convert_element_type3A_119 = arith.extui %eq3A_118 : i1 to i32
    %cond3A_120 = arith.constant 0 : i32
    %cond3A_121 = arith.cmpi ne, %convert_element_type3A_119, %cond3A_120 : i32
    scf.if %cond3A_121 {
      "tpu.region"() ({
        %run_scoped3A = tpu.sem_alloc : memref<!tpu.dma_semaphore, #tpu.memory_space<semaphore_mem>>
        %dma_start3A_127 = arith.constant 0 : i32
        %dma_start3A_128 = tpu.memref_slice %arg4[%mul3A_2, %dma_start3A_127] : memref<10240x128xf32, #tpu.memory_space<hbm>> -> memref<640x128xf32, #tpu.memory_space<hbm>>
        %dma_start3A_129 = arith.constant 0 : i32
        %dma_start3A_130 = tpu.memref_slice %arg12[%mul3A_2, %dma_start3A_129] : memref<10240x128xf32, #tpu.memory_space<vmem_shared>> -> memref<640x128xf32, #tpu.memory_space<vmem_shared>>
        tpu.enqueue_dma source(%dma_start3A_130 : memref<640x128xf32, #tpu.memory_space<vmem_shared>>) target(%dma_start3A_128 : memref<640x128xf32, #tpu.memory_space<hbm>>) target_semaphore(%run_scoped3A : memref<!tpu.dma_semaphore, #tpu.memory_space<semaphore_mem>>)
        %dma_wait3A_131 = arith.constant 0 : i32
        %dma_wait3A_132 = tpu.memref_slice %arg4[%mul3A_2, %dma_wait3A_131] : memref<10240x128xf32, #tpu.memory_space<hbm>> -> memref<640x128xf32, #tpu.memory_space<hbm>>
        %dma_wait3A_133 = arith.constant 0 : i32
        %dma_wait3A_134 = tpu.memref_slice %arg12[%mul3A_2, %dma_wait3A_133] : memref<10240x128xf32, #tpu.memory_space<vmem_shared>> -> memref<640x128xf32, #tpu.memory_space<vmem_shared>>
        tpu.wait_dma2 semaphore(%run_scoped3A : memref<!tpu.dma_semaphore, #tpu.memory_space<semaphore_mem>>) src(%dma_wait3A_134 : memref<640x128xf32, #tpu.memory_space<vmem_shared>>) dst(%dma_wait3A_132 : memref<640x128xf32, #tpu.memory_space<hbm>>)
        tpu.yield
      }) : () -> ()
    } else {
    }
    %eq3A_122 = arith.constant 1 : i32
    %eq3A_123 = arith.cmpi eq, %arg0, %eq3A_122 : i32
    %convert_element_type3A_124 = arith.extui %eq3A_123 : i1 to i32
    %cond3A_125 = arith.constant 0 : i32
    %cond3A_126 = arith.cmpi ne, %convert_element_type3A_124, %cond3A_125 : i32
    scf.if %cond3A_126 {
      "tpu.region"() ({
        %run_scoped3A = tpu.sem_alloc : memref<!tpu.dma_semaphore, #tpu.memory_space<semaphore_mem>>
        %dma_start3A_127 = arith.constant 0 : i32
        %dma_start3A_128 = tpu.memref_slice %arg5[%mul3A_2, %dma_start3A_127] : memref<10240x128xf32, #tpu.memory_space<hbm>> -> memref<640x128xf32, #tpu.memory_space<hbm>>
        %dma_start3A_129 = arith.constant 0 : i32
        %dma_start3A_130 = tpu.memref_slice %arg12[%mul3A_2, %dma_start3A_129] : memref<10240x128xf32, #tpu.memory_space<vmem_shared>> -> memref<640x128xf32, #tpu.memory_space<vmem_shared>>
        tpu.enqueue_dma source(%dma_start3A_130 : memref<640x128xf32, #tpu.memory_space<vmem_shared>>) target(%dma_start3A_128 : memref<640x128xf32, #tpu.memory_space<hbm>>) target_semaphore(%run_scoped3A : memref<!tpu.dma_semaphore, #tpu.memory_space<semaphore_mem>>)
        %dma_wait3A_131 = arith.constant 0 : i32
        %dma_wait3A_132 = tpu.memref_slice %arg5[%mul3A_2, %dma_wait3A_131] : memref<10240x128xf32, #tpu.memory_space<hbm>> -> memref<640x128xf32, #tpu.memory_space<hbm>>
        %dma_wait3A_133 = arith.constant 0 : i32
        %dma_wait3A_134 = tpu.memref_slice %arg12[%mul3A_2, %dma_wait3A_133] : memref<10240x128xf32, #tpu.memory_space<vmem_shared>> -> memref<640x128xf32, #tpu.memory_space<vmem_shared>>
        tpu.wait_dma2 semaphore(%run_scoped3A : memref<!tpu.dma_semaphore, #tpu.memory_space<semaphore_mem>>) src(%dma_wait3A_134 : memref<640x128xf32, #tpu.memory_space<vmem_shared>>) dst(%dma_wait3A_132 : memref<640x128xf32, #tpu.memory_space<hbm>>)
        tpu.yield
      }) : () -> ()
    } else {
    }
    return
  }
}

module attributes {stable_mosaic.version = 14 : i64} {
  func.func @_mm1_body(%arg0: i32, %arg1: memref<1280x128xf32, #tpu.memory_space<vmem>>, %arg2: memref<128x128xf32, #tpu.memory_space<vmem>>, %arg3: memref<1280x128xf32, #tpu.memory_space<vmem>>) attributes {dimension_semantics = [#tpu.dimension_semantics<arbitrary>], iteration_bounds = array<i64: 8>, scalar_prefetch = 0 : i64, scratch_operands = 0 : i64, tpu.core_type = #tpu.core_type<tc>, window_params = [{transform_indices = @transform_0, window_bounds = array<i64: 1280, 128>}, {pipeline_mode = #tpu.pipeline_mode<synchronous>, transform_indices = @transform_1, window_bounds = array<i64: 128, 128>}, {transform_indices = @transform_2, window_bounds = array<i64: 1280, 128>}]} {
    %get3A = arith.constant 0 : index
    %get3A_0 = arith.constant 0 : index
    %get3A_1 = vector.load %arg1[%get3A, %get3A_0] : memref<1280x128xf32, #tpu.memory_space<vmem>>, vector<1280x128xf32>
    %get3A_2 = arith.constant 0 : index
    %get3A_3 = arith.constant 0 : index
    %get3A_4 = vector.load %arg2[%get3A_2, %get3A_3] : memref<128x128xf32, #tpu.memory_space<vmem>>, vector<128x128xf32>
    %dot_general3A = arith.constant dense<0.000000e+00> : vector<1280x128xf32>
    %dot_general3A_5 = tpu.matmul %get3A_1, %get3A_4, %dot_general3A {dimension_numbers = #tpu.dot_dimension_numbers<[1], [0], [0], [1], [0, 0, 1, 1], [], []>, transpose_lhs_hint = false} : vector<1280x128xf32>, vector<128x128xf32>, vector<1280x128xf32> -> vector<1280x128xf32>
    %swap3A = arith.constant 0 : index
    %swap3A_6 = arith.constant 0 : index
    %swap3A_7 = vector.load %arg3[%swap3A, %swap3A_6] : memref<1280x128xf32, #tpu.memory_space<vmem>>, vector<1280x128xf32>
    tpu.vector_store %arg3[%swap3A, %swap3A_6], %dot_general3A_5 {strides = array<i32>} : memref<1280x128xf32, #tpu.memory_space<vmem>>, vector<1280x128xf32>,
    return
  }
  func.func @transform_0(%arg0: i32) -> (i32, i32) {
    %c0_i32 = arith.constant 0 : i32
    %c0_i32_0 = arith.constant 0 : i32
    return %arg0, %c0_i32 : i32, i32
  }
  func.func @transform_1(%arg0: i32) -> (i32, i32) {
    %c0_i32 = arith.constant 0 : i32
    %c0_i32_0 = arith.constant 0 : i32
    %c0_i32_1 = arith.constant 0 : i32
    return %c0_i32, %c0_i32_0 : i32, i32
  }
  func.func @transform_2(%arg0: i32) -> (i32, i32) {
    %c0_i32 = arith.constant 0 : i32
    %c0_i32_0 = arith.constant 0 : i32
    return %arg0, %c0_i32 : i32, i32
  }
}

module attributes {stable_mosaic.version = 14 : i64} {
  func.func @_scale1_body(%arg0: i32, %arg1: memref<1280x128xf32, #tpu.memory_space<vmem>>, %arg2: memref<1280x32xf32, #tpu.memory_space<vmem>>, %arg3: memref<1280x128xf32, #tpu.memory_space<vmem>>) attributes {dimension_semantics = [#tpu.dimension_semantics<arbitrary>], iteration_bounds = array<i64: 8>, scalar_prefetch = 0 : i64, scratch_operands = 0 : i64, tpu.core_type = #tpu.core_type<tc>, window_params = [{transform_indices = @transform_0, window_bounds = array<i64: 1280, 128>}, {transform_indices = @transform_1, window_bounds = array<i64: 1280, 32>}, {transform_indices = @transform_2, window_bounds = array<i64: 1280, 128>}]} {
    %get3A = arith.constant 0 : index
    %get3A_0 = arith.constant 0 : index
    %get3A_1 = vector.load %arg1[%get3A, %get3A_0] : memref<1280x128xf32, #tpu.memory_space<vmem>>, vector<1280x128xf32>
    %get3A_2 = arith.constant 0 : index
    %get3A_3 = arith.constant 0 : index
    %get3A_4 = vector.load %arg2[%get3A_2, %get3A_3] : memref<1280x32xf32, #tpu.memory_space<vmem>>, vector<1280x32xf32>
    %slice3A = vector.extract_strided_slice %get3A_4 {offsets = [0, 0], sizes = [1280, 1], strides = [1, 1]} : vector<1280x32xf32> to vector<1280x1xf32>
    %slice3A_5 = vector.extract_strided_slice %get3A_4 {offsets = [0, 16], sizes = [1280, 1], strides = [1, 1]} : vector<1280x32xf32> to vector<1280x1xf32>
    %add3A = arith.addf %slice3A, %slice3A_5 : vector<1280x1xf32>
    %add3A_6 = arith.constant 1.000000e+00 : f32
    %add3A_7 = vector.broadcast %add3A_6 : f32 to vector<1280x1xf32>
    %add3A_8 = arith.addf %add3A, %add3A_7 : vector<1280x1xf32>
    %rsqrt3A = math.rsqrt %add3A_8 : vector<1280x1xf32>
    %mul3A = vector.broadcast %rsqrt3A : vector<1280x1xf32> to vector<1280x128xf32>
    %mul3A_9 = arith.mulf %get3A_1, %mul3A : vector<1280x128xf32>
    %swap3A = arith.constant 0 : index
    %swap3A_10 = arith.constant 0 : index
    %swap3A_11 = vector.load %arg3[%swap3A, %swap3A_10] : memref<1280x128xf32, #tpu.memory_space<vmem>>, vector<1280x128xf32>
    tpu.vector_store %arg3[%swap3A, %swap3A_10], %mul3A_9 {strides = array<i32>} : memref<1280x128xf32, #tpu.memory_space<vmem>>, vector<1280x128xf32>,
    return
  }
  func.func @transform_0(%arg0: i32) -> (i32, i32) {
    %c0_i32 = arith.constant 0 : i32
    %c0_i32_0 = arith.constant 0 : i32
    return %arg0, %c0_i32 : i32, i32
  }
  func.func @transform_1(%arg0: i32) -> (i32, i32) {
    %c0_i32 = arith.constant 0 : i32
    %c0_i32_0 = arith.constant 0 : i32
    return %arg0, %c0_i32 : i32, i32
  }
  func.func @transform_2(%arg0: i32) -> (i32, i32) {
    %c0_i32 = arith.constant 0 : i32
    %c0_i32_0 = arith.constant 0 : i32
    return %arg0, %c0_i32 : i32, i32
  }
}

module attributes {stable_mosaic.version = 14 : i64} {
  func.func @_mid_body(%arg0: i32, %arg1: memref<1280x128xf32, #tpu.memory_space<vmem>>, %arg2: memref<1280x128xf32, #tpu.memory_space<vmem>>, %arg3: memref<1280x32xf32, #tpu.memory_space<vmem>>, %arg4: memref<1x128xf32, #tpu.memory_space<vmem>>, %arg5: memref<128x64xf32, #tpu.memory_space<vmem>>, %arg6: memref<1280x64xf32, #tpu.memory_space<vmem>>) attributes {dimension_semantics = [#tpu.dimension_semantics<arbitrary>], iteration_bounds = array<i64: 8>, scalar_prefetch = 0 : i64, scratch_operands = 0 : i64, tpu.core_type = #tpu.core_type<tc>, window_params = [{transform_indices = @transform_0, window_bounds = array<i64: 1280, 128>}, {transform_indices = @transform_1, window_bounds = array<i64: 1280, 128>}, {transform_indices = @transform_2, window_bounds = array<i64: 1280, 32>}, {pipeline_mode = #tpu.pipeline_mode<synchronous>, transform_indices = @transform_3, window_bounds = array<i64: 1, 128>}, {pipeline_mode = #tpu.pipeline_mode<synchronous>, transform_indices = @transform_4, window_bounds = array<i64: 128, 64>}, {transform_indices = @transform_5, window_bounds = array<i64: 1280, 64>}]} {
    %get3A = arith.constant 0 : index
    %get3A_0 = arith.constant 0 : index
    %get3A_1 = vector.load %arg3[%get3A, %get3A_0] : memref<1280x32xf32, #tpu.memory_space<vmem>>, vector<1280x32xf32>
    %slice3A = vector.extract_strided_slice %get3A_1 {offsets = [0, 0], sizes = [1280, 1], strides = [1, 1]} : vector<1280x32xf32> to vector<1280x1xf32>
    %slice3A_2 = vector.extract_strided_slice %get3A_1 {offsets = [0, 16], sizes = [1280, 1], strides = [1, 1]} : vector<1280x32xf32> to vector<1280x1xf32>
    %add3A = arith.addf %slice3A, %slice3A_2 : vector<1280x1xf32>
    %add3A_3 = arith.constant 1.000000e+00 : f32
    %add3A_4 = vector.broadcast %add3A_3 : f32 to vector<1280x1xf32>
    %add3A_5 = arith.addf %add3A, %add3A_4 : vector<1280x1xf32>
    %rsqrt3A = math.rsqrt %add3A_5 : vector<1280x1xf32>
    %get3A_6 = arith.constant 0 : index
    %get3A_7 = arith.constant 0 : index
    %get3A_8 = vector.load %arg1[%get3A_6, %get3A_7] : memref<1280x128xf32, #tpu.memory_space<vmem>>, vector<1280x128xf32>
    %get3A_9 = arith.constant 0 : index
    %get3A_10 = arith.constant 0 : index
    %get3A_11 = vector.load %arg2[%get3A_9, %get3A_10] : memref<1280x128xf32, #tpu.memory_space<vmem>>, vector<1280x128xf32>
    %add3A_12 = arith.addf %get3A_8, %get3A_11 : vector<1280x128xf32>
    %mul3A = vector.broadcast %rsqrt3A : vector<1280x1xf32> to vector<1280x128xf32>
    %mul3A_13 = arith.mulf %mul3A, %add3A_12 : vector<1280x128xf32>
    %get3A_14 = arith.constant 0 : index
    %get3A_15 = arith.constant 0 : index
    %get3A_16 = vector.load %arg4[%get3A_14, %get3A_15] : memref<1x128xf32, #tpu.memory_space<vmem>>, vector<1x128xf32>
    %add3A_17 = vector.broadcast %get3A_16 : vector<1x128xf32> to vector<1280x128xf32>
    %add3A_18 = arith.addf %mul3A_13, %add3A_17 : vector<1280x128xf32>
    %max3A = arith.constant 0.000000e+00 : f32
    %max3A_19 = vector.broadcast %max3A : f32 to vector<1280x128xf32>
    %max3A_20 = arith.maximumf %add3A_18, %max3A_19 : vector<1280x128xf32>
    %get3A_21 = arith.constant 0 : index
    %get3A_22 = arith.constant 0 : index
    %get3A_23 = vector.load %arg5[%get3A_21, %get3A_22] : memref<128x64xf32, #tpu.memory_space<vmem>>, vector<128x64xf32>
    %dot_general3A = arith.constant dense<0.000000e+00> : vector<1280x64xf32>
    %dot_general3A_24 = tpu.matmul %max3A_20, %get3A_23, %dot_general3A {dimension_numbers = #tpu.dot_dimension_numbers<[1], [0], [0], [1], [0, 0, 1, 1], [], []>, transpose_lhs_hint = false} : vector<1280x128xf32>, vector<128x64xf32>, vector<1280x64xf32> -> vector<1280x64xf32>
    %mul3A_25 = vector.broadcast %rsqrt3A : vector<1280x1xf32> to vector<1280x64xf32>
    %mul3A_26 = arith.mulf %dot_general3A_24, %mul3A_25 : vector<1280x64xf32>
    %swap3A = arith.constant 0 : index
    %swap3A_27 = arith.constant 0 : index
    %swap3A_28 = vector.load %arg6[%swap3A, %swap3A_27] : memref<1280x64xf32, #tpu.memory_space<vmem>>, vector<1280x64xf32>
    tpu.vector_store %arg6[%swap3A, %swap3A_27], %mul3A_26 {strides = array<i32>} : memref<1280x64xf32, #tpu.memory_space<vmem>>, vector<1280x64xf32>,
    return
  }
  func.func @transform_0(%arg0: i32) -> (i32, i32) {
    %c0_i32 = arith.constant 0 : i32
    %c0_i32_0 = arith.constant 0 : i32
    return %arg0, %c0_i32 : i32, i32
  }
  func.func @transform_1(%arg0: i32) -> (i32, i32) {
    %c0_i32 = arith.constant 0 : i32
    %c0_i32_0 = arith.constant 0 : i32
    return %arg0, %c0_i32 : i32, i32
  }
  func.func @transform_2(%arg0: i32) -> (i32, i32) {
    %c0_i32 = arith.constant 0 : i32
    %c0_i32_0 = arith.constant 0 : i32
    return %arg0, %c0_i32 : i32, i32
  }
  func.func @transform_3(%arg0: i32) -> (i32, i32) {
    %c0_i32 = arith.constant 0 : i32
    %c0_i32_0 = arith.constant 0 : i32
    %c0_i32_1 = arith.constant 0 : i32
    return %c0_i32, %c0_i32_0 : i32, i32
  }
  func.func @transform_4(%arg0: i32) -> (i32, i32) {
    %c0_i32 = arith.constant 0 : i32
    %c0_i32_0 = arith.constant 0 : i32
    %c0_i32_1 = arith.constant 0 : i32
    return %c0_i32, %c0_i32_0 : i32, i32
  }
  func.func @transform_5(%arg0: i32) -> (i32, i32) {
    %c0_i32 = arith.constant 0 : i32
    %c0_i32_0 = arith.constant 0 : i32
    return %arg0, %c0_i32 : i32, i32
  }
}

module attributes {stable_mosaic.version = 14 : i64} {
  func.func @_final_body(%arg0: i32, %arg1: memref<1000x128xf32, #tpu.memory_space<vmem>>, %arg2: memref<1000x32xf32, #tpu.memory_space<vmem>>, %arg3: memref<1x64xf32, #tpu.memory_space<vmem>>, %arg4: memref<1000x64xf32, #tpu.memory_space<vmem>>) attributes {dimension_semantics = [#tpu.dimension_semantics<arbitrary>], iteration_bounds = array<i64: 10>, scalar_prefetch = 0 : i64, scratch_operands = 0 : i64, tpu.core_type = #tpu.core_type<tc>, window_params = [{transform_indices = @transform_0, window_bounds = array<i64: 1000, 128>}, {transform_indices = @transform_1, window_bounds = array<i64: 1000, 32>}, {pipeline_mode = #tpu.pipeline_mode<synchronous>, transform_indices = @transform_2, window_bounds = array<i64: 1, 64>}, {transform_indices = @transform_3, window_bounds = array<i64: 1000, 64>}]} {
    %get3A = arith.constant 0 : index
    %get3A_0 = arith.constant 0 : index
    %get3A_1 = vector.load %arg1[%get3A, %get3A_0] : memref<1000x128xf32, #tpu.memory_space<vmem>>, vector<1000x64xf32>
    %get3A_2 = arith.constant 0 : index
    %get3A_3 = arith.constant 64 : index
    %get3A_4 = vector.load %arg1[%get3A_2, %get3A_3] : memref<1000x128xf32, #tpu.memory_space<vmem>>, vector<1000x64xf32>
    %add3A = arith.addf %get3A_1, %get3A_4 : vector<1000x64xf32>
    %get3A_5 = arith.constant 0 : index
    %get3A_6 = arith.constant 0 : index
    %get3A_7 = vector.load %arg2[%get3A_5, %get3A_6] : memref<1000x32xf32, #tpu.memory_space<vmem>>, vector<1000x32xf32>
    %slice3A = vector.extract_strided_slice %get3A_7 {offsets = [0, 0], sizes = [1000, 1], strides = [1, 1]} : vector<1000x32xf32> to vector<1000x1xf32>
    %slice3A_8 = vector.extract_strided_slice %get3A_7 {offsets = [0, 16], sizes = [1000, 1], strides = [1, 1]} : vector<1000x32xf32> to vector<1000x1xf32>
    %add3A_9 = arith.addf %slice3A, %slice3A_8 : vector<1000x1xf32>
    %add3A_10 = arith.constant 1.000000e+00 : f32
    %add3A_11 = vector.broadcast %add3A_10 : f32 to vector<1000x1xf32>
    %add3A_12 = arith.addf %add3A_9, %add3A_11 : vector<1000x1xf32>
    %rsqrt3A = math.rsqrt %add3A_12 : vector<1000x1xf32>
    %mul3A = vector.broadcast %rsqrt3A : vector<1000x1xf32> to vector<1000x64xf32>
    %mul3A_13 = arith.mulf %mul3A, %add3A : vector<1000x64xf32>
    %get3A_14 = arith.constant 0 : index
    %get3A_15 = arith.constant 0 : index
    %get3A_16 = vector.load %arg3[%get3A_14, %get3A_15] : memref<1x64xf32, #tpu.memory_space<vmem>>, vector<1x64xf32>
    %add3A_17 = vector.broadcast %get3A_16 : vector<1x64xf32> to vector<1000x64xf32>
    %add3A_18 = arith.addf %mul3A_13, %add3A_17 : vector<1000x64xf32>
    %reduce_max3A = arith.constant dense<0xFF800000> : vector<1000xf32>
    %reduce_max3A_19 = vector.multi_reduction <maximumf>, %add3A_18, %reduce_max3A [1] : vector<1000x64xf32> to vector<1000xf32>
    %broadcast_in_dim3A = vector.shape_cast %reduce_max3A_19 : vector<1000xf32> to vector<1000x1xf32>
    %sub3A = vector.broadcast %broadcast_in_dim3A : vector<1000x1xf32> to vector<1000x64xf32>
    %sub3A_20 = arith.subf %add3A_18, %sub3A : vector<1000x64xf32>
    %exp3A = math.exp %sub3A_20 : vector<1000x64xf32>
    %reduce_sum3A = arith.constant dense<0.000000e+00> : vector<1000xf32>
    %reduce_sum3A_21 = vector.multi_reduction <add>, %exp3A, %reduce_sum3A [1] : vector<1000x64xf32> to vector<1000xf32>
    %broadcast_in_dim3A_22 = vector.shape_cast %reduce_sum3A_21 : vector<1000xf32> to vector<1000x1xf32>
    %log3A = math.log %broadcast_in_dim3A_22 : vector<1000x1xf32>
    %sub3A_23 = vector.broadcast %log3A : vector<1000x1xf32> to vector<1000x64xf32>
    %sub3A_24 = arith.subf %sub3A_20, %sub3A_23 : vector<1000x64xf32>
    %swap3A = arith.constant 0 : index
    %swap3A_25 = arith.constant 0 : index
    %swap3A_26 = vector.load %arg4[%swap3A, %swap3A_25] : memref<1000x64xf32, #tpu.memory_space<vmem>>, vector<1000x64xf32>
    tpu.vector_store %arg4[%swap3A, %swap3A_25], %sub3A_24 {strides = array<i32>} : memref<1000x64xf32, #tpu.memory_space<vmem>>, vector<1000x64xf32>,
    return
  }
  func.func @transform_0(%arg0: i32) -> (i32, i32) {
    %c0_i32 = arith.constant 0 : i32
    %c0_i32_0 = arith.constant 0 : i32
    return %arg0, %c0_i32 : i32, i32
  }
  func.func @transform_1(%arg0: i32) -> (i32, i32) {
    %c0_i32 = arith.constant 0 : i32
    %c0_i32_0 = arith.constant 0 : i32
    return %arg0, %c0_i32 : i32, i32
  }
  func.func @transform_2(%arg0: i32) -> (i32, i32) {
    %c0_i32 = arith.constant 0 : i32
    %c0_i32_0 = arith.constant 0 : i32
    %c0_i32_1 = arith.constant 0 : i32
    return %c0_i32, %c0_i32_0 : i32, i32
  }
  func.func @transform_3(%arg0: i32) -> (i32, i32) {
    %c0_i32 = arith.constant 0 : i32
    %c0_i32_0 = arith.constant 0 : i32
    return %arg0, %c0_i32 : i32, i32
  }
}

</mosaic_0001>

<sc_bundles>
// kernel: kernel.12.cloned.1.call-start
scs
__scs_entry_jumppad:
0x0: {  	(pc) =	sbr.rel $0x88, $3  }
0x1: {  	(tag) =	ssettag $0x0;
	lr =	simm.s32 $0x1  }
0x2: {  	[smem:$0x3F9B] =	sst lr;
	_ =	strace $0xD0000000  }
0x3: {  	_ = 	snop  }
0x4: {  	_ = 	snop  }
0x5: {  	_ = 	snop  }
0x6: {  	_ = 	snop  }
0x7: {  	_ = 	snop  }
__scs_overlays_trampoline_lowered:
0x8: {  	[smem:$0x3FAA] =	sst s0  }
0x9: {  	[smem:$0x3FAB] =	sst s1  }
0xa: {  	[smem:$0x3FAC] =	sst s2  }
0xb: {  	[smem:$0x3FAD] =	sst s3  }
0xc: {  	[smem:$0x3FAE] =	sst s4  }
0xd: {  	[smem:$0x3FAF] =	sst s5  }
0xe: {  	[smem:$0x3FB0] =	sst s6  }
0xf: {  	[smem:$0x3FB1] =	sst s7  }
0x10: {  	[smem:$0x3FB2] =	sst s8  }
0x11: {  	[smem:$0x3FB3] =	sst s9;
	s0 =	simm.s32 @!p0 $0x0  }
0x12: {  	s1 =	sld [smem:$0x3F99];
	s0 =	simm.s32 @p0 $0x1  }
0x13: {  	[smem:$0x3FB4] =	sst s0;
	s0 =	simm.s32 @!p1 $0x0  }
0x14: {  	s2 =	sld [smem:$0x3F98];
	s0 =	simm.s32 @p1 $0x1  }
0x15: {  	[smem:$0x3FB5] =	sst s0;
	s0 =	simm.s32 @!p2 $0x0  }
0x16: {  	s3 =	sld [smem:$0x3FDB];
	s0 =	simm.s32 @p2 $0x1  }
0x17: {  	s4 =	simm.s32 $0x1BF5;
	[smem:$0x3FB7] =	sst s0  }
0x18: {  	s0 =	sld [smem:$0x3F9A];
	_ =	swait.ge [sflag:s4], $0x0  }
0x19: {  	s7 =	sld [smem:$0x3F9B]  }
0x1a: {  	s8 =	sadd.s32 $0xFFFFE003, lr  }
0x1b: {  	s9 =	sadd.s32 $0xFFFFFEF7, lr;
	s5 =	simm.s32 $0xFFFFFFFF;
	p2 =	slt.u32 s8, $0xFFFFF086  }
0x1c: {  	p1 =	slt.u32 s9, $0xF7A;
	s5 =	simm.s32 @!p2 $0x0  }
0x1d: {  	s5 =	simm.s32 @p1 $0x1;
	p0 =	seq.s32 s7, s2  }
0x1e: {  	s7 =	smul.u32 @!p0 $0xF7A, s2;
	p2 =	seq.s32 @!p0 s5, $0x0  }
0x1f: {  	s9 =	smul.u32 $0xF7A, s1;
	s8 =	simm.s32 @!p0 $0x1BF5;
	p2 =	por !p2, p0  }
0x20: {  	[sflag:s8] =	ssyncset.s32 @!p0 $0xFFFFF086;
	s6 =	sadd.s32 @!p0 s3, s7;
	s7 =	simm.s32 @!p0 $0x108  }
0x21: {  	s3 =	sadd.s32 s3, s9;
	s6 =	sadd.s32 @!p0 $0x88, s6;
	s7 =	simm.s32 @p2 $0x1082  }
0x22: {  	[simem:s7], [sflag:s8] =	dma.local @!p0 [hbm:s6], $0xF7A  }
0x23: {  	s9 =	sor.u32 $0xD0000000, s2;
	s6 =	simm.s32 $0x108;
	_ =	swait.ge @!p0 [sflag:s8], $0x0  }
0x24: {  	s3 =	sadd.s32 $0x88, s3;
	s6 =	simm.s32 @!p1 $0x1082;
	[sflag:s4] =	ssyncset.s32 $0xFFFFF086  }
0x25: {  	[simem:s6], [sflag:s4] =	dma.local [hbm:s3], $0xF7A  }
0x26: {  	[smem:$0x3F9B] =	sst s1;
	(tag) =	ssettag s2;
	_ =	strace s9  }
0x27: {  	s1 =	sld [smem:$0x3FAB]  }
0x28: {  	s2 =	sld [smem:$0x3FAC]  }
0x29: {  	s4 =	sld [smem:$0x3FAE]  }
0x2a: {  	p0 =	seq.s32 s5, $0x0;
	s5 =	sld [smem:$0x3FAF]  }
0x2b: {  	s6 =	sld [smem:$0x3FB0]  }
0x2c: {  	s7 =	sld [smem:$0x3FB1]  }
0x2d: {  	s3 =	simm.s32 $0x108;
	s8 =	sld [smem:$0x3FB2]  }
0x2e: {  	s3 =	simm.s32 @!p0 $0x1082;
	s9 =	sld [smem:$0x3FB3]  }
0x2f: {  	lr =	sadd.s32 s0, s3;
	s0 =	sld [smem:$0x3FAA]  }
0x30: {  	s3 =	sld [smem:$0x3FAD]  }
0x31: {  	[smem:$0x3FB6] =	sst s10  }
0x32: {  	s10 =	sld [smem:$0x3FB4];
	_ =	sdelay $0x3  }
0x33: {  	p0 =	seq.s32 s10, $0x1;
	s10 =	sld [smem:$0x3FB6];
	_ =	sdelay $0x3  }
0x34: {  	[smem:$0x3FB6] =	sst s10  }
0x35: {  	s10 =	sld [smem:$0x3FB5];
	_ =	sdelay $0x3  }
0x36: {  	p1 =	seq.s32 s10, $0x1;
	s10 =	sld [smem:$0x3FB6];
	_ =	sdelay $0x3  }
0x37: {  	[smem:$0x3FB6] =	sst s10  }
0x38: {  	s10 =	sld [smem:$0x3FB7]  }
0x39: {  	_ = 	snop;
	(pc) =	sbr.ind lr, $3  }
0x3a: {  	_ = 	snop  }
0x3b: {  	_ = 	snop  }
0x3c: {  	p2 =	seq.s32 s10, $0x1;
	s10 =	sld [smem:$0x3FB6]  }
0x3d: {  	_ =	shalt  }
0x3e: {  	_ =	shalt  }
0x3f: {  	_ =	shalt  }
0x40: {  	_ =	shalt  }
0x41: {  	_ =	shalt  }
0x42: {  	_ =	shalt  }
0x43: {  	_ =	shalt  }
0x44: {  	_ =	shalt  }
0x45: {  	_ =	shalt  }
0x46: {  	_ =	shalt  }
0x47: {  	_ =	shalt  }
0x48: {  	_ =	shalt  }
0x49: {  	_ =	shalt  }
0x4a: {  	_ =	shalt  }
0x4b: {  	_ =	shalt  }
0x4c: {  	_ =	shalt  }
0x4d: {  	_ =	shalt  }
0x4e: {  	_ =	shalt  }
0x4f: {  	_ =	shalt  }
0x50: {  	_ =	shalt  }
0x51: {  	_ =	shalt  }
0x52: {  	_ =	shalt  }
0x53: {  	_ =	shalt  }
0x54: {  	_ =	shalt  }
0x55: {  	_ =	shalt  }
0x56: {  	_ =	shalt  }
0x57: {  	_ =	shalt  }
0x58: {  	_ =	shalt  }
0x59: {  	_ =	shalt  }
0x5a: {  	_ =	shalt  }
0x5b: {  	_ =	shalt  }
0x5c: {  	_ =	shalt  }
0x5d: {  	_ =	shalt  }
0x5e: {  	_ =	shalt  }
0x5f: {  	_ =	shalt  }
0x60: {  	_ =	shalt  }
0x61: {  	_ =	shalt  }
0x62: {  	_ =	shalt  }
0x63: {  	_ =	shalt  }
0x64: {  	_ =	shalt  }
0x65: {  	_ =	shalt  }
0x66: {  	_ =	shalt  }
0x67: {  	_ =	shalt  }
0x68: {  	_ =	shalt  }
0x69: {  	_ =	shalt  }
0x6a: {  	_ =	shalt  }
0x6b: {  	_ =	shalt  }
0x6c: {  	_ =	shalt  }
0x6d: {  	_ =	shalt  }
0x6e: {  	_ =	shalt  }
0x6f: {  	_ =	shalt  }
0x70: {  	_ =	shalt  }
0x71: {  	_ =	shalt  }
0x72: {  	_ =	shalt  }
0x73: {  	_ =	shalt  }
0x74: {  	_ =	shalt  }
0x75: {  	_ =	shalt  }
0x76: {  	_ =	shalt  }
0x77: {  	_ =	shalt  }
0x78: {  	_ =	shalt  }
0x79: {  	_ =	shalt  }
0x7a: {  	_ =	shalt  }
0x7b: {  	_ =	shalt  }
0x7c: {  	_ =	shalt  }
0x7d: {  	_ =	shalt  }
0x7e: {  	_ =	shalt  }
0x7f: {  	_ =	shalt  }
0x80: {  	_ =	shalt  }
0x81: {  	_ =	shalt  }
0x82: {  	_ =	shalt  }
0x83: {  	_ =	shalt  }
0x84: {  	_ =	shalt  }
0x85: {  	_ =	shalt  }
0x86: {  	_ =	shalt  }
0x87: {  	_ =	shalt  }
.Lfunc_end0:
.L_simem_size_0:
called_computation.1_lowered:
.L_overlay_start_0:
0x88: {  	s2 =	sld [smem:$0x3FD9]  }
0x89: {  	s3 =	sld [smem:$0x3FFE];
	_ =	sdelay $0x1  }
0x8a: {  	s1 =	srdreg.scid  }
0x8b: {  	s0 =	sand.u32 $0x1, s1  }
0x8c: {  	s17 =	sshll.u32 s0, $0xA;
	s2 =	sadd.s32 s3, s2  }
0x8d: {  	s2 =	sadd.s32 s2, s17  }
0x8e: {  	[smem:$0x3FC2] =	sst s2  }
0x8f: {  	_ = 	snop  }
0x90: {  	s2 =	sld [smem:$0x3FD0];
	(tm) =	ssettm $0x1  }
0x91: {  	s18 =	sld [smem:$0x3FFB];
	_ =	sdelay $0x3  }
0x92: {  	_ =	strace s18  }
0x93: {  	s3 =	sld [smem:$0x3FFC];
	_ =	sdelay $0x3  }
0x94: {  	_ =	strace s3  }
0x95: {  	s3 =	sld [smem:$0x3FFD];
	_ =	sdelay $0x3  }
0x96: {  	_ =	strace s3  }
0x97: {  	_ =	strace $0x8FFFFFFF  }
0x98: {  	s19 =	sld [smem:$0x3FDB];
	_ =	sdelay $0x1  }
0x99: {  	s4 =	simm.s32 $_scs_section_size  }
0x9a: {  	s5 =	simm.s32 $_size__tile_overlayer_lowered;
	s6 =	simm.s32 $_tile_overlayer_lowered  }
0x9b: {  	s22 =	simm.s32 $0x1BFF;
	s21 =	sshll.u32 s6, $0x1;
	s3 =	sadd.s32 s4, s19  }
0x9c: {  	s7 =	simm.s32 $0x0;
	s20 =	sshll.u32 s5, $0x1;
	s5 =	sadd.s32 s21, s3  }
0x9d: {  	[timem:s7], [sflag:s22] =	dma.local [hbm:s5], s20  }
0x9e: {  	_ =	swait.ge [sflag:s22], s20  }
0x9f: {  	s4 =	ssub.s32 $0x0, s20;
	[sflag:s22] =	ssyncset.done $0x0  }
0xa0: {  	[sflag:s22] =	ssyncadd.s32 s4;
	_ =	sdelay $0x1  }
0xa1: {  	s23 =	simm.s32 $0x1B8B  }
0xa2: {  	_ =	swait.ge [sflag:s23], $0x1  }
0xa3: {  	[sflag:s23] =	ssyncset.done $0x0  }
0xa4: {  	s25 =	simm.s32 $0x1B8E;
	s24 =	sld [smem:$0x3FFE];
	[sflag:s23] =	ssyncadd.s32 $0xFFFFFFFF  }
0xa5: {  	s26 =	simm.s32 $execute0_lowered;
	[smem:$0x3FD2] =	sst s25  }
0xa6: {  	s5 =	sshll.u32 s26, $0x1;
	_ =	strace $0x80000049;
	[dreg:$0x1] =	wrdreg $0xFFFFFFFF  }
0xa7: {  	s28 =	simm.s32 $_size_execute0_lowered;
	s3 =	sadd.s32 s3, s5;
	[dreg:$0x0] =	wrdreg $0x0  }
0xa8: {  	s5 =	sshll.u32 s28, $0x1;
	[dreg:$0x2] =	wrdreg s3  }
0xa9: {  	[dreg:$0x3] =	wrdreg s5  }
0xaa: {  	[dreg:$0x4] =	wrdreg $0xC0  }
0xab: {  	_ =	task [dreg:s7], $0x5FFFF  }
0xac: {  	[dreg:$0x1] =	wrdreg $0xFFFFFFFF  }
0xad: {  	[dreg:$0x0] =	wrdreg $0x60  }
0xae: {  	[dreg:$0x2] =	wrdreg s24  }
0xaf: {  	[dreg:$0x3] =	wrdreg s2  }
0xb0: {  	[dreg:$0x4] =	wrdreg $0xA8000  }
0xb1: {  	[dreg:$0x5] =	wrdreg $0x9  }
0xb2: {  	_ =	task.clear_ibuf [dreg:s7], $0x6FFFF;
	_ =	strace $0x90000049  }
0xb3: {  	s29 =	simm.s32 $0x9;
	_ =	strace $0x8000004B  }
0xb4: {  	_ =	swait.ge [sflag:s29], $0x1  }
0xb5: {  	[sflag:s29] =	ssyncadd.s32 $0xFFFFFFFF  }
0xb6: {  	_ =	strace $0x9000004B  }
0xb7: {  	_ =	sfence  }
0xb8: {  	s30 =	sld [smem:$0x0];
	_ =	sdelay $0x2  }
0xb9: {  	s31 =	sshll.u32 s1, $0xD;
	s1 =	sshrl.u32 s1, $0x2  }
0xba: {  	s3 =	sand.u32 $0x4000, s31;
	s1 =	sadd.s32 s1, s30  }
0xbb: {  	s0 =	sor.u32 s3, s0;
	s1 =	sshll.u32 s1, $0x11  }
0xbc: {  	s0 =	sor.u32 s1, s0  }
0xbd: {  	s0 =	sadd.s32 $0x8F2B, s0  }
0xbe: {  	[sflag:s0] =	ssyncadd.remote.s32 $0x1  }
0xbf: {  	_ =	sfence.sel $0xFFFF  }
0xc0: {  	[dreg:$0x0] =	wrdreg $0xFFFFFFFF;
	(pc) =	sbr.abs _section_cstart, $3  }
0xc1: {  	[dreg:$0x1] =	wrdreg $0xFFFFFFFF  }
0xc2: {  	_ =	task.clear_ibuf [dreg:s7], $0x2FFFF;
	_ =	strace $0x9FFFFFFF  }
0xc3: {  	(tm) =	ssettm $0x7FFFFFFF  }
tec
execute0_lowered:
.L_overlay_start_1:
0x0: {  	(tag) =	ssettag $0x1  }
0x1: {  	s0 =	rddreg [dreg:$0x0]  }
0x2: {  	s1 =	rddreg [dreg:$0x1];
	s3 =	srdreg.scid  }
0x3: {  	s26 =	stileid.u32;
	s2 =	rddreg [dreg:$0x2];
	s18 =	simm.s32 $0x2A800  }
0x4: {  	s20 =	simm.s32 $0x2700;
	s21 =	simm.s32 $0x2780;
	s28 =	simm.s32 $0x2800  }
0x5: {  	s29 =	simm.s32 $0x6800;
	s30 =	simm.s32 $0x2;
	s31 =	simm.s32 $0x3  }
0x6: {  	s9 =	sand.u32 $0x1, s3;
	s22 =	sshll.u32 s26, $0x1;
	s8 =	smul.u32 $0x50000, s26  }
0x7: {  	s3 =	simm.s32 $0x0;
	s4 =	sadd.s32 $0x2800, s0;
	s14 =	smul.u32 $0x14000, s26  }
0x8: {  	s12 =	sadd.s32 $0x9C40, s1;
	s17 =	smul.u32 $0x9C0, s26;
	p1 =	sgt.u32 s26, $0x1  }
0x9: {  	s26 =	simm.s32 $0x80;
	s10 =	sor.u32 s9, s22;
	s5 =	ssub.s32 $0x2, s9  }
0xa: {  	[smem:$0x7FF] =	sst s3;
	p0 =	seq.s32 s9, $0x0;
	s19 =	smul.u32 $0x4E0, s9  }
0xb: {  	s22 =	simm.s32 $0x7;
	s6 =	smul.u32 $0x4E0, s10;
	s7 =	sshrl.u32 s5, $0x1  }
0xc: {  	_ =	strace $0x8000004A;
	s8 =	sshrl.u32 s8, $0x2;
	s10 =	sshll.u32 s10, $0x4  }
0xd: {  	s18 =	simm.s32 @!p0 $0x52800;
	p0 =	sne.s32 s9, $0x0;
	s11 =	ssub.s32 s5, s7  }
0xe: {  	s8 =	sadd.s32 s8, s2;
	s10 =	sor.u32 $0x9C00, s10;
	s0 =	sadd.s32 s18, s0  }
0xf: {  	s5 =	sadd.s32 s1, s6;
	s6 =	sadd.s32 s6, s12;
	s13 =	sadd.s32 $0x4000, s8  }
0x10: {  	s23 =	sadd.s32 $0x8000, s8;
	s24 =	sadd.s32 $0xC000, s8;
	[dreg:$0x4] =	wrdreg s8  }
0x11: {  	s8 =	sadd.s32 $0x10000, s8;
	s15 =	sadd.s32 s1, s10;
	[dreg:$0x5] =	wrdreg s13  }
0x12: {  	s16 =	sadd.s32 s10, s12;
	s1 =	sadd.s32 s17, s1;
	[dreg:$0x6] =	wrdreg s23  }
0x13: {  	s17 =	smax.u32 s11, $0x1;
	s10 =	simm.s32 $0x0;
	[dreg:$0x7] =	wrdreg s24  }
0x14: {  	s7 =	sadd.s32 $0x10, s5;
	[dreg:$0x8] =	wrdreg s8;
	s13 =	sadd.s32 s14, s2  }
0x15: {  	s14 =	sshrl.u32 s14, $0x3;
	s1 =	sadd.s32 s19, s1;
	s23 =	simm.s32 $0x1  }
0x16: {  	s24 =	simm.s32 $0x4;
	s25 =	sadd.s32 s4, s14;
	s18 =	sadd.s32 s0, s14  }
0x17: {  	v0 =	vimm.f32 $0.0e+00;
	s19 =	sadd.s32 $0x20, s1;
	[dreg:$0x9] =	wrdreg s25;
	s25 =	simm.s32 $0x5  }
.LBB2_1:
0x18: {  	[tilespmem:s3], [sflag:$0x1] =	stream.linear.gather [hbm4b:s6+s3], $0x2700, $0x38;
	[tilespmem:$0x1E800] =	vst v63  }
.Ltmp0:
0x19: {  	s0 =	stileid.u32;
	(pc) =	sbr.rel @p0 .LBB2_3-.Ltmp0, $4  }
0x1a: {  	s0 =	sshll.u32 s0, $0x6  }
0x1b: {  	[tilespmem:s20], [sflag:$0x4] =	stream.linear.gather [hbm4b:s5+s3], $0x80, $0x38;
	[tilespmem:$0x1E800] =	vst v63  }
0x1c: {  	s11 =	sshrl.u32 s13, $0x3;
	s12 =	sor.u32 $0x1C07, s0  }
0x1d: {  	[tilespmem:s21], [sflag:$0x5] =	stream.linear.gather [hbm4b:s7+s3], $0x80, $0x38;
	[tilespmem:$0x1E800] =	vst v63  }
.Ltmp1:
0x1e: {  	s0 =	rddreg [dreg:$0x9];
	(pc) =	sbr.rel .LBB2_6-.Ltmp1, $4  }
0x1f: {  	[spmem:s11], [sflag:s12] =	dma.local [hbm:s0], $0x2800  }
0x20: {  	_ =	swait.ge [sflag:s22], $0x2800  }
0x21: {  	[sflag:s22] =	ssyncset.done $0x0  }
0x22: {  	[sflag:s22] =	ssyncadd.s32 $0xFFFFD800  }
.LBB2_3:
0x23: {  	s0 =	sshra.s32 s3, $0x2;
	s14 =	sadd.s32 $0x200, s3  }
.LBB2_4:
0x24: {  	p2 =	sne.s32 s14, $0xFE00;
	[tilespmem:s0+$0x2870] =	vst v0  }
0x25: {  	[tilespmem:s0+$0x2800] =	vst v0  }
0x26: {  	[tilespmem:s0+$0x2810] =	vst v0  }
.Ltmp2:
0x27: {  	[tilespmem:s0+$0x2820] =	vst v0;
	(pc) =	sbr.rel @p2 .LBB2_4-.Ltmp2, $4  }
0x28: {  	[tilespmem:s0+$0x2830] =	vst v0  }
0x29: {  	[tilespmem:s0+$0x2840] =	vst v0  }
0x2a: {  	[tilespmem:s0+$0x2850] =	vst v0  }
0x2b: {  	[tilespmem:s0+$0x2860] =	vst v0;
	s0 =	sshra.s32 s14, $0x2;
	s14 =	sadd.s32 $0x200, s14  }
0x2c: {  	[tilespmem:s0+$0x2870] =	vst v0  }
0x2d: {  	[tilespmem:s0+$0x2800] =	vst v0  }
0x2e: {  	[tilespmem:s0+$0x2810] =	vst v0  }
0x2f: {  	[tilespmem:s0+$0x2820] =	vst v0  }
0x30: {  	[tilespmem:s0+$0x2830] =	vst v0  }
0x31: {  	[tilespmem:s0+$0x2840] =	vst v0  }
0x32: {  	[tilespmem:s0+$0x2850] =	vst v0  }
0x33: {  	[tilespmem:s0+$0x2860] =	vst v0;
	s14 =	rddreg [dreg:$0x4]  }
0x34: {  	[spmem:s14] =	stream.linear.scatter [tilespmem:s28], [sflag:$0x7], $0x4000, $0x38;
	[tilespmem:$0x1E800] =	vst v63  }
0x35: {  	_ =	swait.ge [sflag:s22], $0x4000  }
0x36: {  	[sflag:s22] =	ssyncset.done $0x0  }
0x37: {  	s1 =	rddreg [dreg:$0x5];
	[sflag:s22] =	ssyncadd.s32 $0xFFFFC000  }
0x38: {  	[spmem:s1] =	stream.linear.scatter [tilespmem:s28], [sflag:$0x7], $0x4000, $0x38;
	[tilespmem:$0x1E800] =	vst v63  }
0x39: {  	_ =	swait.ge [sflag:s22], $0x4000  }
0x3a: {  	[sflag:s22] =	ssyncset.done $0x0  }
0x3b: {  	s8 =	rddreg [dreg:$0x6];
	[sflag:s22] =	ssyncadd.s32 $0xFFFFC000  }
0x3c: {  	[spmem:s8] =	stream.linear.scatter [tilespmem:s28], [sflag:$0x7], $0x4000, $0x38;
	[tilespmem:$0x1E800] =	vst v63  }
0x3d: {  	_ =	swait.ge [sflag:s22], $0x4000  }
0x3e: {  	[sflag:s22] =	ssyncset.done $0x0  }
0x3f: {  	s9 =	rddreg [dreg:$0x7];
	[sflag:s22] =	ssyncadd.s32 $0xFFFFC000  }
0x40: {  	[spmem:s9] =	stream.linear.scatter [tilespmem:s28], [sflag:$0x7], $0x4000, $0x38;
	[tilespmem:$0x1E800] =	vst v63  }
0x41: {  	_ =	swait.ge [sflag:s22], $0x4000  }
0x42: {  	[sflag:s22] =	ssyncset.done $0x0  }
0x43: {  	s14 =	rddreg [dreg:$0x8];
	[sflag:s22] =	ssyncadd.s32 $0xFFFFC000  }
0x44: {  	[spmem:s14] =	stream.linear.scatter [tilespmem:s28], [sflag:$0x7], $0x4000, $0x38;
	[tilespmem:$0x1E800] =	vst v63  }
0x45: {  	_ =	swait.ge [sflag:s22], $0x4000  }
0x46: {  	[sflag:s22] =	ssyncset.done $0x0  }
0x47: {  	[sflag:s22] =	ssyncadd.s32 $0xFFFFC000  }
.LBB2_6:
0x48: {  	[bflag:$0x0] =	sbarrier.arrive $0xFFFF  }
0x49: {  	_ =	swait.ge [sflag:s23], $0x2700  }
0x4a: {  	[sflag:s23] =	ssyncset.done $0x0  }
0x4b: {  	[sflag:s23] =	ssyncadd.s32 $0xFFFFD900  }
0x4c: {  	_ =	swait.ge [sflag:s24], $0x80  }
0x4d: {  	[sflag:s24] =	ssyncset.done $0x0  }
0x4e: {  	[sflag:s24] =	ssyncadd.s32 $0xFFFFFF80  }
0x4f: {  	_ =	swait.ge [sflag:s25], $0x80  }
0x50: {  	[sflag:s25] =	ssyncset.done $0x0  }
0x51: {  	[sflag:s25] =	ssyncadd.s32 $0xFFFFFF80  }
0x52: {  	[tilespmem:s28], [sflag:$0x2] =	stream.indirect.gather [hbm4b:s4+s26], $0x80, s20, s26, $0xb8;
	[tilespmem:$0x1E800] =	vst v63  }
0x53: {  	_ = 	snop  }
0x54: {  	[tilespmem:s29], [sflag:$0x3] =	stream.indirect.gather [hbm4b:s4+s26], $0x80, s21, s26, $0xb8;
	[tilespmem:$0x1E800] =	vst v63  }
0x55: {  	_ =	swait.ge [sflag:s30], $0x4000  }
0x56: {  	[sflag:s30] =	ssyncset.done $0x0  }
0x57: {  	[sflag:s30] =	ssyncadd.s32 $0xFFFFC000  }
0x58: {  	[tilespmem:s20], [sflag:$0x4] =	stream.linear.gather [hbm4b:s19+s3], $0x80, $0x38;
	[tilespmem:$0x1E800] =	vst v63  }
0x59: {  	s0 =	simm.s32 $0x0  }
0x5a: {  	[spmem:s2] =	stream.indirect.scatter.add.f32 [tilespmem:s28], [sflag:$0x7], $0x80, s0, s26, $0xb8;
	[tilespmem:$0x1E800] =	vst v63  }
0x5b: {  	_ =	swait.ge [sflag:s22], $0x4000  }
0x5c: {  	[sflag:s22] =	ssyncset.done $0x0  }
0x5d: {  	[sflag:s22] =	ssyncadd.s32 $0xFFFFC000  }
0x5e: {  	_ =	swait.ge [sflag:s24], $0x80  }
0x5f: {  	[sflag:s24] =	ssyncset.done $0x0  }
0x60: {  	[sflag:s24] =	ssyncadd.s32 $0xFFFFFF80  }
0x61: {  	[tilespmem:s28], [sflag:$0x2] =	stream.indirect.gather [hbm4b:s4+s26], $0x80, s20, s26, $0xb8;
	[tilespmem:$0x1E800] =	vst v63  }
0x62: {  	_ =	swait.ge [sflag:s31], $0x4000  }
0x63: {  	[sflag:s31] =	ssyncset.done $0x0  }
0x64: {  	s9 =	sadd.s32 $0x10, s19;
	[sflag:s31] =	ssyncadd.s32 $0xFFFFC000  }
0x65: {  	[tilespmem:s21], [sflag:$0x5] =	stream.linear.gather [hbm4b:s9+s3], $0x80, $0x38;
	[tilespmem:$0x1E800] =	vst v63  }
0x66: {  	s14 =	simm.s32 $0x80  }
0x67: {  	[spmem:s2] =	stream.indirect.scatter.add.f32 [tilespmem:s29], [sflag:$0x7], $0x80, s14, s26, $0xb8;
	[tilespmem:$0x1E800] =	vst v63  }
0x68: {  	_ =	swait.ge [sflag:s22], $0x4000  }
0x69: {  	[sflag:s22] =	ssyncset.done $0x0  }
0x6a: {  	[sflag:s22] =	ssyncadd.s32 $0xFFFFC000  }
0x6b: {  	_ =	swait.ge [sflag:s25], $0x80  }
0x6c: {  	[sflag:s25] =	ssyncset.done $0x0  }
0x6d: {  	s0 =	sadd.s32 $0x20, s19;
	s14 =	simm.s32 $0x400;
	[sflag:s25] =	ssyncadd.s32 $0xFFFFFF80  }
.LBB2_7:
0x6e: {  	[tilespmem:s29], [sflag:$0x3] =	stream.indirect.gather [hbm4b:s4+s26], $0x80, s21, s26, $0xb8;
	[tilespmem:$0x1E800] =	vst v63  }
0x6f: {  	s1 =	smov.u32 s14  }
0x70: {  	p2 =	sne.s32 s14, $0x9400;
	s14 =	sadd.s32 $0x400, s14;
	_ =	swait.ge [sflag:s30], $0x4000  }
0x71: {  	[sflag:s30] =	ssyncset.done $0x0  }
0x72: {  	[sflag:s30] =	ssyncadd.s32 $0xFFFFC000  }
0x73: {  	[tilespmem:s20], [sflag:$0x4] =	stream.linear.gather [hbm4b:s0+s3], $0x80, $0x38;
	[tilespmem:$0x1E800] =	vst v63  }
0x74: {  	s1 =	sshra.s32 s1, $0x2  }
0x75: {  	[spmem:s2] =	stream.indirect.scatter.add.f32 [tilespmem:s28], [sflag:$0x7], $0x80, s1, s26, $0xb8;
	[tilespmem:$0x1E800] =	vst v63  }
0x76: {  	_ =	swait.ge [sflag:s22], $0x4000  }
0x77: {  	[sflag:s22] =	ssyncset.done $0x0  }
0x78: {  	[sflag:s22] =	ssyncadd.s32 $0xFFFFC000  }
0x79: {  	_ =	swait.ge [sflag:s24], $0x80  }
0x7a: {  	[sflag:s24] =	ssyncset.done $0x0  }
0x7b: {  	[sflag:s24] =	ssyncadd.s32 $0xFFFFFF80  }
0x7c: {  	[tilespmem:s28], [sflag:$0x2] =	stream.indirect.gather [hbm4b:s4+s26], $0x80, s20, s26, $0xb8;
	[tilespmem:$0x1E800] =	vst v63  }
0x7d: {  	_ =	swait.ge [sflag:s31], $0x4000  }
0x7e: {  	[sflag:s31] =	ssyncset.done $0x0  }
0x7f: {  	s9 =	sadd.s32 $0x10, s0;
	[sflag:s31] =	ssyncadd.s32 $0xFFFFC000  }
0x80: {  	[tilespmem:s21], [sflag:$0x5] =	stream.linear.gather [hbm4b:s9+s3], $0x80, $0x38;
	[tilespmem:$0x1E800] =	vst v63  }
0x81: {  	s1 =	sadd.s32 $0x80, s1  }
0x82: {  	[spmem:s2] =	stream.indirect.scatter.add.f32 [tilespmem:s29], [sflag:$0x7], $0x80, s1, s26, $0xb8;
	[tilespmem:$0x1E800] =	vst v63  }
0x83: {  	_ =	swait.ge [sflag:s22], $0x4000  }
.Ltmp3:
0x84: {  	[sflag:s22] =	ssyncset.done $0x0;
	(pc) =	sbr.rel @p2 .LBB2_7-.Ltmp3, $4  }
0x85: {  	[sflag:s22] =	ssyncadd.s32 $0xFFFFC000  }
0x86: {  	_ =	swait.ge [sflag:s25], $0x80  }
0x87: {  	[sflag:s25] =	ssyncset.done $0x0  }
0x88: {  	s0 =	sadd.s32 $0x20, s0;
	[sflag:s25] =	ssyncadd.s32 $0xFFFFFF80  }
0x89: {  	[tilespmem:s29], [sflag:$0x3] =	stream.indirect.gather [hbm4b:s4+s26], $0x80, s21, s26, $0xb8;
	[tilespmem:$0x1E800] =	vst v63  }
0x8a: {  	_ =	swait.ge [sflag:s30], $0x4000  }
0x8b: {  	[sflag:s30] =	ssyncset.done $0x0  }
0x8c: {  	s0 =	simm.s32 $0x2600;
	[sflag:s30] =	ssyncadd.s32 $0xFFFFC000  }
0x8d: {  	[spmem:s2] =	stream.indirect.scatter.add.f32 [tilespmem:s28], [sflag:$0x7], $0x80, s0, s26, $0xb8;
	[tilespmem:$0x1E800] =	vst v63  }
0x8e: {  	_ =	swait.ge [sflag:s22], $0x4000  }
0x8f: {  	[sflag:s22] =	ssyncset.done $0x0  }
0x90: {  	[sflag:s22] =	ssyncadd.s32 $0xFFFFC000  }
0x91: {  	_ =	swait.ge [sflag:s31], $0x4000  }
0x92: {  	[sflag:s31] =	ssyncset.done $0x0  }
0x93: {  	s14 =	simm.s32 $0x2680;
	[sflag:s31] =	ssyncadd.s32 $0xFFFFC000  }
0x94: {  	[spmem:s2] =	stream.indirect.scatter.add.f32 [tilespmem:s29], [sflag:$0x7], $0x80, s14, s26, $0xb8;
	[tilespmem:$0x1E800] =	vst v63  }
0x95: {  	_ =	swait.ge [sflag:s22], $0x4000  }
0x96: {  	s1 =	simm.s32 @!p1 $0x2700;
	[sflag:s22] =	ssyncset.done $0x0  }
0x97: {  	s9 =	simm.s32 @!p1 $0x7;
	s0 =	simm.s32 @!p1 $0x0;
	[sflag:s22] =	ssyncadd.s32 $0xFFFFC000  }
0x98: {  	[tilespmem:s1], [sflag:$0x7] =	stream.linear.gather @!p1 [hbm4b:s15+s0], $0x80, $0x38;
	[tilespmem:$0x1E800] =	vst v63  }
0x99: {  	_ =	swait.ge @!p1 [sflag:s9], $0x80  }
0x9a: {  	[sflag:s9] =	ssyncset.done @!p1 $0x0  }
0x9b: {  	s14 =	simm.s32 @!p1 $0x2780;
	[sflag:s9] =	ssyncadd.s32 @!p1 $0xFFFFFF80  }
0x9c: {  	[tilespmem:s14], [sflag:$0x7] =	stream.linear.gather @!p1 [hbm4b:s16+s0], $0x80, $0x38;
	[tilespmem:$0x1E800] =	vst v63  }
0x9d: {  	_ =	swait.ge @!p1 [sflag:s9], $0x80  }
0x9e: {  	[sflag:s9] =	ssyncset.done @!p1 $0x0  }
0x9f: {  	s8 =	simm.s32 @!p1 $0x2800;
	s0 =	simm.s32 @!p1 $0x80;
	[sflag:s9] =	ssyncadd.s32 @!p1 $0xFFFFFF80  }
0xa0: {  	[tilespmem:s8], [sflag:$0x6] =	stream.indirect.gather @!p1 [hbm4b:s4+s0], $0x80, s1, s0, $0xb8;
	[tilespmem:$0x1E800] =	vst v63  }
0xa1: {  	s1 =	simm.s32 @!p1 $0x6  }
0xa2: {  	_ =	swait.ge @!p1 [sflag:s1], $0x4000  }
0xa3: {  	[sflag:s1] =	ssyncset.done @!p1 $0x0  }
0xa4: {  	[sflag:s1] =	ssyncadd.s32 @!p1 $0xFFFFC000  }
0xa5: {  	[spmem:s2] =	stream.indirect.scatter.add.f32 @!p1 [tilespmem:s8], [sflag:$0x7], $0x80, s14, s0, $0xb8;
	[tilespmem:$0x1E800] =	vst v63  }
0xa6: {  	_ =	swait.ge @!p1 [sflag:s9], $0x4000  }
0xa7: {  	s10 =	sadd.s32 $0x1, s10;
	[sflag:s9] =	ssyncset.done @!p1 $0x0  }
0xa8: {  	p2 =	sne.s32 s10, s17;
	[sflag:s9] =	ssyncadd.s32 @!p1 $0xFFFFC000  }
.Ltmp4:
0xa9: {  	[bflag:$0x0] =	sbarrier.arrive $0xFFFF;
	(pc) =	sbr.rel @p2 .LBB2_1-.Ltmp4, $4  }
0xaa: {  	[hbm:s18], [sflag:s12] =	dma.local [spmem:s11], $0x2800  }
0xab: {  	_ =	swait.ge [sflag:s22], $0x2800  }
0xac: {  	[sflag:s22] =	ssyncset.done $0x0  }
0xad: {  	[sflag:s22] =	ssyncadd.s32 $0xFFFFD800  }
0xae: {  	_ =	sfence.sel $0x180000  }
0xaf: {  	[bflag:$0x0] =	sbarrier.arrive $0xFFFF  }
0xb0: {  	_ =	strace $0x9000004A  }
0xb1: {  	s0 =	stileid.u32;
	[bflag:$0x2] =	sbarrier.arrive $0xFFFF  }
0xb2: {  	p0 =	sne.s32 s0, $0x0;
	s0 =	rddreg [dreg:$0x3]  }
0xb3: {  	s0 =	sadd.s32 @!p0 $0x100000, s0  }
0xb4: {  	[sflag:s0] =	ssyncadd.tile.s32 @!p0 $0x1;
	_ =	shalt  }
.Lfunc_end2:
_tile_overlayer_lowered:
.L_overlay_start_2:
0xb5: {  	(tag) =	ssettag $0x2  }
0xb6: {  	s0 =	rddreg [dreg:$0x0];
	s2 =	stileid.u32  }
0xb7: {  	s1 =	rddreg [dreg:$0x1];
	p0 =	sne.s32 s2, $0x0  }
0xb8: {  	s3 =	rddreg [dreg:$0x2];
	[bflag:$0x3] =	sbarrier.arrive $0xFFFF;
	s2 =	simm.s32 @!p0 $0x1C07  }
0xb9: {  	[timem:s3], [sflag:s2] =	dma.local @!p0 [hbm:s0], s1  }
0xba: {  	s0 =	simm.s32 @!p0 $0x7  }
0xbb: {  	_ =	swait.ge @!p0 [sflag:s0], s1  }
0xbc: {  	s1 =	ssub.s32 @!p0 $0x0, s1;
	[sflag:s0] =	ssyncset.done @!p0 $0x0  }
0xbd: {  	[sflag:s0] =	ssyncadd.s32 @!p0 s1  }
0xbe: {  	[bflag:$0x3] =	sbarrier.arrive $0xFFFF  }
0xbf: {  	_ =	shalt  }

// kernel: kernel.15.cloned.1.call-start
scs
__scs_entry_jumppad:
0x0: {  	(pc) =	sbr.rel $0x88, $3  }
0x1: {  	(tag) =	ssettag $0x0;
	lr =	simm.s32 $0x1  }
0x2: {  	[smem:$0x3F9B] =	sst lr;
	_ =	strace $0xD0000000  }
0x3: {  	_ = 	snop  }
0x4: {  	_ = 	snop  }
0x5: {  	_ = 	snop  }
0x6: {  	_ = 	snop  }
0x7: {  	_ = 	snop  }
__scs_overlays_trampoline_lowered:
0x8: {  	[smem:$0x3FAA] =	sst s0  }
0x9: {  	[smem:$0x3FAB] =	sst s1  }
0xa: {  	[smem:$0x3FAC] =	sst s2  }
0xb: {  	[smem:$0x3FAD] =	sst s3  }
0xc: {  	[smem:$0x3FAE] =	sst s4  }
0xd: {  	[smem:$0x3FAF] =	sst s5  }
0xe: {  	[smem:$0x3FB0] =	sst s6  }
0xf: {  	[smem:$0x3FB1] =	sst s7  }
0x10: {  	[smem:$0x3FB2] =	sst s8  }
0x11: {  	[smem:$0x3FB3] =	sst s9;
	s0 =	simm.s32 @!p0 $0x0  }
0x12: {  	s1 =	sld [smem:$0x3F99];
	s0 =	simm.s32 @p0 $0x1  }
0x13: {  	[smem:$0x3FB4] =	sst s0;
	s0 =	simm.s32 @!p1 $0x0  }
0x14: {  	s2 =	sld [smem:$0x3F98];
	s0 =	simm.s32 @p1 $0x1  }
0x15: {  	[smem:$0x3FB5] =	sst s0;
	s0 =	simm.s32 @!p2 $0x0  }
0x16: {  	s3 =	sld [smem:$0x3FDB];
	s0 =	simm.s32 @p2 $0x1  }
0x17: {  	s4 =	simm.s32 $0x1BF5;
	[smem:$0x3FB7] =	sst s0  }
0x18: {  	s0 =	sld [smem:$0x3F9A];
	_ =	swait.ge [sflag:s4], $0x0  }
0x19: {  	s7 =	sld [smem:$0x3F9B]  }
0x1a: {  	s8 =	sadd.s32 $0xFFFFE003, lr  }
0x1b: {  	s9 =	sadd.s32 $0xFFFFFEF7, lr;
	s5 =	simm.s32 $0xFFFFFFFF;
	p2 =	slt.u32 s8, $0xFFFFF086  }
0x1c: {  	p1 =	slt.u32 s9, $0xF7A;
	s5 =	simm.s32 @!p2 $0x0  }
0x1d: {  	s5 =	simm.s32 @p1 $0x1;
	p0 =	seq.s32 s7, s2  }
0x1e: {  	s7 =	smul.u32 @!p0 $0xF7A, s2;
	p2 =	seq.s32 @!p0 s5, $0x0  }
0x1f: {  	s9 =	smul.u32 $0xF7A, s1;
	s8 =	simm.s32 @!p0 $0x1BF5;
	p2 =	por !p2, p0  }
0x20: {  	[sflag:s8] =	ssyncset.s32 @!p0 $0xFFFFF086;
	s6 =	sadd.s32 @!p0 s3, s7;
	s7 =	simm.s32 @!p0 $0x108  }
0x21: {  	s3 =	sadd.s32 s3, s9;
	s6 =	sadd.s32 @!p0 $0x88, s6;
	s7 =	simm.s32 @p2 $0x1082  }
0x22: {  	[simem:s7], [sflag:s8] =	dma.local @!p0 [hbm:s6], $0xF7A  }
0x23: {  	s9 =	sor.u32 $0xD0000000, s2;
	s6 =	simm.s32 $0x108;
	_ =	swait.ge @!p0 [sflag:s8], $0x0  }
0x24: {  	s3 =	sadd.s32 $0x88, s3;
	s6 =	simm.s32 @!p1 $0x1082;
	[sflag:s4] =	ssyncset.s32 $0xFFFFF086  }
0x25: {  	[simem:s6], [sflag:s4] =	dma.local [hbm:s3], $0xF7A  }
0x26: {  	[smem:$0x3F9B] =	sst s1;
	(tag) =	ssettag s2;
	_ =	strace s9  }
0x27: {  	s1 =	sld [smem:$0x3FAB]  }
0x28: {  	s2 =	sld [smem:$0x3FAC]  }
0x29: {  	s4 =	sld [smem:$0x3FAE]  }
0x2a: {  	p0 =	seq.s32 s5, $0x0;
	s5 =	sld [smem:$0x3FAF]  }
0x2b: {  	s6 =	sld [smem:$0x3FB0]  }
0x2c: {  	s7 =	sld [smem:$0x3FB1]  }
0x2d: {  	s3 =	simm.s32 $0x108;
	s8 =	sld [smem:$0x3FB2]  }
0x2e: {  	s3 =	simm.s32 @!p0 $0x1082;
	s9 =	sld [smem:$0x3FB3]  }
0x2f: {  	lr =	sadd.s32 s0, s3;
	s0 =	sld [smem:$0x3FAA]  }
0x30: {  	s3 =	sld [smem:$0x3FAD]  }
0x31: {  	[smem:$0x3FB6] =	sst s10  }
0x32: {  	s10 =	sld [smem:$0x3FB4];
	_ =	sdelay $0x3  }
0x33: {  	p0 =	seq.s32 s10, $0x1;
	s10 =	sld [smem:$0x3FB6];
	_ =	sdelay $0x3  }
0x34: {  	[smem:$0x3FB6] =	sst s10  }
0x35: {  	s10 =	sld [smem:$0x3FB5];
	_ =	sdelay $0x3  }
0x36: {  	p1 =	seq.s32 s10, $0x1;
	s10 =	sld [smem:$0x3FB6];
	_ =	sdelay $0x3  }
0x37: {  	[smem:$0x3FB6] =	sst s10  }
0x38: {  	s10 =	sld [smem:$0x3FB7]  }
0x39: {  	_ = 	snop;
	(pc) =	sbr.ind lr, $3  }
0x3a: {  	_ = 	snop  }
0x3b: {  	_ = 	snop  }
0x3c: {  	p2 =	seq.s32 s10, $0x1;
	s10 =	sld [smem:$0x3FB6]  }
0x3d: {  	_ =	shalt  }
0x3e: {  	_ =	shalt  }
0x3f: {  	_ =	shalt  }
0x40: {  	_ =	shalt  }
0x41: {  	_ =	shalt  }
0x42: {  	_ =	shalt  }
0x43: {  	_ =	shalt  }
0x44: {  	_ =	shalt  }
0x45: {  	_ =	shalt  }
0x46: {  	_ =	shalt  }
0x47: {  	_ =	shalt  }
0x48: {  	_ =	shalt  }
0x49: {  	_ =	shalt  }
0x4a: {  	_ =	shalt  }
0x4b: {  	_ =	shalt  }
0x4c: {  	_ =	shalt  }
0x4d: {  	_ =	shalt  }
0x4e: {  	_ =	shalt  }
0x4f: {  	_ =	shalt  }
0x50: {  	_ =	shalt  }
0x51: {  	_ =	shalt  }
0x52: {  	_ =	shalt  }
0x53: {  	_ =	shalt  }
0x54: {  	_ =	shalt  }
0x55: {  	_ =	shalt  }
0x56: {  	_ =	shalt  }
0x57: {  	_ =	shalt  }
0x58: {  	_ =	shalt  }
0x59: {  	_ =	shalt  }
0x5a: {  	_ =	shalt  }
0x5b: {  	_ =	shalt  }
0x5c: {  	_ =	shalt  }
0x5d: {  	_ =	shalt  }
0x5e: {  	_ =	shalt  }
0x5f: {  	_ =	shalt  }
0x60: {  	_ =	shalt  }
0x61: {  	_ =	shalt  }
0x62: {  	_ =	shalt  }
0x63: {  	_ =	shalt  }
0x64: {  	_ =	shalt  }
0x65: {  	_ =	shalt  }
0x66: {  	_ =	shalt  }
0x67: {  	_ =	shalt  }
0x68: {  	_ =	shalt  }
0x69: {  	_ =	shalt  }
0x6a: {  	_ =	shalt  }
0x6b: {  	_ =	shalt  }
0x6c: {  	_ =	shalt  }
0x6d: {  	_ =	shalt  }
0x6e: {  	_ =	shalt  }
0x6f: {  	_ =	shalt  }
0x70: {  	_ =	shalt  }
0x71: {  	_ =	shalt  }
0x72: {  	_ =	shalt  }
0x73: {  	_ =	shalt  }
0x74: {  	_ =	shalt  }
0x75: {  	_ =	shalt  }
0x76: {  	_ =	shalt  }
0x77: {  	_ =	shalt  }
0x78: {  	_ =	shalt  }
0x79: {  	_ =	shalt  }
0x7a: {  	_ =	shalt  }
0x7b: {  	_ =	shalt  }
0x7c: {  	_ =	shalt  }
0x7d: {  	_ =	shalt  }
0x7e: {  	_ =	shalt  }
0x7f: {  	_ =	shalt  }
0x80: {  	_ =	shalt  }
0x81: {  	_ =	shalt  }
0x82: {  	_ =	shalt  }
0x83: {  	_ =	shalt  }
0x84: {  	_ =	shalt  }
0x85: {  	_ =	shalt  }
0x86: {  	_ =	shalt  }
0x87: {  	_ =	shalt  }
.Lfunc_end0:
.L_simem_size_0:
called_computation.2_lowered:
.L_overlay_start_0:
0x88: {  	s2 =	sld [smem:$0x3FD9]  }
0x89: {  	s3 =	sld [smem:$0x3FFE];
	_ =	sdelay $0x1  }
0x8a: {  	s1 =	srdreg.scid  }
0x8b: {  	s0 =	sand.u32 $0x1, s1  }
0x8c: {  	s17 =	sshll.u32 s0, $0xA;
	s2 =	sadd.s32 s3, s2  }
0x8d: {  	s2 =	sadd.s32 s2, s17  }
0x8e: {  	[smem:$0x3FC2] =	sst s2  }
0x8f: {  	_ = 	snop  }
0x90: {  	s2 =	sld [smem:$0x3FD0];
	(tm) =	ssettm $0x1  }
0x91: {  	s18 =	sld [smem:$0x3FFB];
	_ =	sdelay $0x3  }
0x92: {  	_ =	strace s18  }
0x93: {  	s3 =	sld [smem:$0x3FFC];
	_ =	sdelay $0x3  }
0x94: {  	_ =	strace s3  }
0x95: {  	s3 =	sld [smem:$0x3FFD];
	_ =	sdelay $0x3  }
0x96: {  	_ =	strace s3  }
0x97: {  	_ =	strace $0x8FFFFFFF  }
0x98: {  	s19 =	sld [smem:$0x3FDB];
	_ =	sdelay $0x1  }
0x99: {  	s4 =	simm.s32 $_scs_section_size  }
0x9a: {  	s5 =	simm.s32 $_size__tile_overlayer_lowered;
	s6 =	simm.s32 $_tile_overlayer_lowered  }
0x9b: {  	s22 =	simm.s32 $0x1BFF;
	s21 =	sshll.u32 s6, $0x1;
	s3 =	sadd.s32 s4, s19  }
0x9c: {  	s7 =	simm.s32 $0x0;
	s20 =	sshll.u32 s5, $0x1;
	s5 =	sadd.s32 s21, s3  }
0x9d: {  	[timem:s7], [sflag:s22] =	dma.local [hbm:s5], s20  }
0x9e: {  	_ =	swait.ge [sflag:s22], s20  }
0x9f: {  	s4 =	ssub.s32 $0x0, s20;
	[sflag:s22] =	ssyncset.done $0x0  }
0xa0: {  	[sflag:s22] =	ssyncadd.s32 s4;
	_ =	sdelay $0x1  }
0xa1: {  	s23 =	simm.s32 $0x1B8B  }
0xa2: {  	_ =	swait.ge [sflag:s23], $0x1  }
0xa3: {  	[sflag:s23] =	ssyncset.done $0x0  }
0xa4: {  	s25 =	simm.s32 $0x1B8E;
	s24 =	sld [smem:$0x3FFE];
	[sflag:s23] =	ssyncadd.s32 $0xFFFFFFFF  }
0xa5: {  	s26 =	simm.s32 $execute0_lowered;
	[smem:$0x3FD2] =	sst s25  }
0xa6: {  	s5 =	sshll.u32 s26, $0x1;
	_ =	strace $0x8000004C;
	[dreg:$0x1] =	wrdreg $0xFFFFFFFF  }
0xa7: {  	s28 =	simm.s32 $_size_execute0_lowered;
	s3 =	sadd.s32 s3, s5;
	[dreg:$0x0] =	wrdreg $0x0  }
0xa8: {  	s5 =	sshll.u32 s28, $0x1;
	[dreg:$0x2] =	wrdreg s3  }
0xa9: {  	[dreg:$0x3] =	wrdreg s5  }
0xaa: {  	[dreg:$0x4] =	wrdreg $0xC0  }
0xab: {  	_ =	task [dreg:s7], $0x5FFFF  }
0xac: {  	[dreg:$0x1] =	wrdreg $0xFFFFFFFF  }
0xad: {  	[dreg:$0x0] =	wrdreg $0x60  }
0xae: {  	[dreg:$0x2] =	wrdreg s24  }
0xaf: {  	[dreg:$0x3] =	wrdreg s2  }
0xb0: {  	[dreg:$0x4] =	wrdreg $0x8F000  }
0xb1: {  	[dreg:$0x5] =	wrdreg $0x9  }
0xb2: {  	_ =	task.clear_ibuf [dreg:s7], $0x6FFFF;
	_ =	strace $0x9000004C  }
0xb3: {  	s29 =	simm.s32 $0x9;
	_ =	strace $0x8000004E  }
0xb4: {  	_ =	swait.ge [sflag:s29], $0x1  }
0xb5: {  	[sflag:s29] =	ssyncadd.s32 $0xFFFFFFFF  }
0xb6: {  	_ =	strace $0x9000004E  }
0xb7: {  	_ =	sfence  }
0xb8: {  	s30 =	sld [smem:$0x0];
	_ =	sdelay $0x2  }
0xb9: {  	s31 =	sshll.u32 s1, $0xD;
	s1 =	sshrl.u32 s1, $0x2  }
0xba: {  	s3 =	sand.u32 $0x4000, s31;
	s1 =	sadd.s32 s1, s30  }
0xbb: {  	s0 =	sor.u32 s3, s0;
	s1 =	sshll.u32 s1, $0x11  }
0xbc: {  	s0 =	sor.u32 s1, s0  }
0xbd: {  	s0 =	sadd.s32 $0x8F2B, s0  }
0xbe: {  	[sflag:s0] =	ssyncadd.remote.s32 $0x1  }
0xbf: {  	_ =	sfence.sel $0xFFFF  }
0xc0: {  	[dreg:$0x0] =	wrdreg $0xFFFFFFFF;
	(pc) =	sbr.abs _section_cstart, $3  }
0xc1: {  	[dreg:$0x1] =	wrdreg $0xFFFFFFFF  }
0xc2: {  	_ =	task.clear_ibuf [dreg:s7], $0x2FFFF;
	_ =	strace $0x9FFFFFFF  }
0xc3: {  	(tm) =	ssettm $0x7FFFFFFF  }
tec
execute0_lowered:
.L_overlay_start_1:
0x0: {  	(tag) =	ssettag $0x1  }
0x1: {  	s0 =	rddreg [dreg:$0x0]  }
0x2: {  	s7 =	rddreg [dreg:$0x1]  }
0x3: {  	s2 =	rddreg [dreg:$0x2];
	s3 =	simm.s32 $0x0;
	s4 =	srdreg.scid  }
0x4: {  	s1 =	stileid.u32;
	s18 =	simm.s32 $0x4F00;
	s28 =	simm.s32 $0x4D80  }
0x5: {  	s29 =	simm.s32 $0x10;
	s30 =	simm.s32 $0x8;
	s31 =	simm.s32 $0x0  }
0x6: {  	[smem:$0x7FF] =	sst s3;
	s8 =	sand.u32 $0x1, s4;
	s5 =	smul.u32 $0x14000, s1  }
0x7: {  	s9 =	sshll.u32 s1, $0x1;
	s4 =	sadd.s32 $0x2800, s0;
	s11 =	smul.u32 $0xA000, s1  }
0x8: {  	s14 =	sadd.s32 $0x9C40, s7;
	s12 =	smul.u32 $0x28000, s1;
	p1 =	sgt.u32 s1, $0x1  }
0x9: {  	_ =	strace $0x8000004D;
	s6 =	sshll.u32 s8, $0x6;
	s9 =	sor.u32 s8, s9  }
0xa: {  	s19 =	ssub.s32 $0x2, s8;
	p0 =	seq.s32 s8, $0x1;
	s5 =	sor.u32 s6, s5  }
0xb: {  	s10 =	smul.u32 $0x4E0, s9;
	s20 =	sshrl.u32 s19, $0x1;
	s25 =	sadd.s32 s11, s2  }
0xc: {  	s21 =	sshrl.u32 s11, $0x3;
	s22 =	sshrl.u32 s12, $0x2;
	s23 =	sshll.u32 s9, $0x4  }
0xd: {  	s5 =	sshrl.u32 s5, $0x3;
	s16 =	ssub.s32 s19, s20;
	s8 =	sadd.s32 s4, s21  }
0xe: {  	s15 =	sor.u32 $0x9C00, s23;
	s19 =	simm.s32 $0x5;
	s20 =	simm.s32 $0x1  }
0xf: {  	s21 =	simm.s32 $0x80;
	s23 =	simm.s32 $0x2;
	s25 =	sshrl.u32 s25, $0x3  }
0x10: {  	s0 =	sadd.s32 s5, s0;
	s5 =	sadd.s32 s10, s14;
	s6 =	sadd.s32 s7, s10  }
0x11: {  	[dreg:$0x4] =	wrdreg s8;
	s8 =	sadd.s32 s22, s2;
	s13 =	sadd.s32 s7, s15  }
0x12: {  	s14 =	sadd.s32 s15, s14;
	s16 =	smax.u32 s16, $0x1;
	s22 =	simm.s32 $0x6F00  }
0x13: {  	s24 =	sadd.s32 $0x2000, s8;
	s26 =	sadd.s32 $0x4000, s8;
	s11 =	sadd.s32 $0x6000, s8  }
0x14: {  	s12 =	sadd.s32 $0x8000, s8;
	s15 =	sadd.s32 $0x16800, s0;
	[dreg:$0x5] =	wrdreg s24  }
0x15: {  	v0 =	vimm.f32 $0.0e+00;
	[dreg:$0x6] =	wrdreg s26;
	s24 =	simm.s32 $0x3;
	s26 =	simm.s32 $0x4D00  }
.LBB2_1:
.Ltmp0:
0x16: {  	(pc) =	sbr.rel @!p0 .LBB2_2-.Ltmp0, $4  }
0x17: {  	s0 =	simm.s32 $0x2700  }
0x18: {  	[tilespmem:s0], [sflag:$0x1] =	stream.linear.gather [hbm4b:s5+s3], $0x2700, $0x38;
	[tilespmem:$0x12F00] =	vst v63  }
0x19: {  	_ = 	snop  }
0x1a: {  	[tilespmem:s3], [sflag:$0x1] =	stream.linear.gather [hbm4b:s6+s3], $0x2700, $0x38;
	[tilespmem:$0x12F00] =	vst v63  }
0x1b: {  	s7 =	simm.s32 $0x100;
	s0 =	simm.s32 $0x0  }
.LBB2_4:
0x1c: {  	p2 =	sne.s32 s7, $0x7F00;
	[tilespmem:s0+$0x4F30] =	vst v0;
	s9 =	smov.u32 s7;
	s7 =	sadd.s32 $0x100, s7  }
.Ltmp1:
0x1d: {  	[tilespmem:s0+$0x4F20] =	vst v0;
	(pc) =	sbr.rel @p2 .LBB2_4-.Ltmp1, $3  }
0x1e: {  	[tilespmem:s0+$0x4F00] =	vst v0  }
0x1f: {  	[tilespmem:s0+$0x4F10] =	vst v0;
	_ =	sdelay $0x1  }
0x20: {  	s0 =	sshra.s32 s9, $0x2  }
0x21: {  	[tilespmem:s0+$0x4F30] =	vst v0  }
0x22: {  	[tilespmem:s0+$0x4F20] =	vst v0  }
0x23: {  	[tilespmem:s0+$0x4F00] =	vst v0  }
0x24: {  	[tilespmem:s0+$0x4F10] =	vst v0  }
0x25: {  	[spmem:s8] =	stream.linear.scatter [tilespmem:s18], [sflag:$0x5], $0x2000, $0x38;
	[tilespmem:$0x12F00] =	vst v63  }
0x26: {  	_ =	swait.ge [sflag:s19], $0x2000  }
0x27: {  	[sflag:s19] =	ssyncset.done $0x0  }
0x28: {  	s10 =	rddreg [dreg:$0x5];
	[sflag:s19] =	ssyncadd.s32 $0xFFFFE000  }
0x29: {  	[spmem:s10] =	stream.linear.scatter [tilespmem:s18], [sflag:$0x5], $0x2000, $0x38;
	[tilespmem:$0x12F00] =	vst v63  }
0x2a: {  	_ =	swait.ge [sflag:s19], $0x2000  }
0x2b: {  	[sflag:s19] =	ssyncset.done $0x0  }
0x2c: {  	s17 =	rddreg [dreg:$0x6];
	[sflag:s19] =	ssyncadd.s32 $0xFFFFE000  }
0x2d: {  	[spmem:s17] =	stream.linear.scatter [tilespmem:s18], [sflag:$0x5], $0x2000, $0x38;
	[tilespmem:$0x12F00] =	vst v63  }
0x2e: {  	_ =	swait.ge [sflag:s19], $0x2000  }
0x2f: {  	[sflag:s19] =	ssyncset.done $0x0  }
0x30: {  	[sflag:s19] =	ssyncadd.s32 $0xFFFFE000  }
0x31: {  	[spmem:s11] =	stream.linear.scatter [tilespmem:s18], [sflag:$0x5], $0x2000, $0x38;
	[tilespmem:$0x12F00] =	vst v63  }
0x32: {  	_ =	swait.ge [sflag:s19], $0x2000  }
0x33: {  	[sflag:s19] =	ssyncset.done $0x0  }
.Ltmp2:
0x34: {  	[sflag:s19] =	ssyncadd.s32 $0xFFFFE000;
	(pc) =	sbr.rel .LBB2_6-.Ltmp2, $4  }
0x35: {  	[spmem:s12] =	stream.linear.scatter [tilespmem:s18], [sflag:$0x5], $0x2000, $0x38;
	[tilespmem:$0x12F00] =	vst v63  }
0x36: {  	_ =	swait.ge [sflag:s19], $0x2000  }
0x37: {  	[sflag:s19] =	ssyncset.done $0x0  }
0x38: {  	[sflag:s19] =	ssyncadd.s32 $0xFFFFE000  }
.LBB2_2:
0x39: {  	s0 =	sshll.u32 s1, $0x6  }
0x3a: {  	s7 =	rddreg [dreg:$0x4];
	s0 =	sor.u32 $0x1C05, s0  }
0x3b: {  	[spmem:s25], [sflag:s0] =	dma.local [hbm:s7], $0x1400  }
0x3c: {  	_ =	swait.ge [sflag:s19], $0x1400  }
0x3d: {  	[sflag:s19] =	ssyncset.done $0x0  }
0x3e: {  	[sflag:s19] =	ssyncadd.s32 $0xFFFFEC00  }
.LBB2_6:
0x3f: {  	[bflag:$0x0] =	sbarrier.arrive $0xFFFF  }
0x40: {  	_ =	swait.ge [sflag:s20], $0x2700  }
0x41: {  	[sflag:s20] =	ssyncset.done $0x0  }
0x42: {  	[sflag:s20] =	ssyncadd.s32 $0xFFFFD900  }
0x43: {  	_ =	swait.ge [sflag:s20], $0x2700  }
0x44: {  	[sflag:s20] =	ssyncset.done $0x0  }
0x45: {  	s0 =	simm.s32 $0x0;
	[sflag:s20] =	ssyncadd.s32 $0xFFFFD900  }
0x46: {  	[tilespmem:s18], [sflag:$0x2] =	stream.indirect.gather [hbm4b:s4+s21], $0x40, s0, s21, $0xb8;
	[tilespmem:$0x12F00] =	vst v63  }
0x47: {  	_ = 	snop  }
0x48: {  	[tilespmem:s22], [sflag:$0x3] =	stream.indirect.gather [hbm4b:s4+s21], $0x40, s21, s21, $0xb8;
	[tilespmem:$0x12F00] =	vst v63  }
0x49: {  	_ =	swait.ge [sflag:s23], $0x2000  }
0x4a: {  	[sflag:s23] =	ssyncset.done $0x0  }
0x4b: {  	s9 =	simm.s32 $0x2700;
	[sflag:s23] =	ssyncadd.s32 $0xFFFFE000  }
0x4c: {  	[spmem:s2] =	stream.indirect.scatter.add.f32 [tilespmem:s18], [sflag:$0x5], $0x40, s9, s21, $0xb8;
	[tilespmem:$0x12F00] =	vst v63  }
0x4d: {  	_ =	swait.ge [sflag:s19], $0x2000  }
0x4e: {  	[sflag:s19] =	ssyncset.done $0x0  }
0x4f: {  	s10 =	simm.s32 $0x100;
	[sflag:s19] =	ssyncadd.s32 $0xFFFFE000  }
0x50: {  	[tilespmem:s18], [sflag:$0x2] =	stream.indirect.gather [hbm4b:s4+s21], $0x40, s10, s21, $0xb8;
	[tilespmem:$0x12F00] =	vst v63  }
0x51: {  	_ =	swait.ge [sflag:s24], $0x2000  }
0x52: {  	[sflag:s24] =	ssyncset.done $0x0  }
0x53: {  	s17 =	simm.s32 $0x2780;
	[sflag:s24] =	ssyncadd.s32 $0xFFFFE000  }
0x54: {  	[spmem:s2] =	stream.indirect.scatter.add.f32 [tilespmem:s22], [sflag:$0x5], $0x40, s17, s21, $0xb8;
	[tilespmem:$0x12F00] =	vst v63  }
0x55: {  	_ =	swait.ge [sflag:s19], $0x2000  }
0x56: {  	[sflag:s19] =	ssyncset.done $0x0  }
0x57: {  	s7 =	simm.s32 $0x180;
	s0 =	simm.s32 $0x400;
	[sflag:s19] =	ssyncadd.s32 $0xFFFFE000  }
.LBB2_7:
0x58: {  	[tilespmem:s22], [sflag:$0x3] =	stream.indirect.gather [hbm4b:s4+s21], $0x40, s7, s21, $0xb8;
	[tilespmem:$0x12F00] =	vst v63  }
0x59: {  	s7 =	smov.u32 s0  }
0x5a: {  	p2 =	sne.s32 s0, $0x9400;
	s0 =	sadd.s32 $0x400, s0;
	_ =	swait.ge [sflag:s23], $0x2000  }
0x5b: {  	s7 =	sshra.s32 s7, $0x2;
	[sflag:s23] =	ssyncset.done $0x0  }
0x5c: {  	s9 =	sadd.s32 $0x2700, s7;
	[sflag:s23] =	ssyncadd.s32 $0xFFFFE000  }
0x5d: {  	[spmem:s2] =	stream.indirect.scatter.add.f32 [tilespmem:s18], [sflag:$0x5], $0x40, s9, s21, $0xb8;
	[tilespmem:$0x12F00] =	vst v63  }
0x5e: {  	_ =	swait.ge [sflag:s19], $0x2000  }
0x5f: {  	[sflag:s19] =	ssyncset.done $0x0  }
0x60: {  	s9 =	sadd.s32 $0x100, s7;
	[sflag:s19] =	ssyncadd.s32 $0xFFFFE000  }
0x61: {  	[tilespmem:s18], [sflag:$0x2] =	stream.indirect.gather [hbm4b:s4+s21], $0x40, s9, s21, $0xb8;
	[tilespmem:$0x12F00] =	vst v63  }
0x62: {  	_ =	swait.ge [sflag:s24], $0x2000  }
0x63: {  	[sflag:s24] =	ssyncset.done $0x0  }
.Ltmp3:
0x64: {  	s9 =	sadd.s32 $0x2780, s7;
	[sflag:s24] =	ssyncadd.s32 $0xFFFFE000;
	(pc) =	sbr.rel @p2 .LBB2_7-.Ltmp3, $4  }
0x65: {  	[spmem:s2] =	stream.indirect.scatter.add.f32 [tilespmem:s22], [sflag:$0x5], $0x40, s9, s21, $0xb8;
	[tilespmem:$0x12F00] =	vst v63  }
0x66: {  	_ =	swait.ge [sflag:s19], $0x2000  }
0x67: {  	[sflag:s19] =	ssyncset.done $0x0  }
0x68: {  	s7 =	sadd.s32 $0x180, s7;
	[sflag:s19] =	ssyncadd.s32 $0xFFFFE000  }
0x69: {  	[tilespmem:s22], [sflag:$0x3] =	stream.indirect.gather [hbm4b:s4+s21], $0x40, s7, s21, $0xb8;
	[tilespmem:$0x12F00] =	vst v63  }
0x6a: {  	_ =	swait.ge [sflag:s23], $0x2000  }
0x6b: {  	[sflag:s23] =	ssyncset.done $0x0  }
0x6c: {  	[sflag:s23] =	ssyncadd.s32 $0xFFFFE000  }
0x6d: {  	[spmem:s2] =	stream.indirect.scatter.add.f32 [tilespmem:s18], [sflag:$0x5], $0x40, s26, s21, $0xb8;
	[tilespmem:$0x12F00] =	vst v63  }
0x6e: {  	_ =	swait.ge [sflag:s19], $0x2000  }
0x6f: {  	[sflag:s19] =	ssyncset.done $0x0  }
0x70: {  	[sflag:s19] =	ssyncadd.s32 $0xFFFFE000  }
0x71: {  	_ =	swait.ge [sflag:s24], $0x2000  }
0x72: {  	[sflag:s24] =	ssyncset.done $0x0  }
0x73: {  	[sflag:s24] =	ssyncadd.s32 $0xFFFFE000  }
0x74: {  	[spmem:s2] =	stream.indirect.scatter.add.f32 [tilespmem:s22], [sflag:$0x5], $0x40, s28, s21, $0xb8;
	[tilespmem:$0x12F00] =	vst v63  }
0x75: {  	_ =	swait.ge [sflag:s19], $0x2000  }
0x76: {  	s0 =	simm.s32 @!p1 $0x0;
	[sflag:s19] =	ssyncset.done $0x0  }
0x77: {  	s7 =	simm.s32 @!p1 $0x4E00;
	s9 =	simm.s32 @!p1 $0x5;
	[sflag:s19] =	ssyncadd.s32 $0xFFFFE000  }
0x78: {  	[tilespmem:s7], [sflag:$0x5] =	stream.linear.gather @!p1 [hbm4b:s13+s0], $0x80, $0x38;
	[tilespmem:$0x12F00] =	vst v63  }
0x79: {  	_ =	swait.ge @!p1 [sflag:s9], $0x80  }
0x7a: {  	[sflag:s9] =	ssyncset.done @!p1 $0x0  }
0x7b: {  	s10 =	simm.s32 @!p1 $0x4E80;
	[sflag:s9] =	ssyncadd.s32 @!p1 $0xFFFFFF80  }
0x7c: {  	[tilespmem:s10], [sflag:$0x5] =	stream.linear.gather @!p1 [hbm4b:s14+s0], $0x80, $0x38;
	[tilespmem:$0x12F00] =	vst v63  }
0x7d: {  	_ =	swait.ge @!p1 [sflag:s9], $0x80  }
0x7e: {  	[sflag:s9] =	ssyncset.done @!p1 $0x0  }
0x7f: {  	s17 =	simm.s32 @!p1 $0x4F00;
	s0 =	simm.s32 @!p1 $0x80;
	[sflag:s9] =	ssyncadd.s32 @!p1 $0xFFFFFF80  }
0x80: {  	[tilespmem:s17], [sflag:$0x4] =	stream.indirect.gather @!p1 [hbm4b:s4+s0], $0x40, s7, s0, $0xb8;
	[tilespmem:$0x12F00] =	vst v63  }
0x81: {  	s7 =	simm.s32 @!p1 $0x4  }
0x82: {  	_ =	swait.ge @!p1 [sflag:s7], $0x2000  }
0x83: {  	[sflag:s7] =	ssyncset.done @!p1 $0x0  }
0x84: {  	[sflag:s7] =	ssyncadd.s32 @!p1 $0xFFFFE000  }
0x85: {  	[spmem:s2] =	stream.indirect.scatter.add.f32 @!p1 [tilespmem:s17], [sflag:$0x5], $0x40, s10, s0, $0xb8;
	[tilespmem:$0x12F00] =	vst v63  }
0x86: {  	s31 =	sadd.s32 $0x1, s31;
	_ =	swait.ge @!p1 [sflag:s9], $0x2000  }
0x87: {  	p2 =	sne.s32 s31, s16;
	[sflag:s9] =	ssyncset.done @!p1 $0x0  }
0x88: {  	s10 =	sshll.u32 s1, $0x6;
	s17 =	sshrl.u32 s8, $0x3;
	[sflag:s9] =	ssyncadd.s32 @!p1 $0xFFFFE000  }
.Ltmp4:
0x89: {  	s0 =	sor.u32 $0x1C05, s10;
	[bflag:$0x0] =	sbarrier.arrive $0xFFFF;
	(pc) =	sbr.rel @p2 .LBB2_1-.Ltmp4, $4  }
0x8a: {  	[hbm:s15@s29], [sflag:s0] =	dma.strided [spmem:s17@s30], $0x1400, s20, $0x8   }
0x8b: {  	_ =	swait.ge [sflag:s19], $0x1400  }
0x8c: {  	[sflag:s19] =	ssyncset.done $0x0  }
0x8d: {  	[sflag:s19] =	ssyncadd.s32 $0xFFFFEC00  }
0x8e: {  	_ =	sfence.sel $0x180000  }
0x8f: {  	[bflag:$0x0] =	sbarrier.arrive $0xFFFF  }
0x90: {  	_ =	strace $0x9000004D  }
0x91: {  	[bflag:$0x2] =	sbarrier.arrive $0xFFFF  }
0x92: {  	p0 =	sne.s32 s1, $0x0;
	s0 =	rddreg [dreg:$0x3]  }
0x93: {  	s0 =	sadd.s32 @!p0 $0x100000, s0  }
0x94: {  	[sflag:s0] =	ssyncadd.tile.s32 @!p0 $0x1;
	_ =	shalt  }
.Lfunc_end2:
_tile_overlayer_lowered:
.L_overlay_start_2:
0x95: {  	(tag) =	ssettag $0x2  }
0x96: {  	s0 =	rddreg [dreg:$0x0];
	s2 =	stileid.u32  }
0x97: {  	s1 =	rddreg [dreg:$0x1];
	p0 =	sne.s32 s2, $0x0  }
0x98: {  	s3 =	rddreg [dreg:$0x2];
	[bflag:$0x3] =	sbarrier.arrive $0xFFFF;
	s2 =	simm.s32 @!p0 $0x1C05  }
0x99: {  	[timem:s3], [sflag:s2] =	dma.local @!p0 [hbm:s0], s1  }
0x9a: {  	s0 =	simm.s32 @!p0 $0x5  }
0x9b: {  	_ =	swait.ge @!p0 [sflag:s0], s1  }
0x9c: {  	s1 =	ssub.s32 @!p0 $0x0, s1;
	[sflag:s0] =	ssyncset.done @!p0 $0x0  }
0x9d: {  	[sflag:s0] =	ssyncadd.s32 @!p0 s1  }
0x9e: {  	[bflag:$0x3] =	sbarrier.arrive $0xFFFF  }
0x9f: {  	_ =	shalt  }

// kernel: kernel.9.cloned.1.call-start
scs
__scs_entry_jumppad:
0x0: {  	(pc) =	sbr.rel $0x88, $3  }
0x1: {  	(tag) =	ssettag $0x0;
	lr =	simm.s32 $0x1  }
0x2: {  	[smem:$0x3F9B] =	sst lr;
	_ =	strace $0xD0000000  }
0x3: {  	_ = 	snop  }
0x4: {  	_ = 	snop  }
0x5: {  	_ = 	snop  }
0x6: {  	_ = 	snop  }
0x7: {  	_ = 	snop  }
__scs_overlays_trampoline_lowered:
0x8: {  	[smem:$0x3FAA] =	sst s0  }
0x9: {  	[smem:$0x3FAB] =	sst s1  }
0xa: {  	[smem:$0x3FAC] =	sst s2  }
0xb: {  	[smem:$0x3FAD] =	sst s3  }
0xc: {  	[smem:$0x3FAE] =	sst s4  }
0xd: {  	[smem:$0x3FAF] =	sst s5  }
0xe: {  	[smem:$0x3FB0] =	sst s6  }
0xf: {  	[smem:$0x3FB1] =	sst s7  }
0x10: {  	[smem:$0x3FB2] =	sst s8  }
0x11: {  	[smem:$0x3FB3] =	sst s9;
	s0 =	simm.s32 @!p0 $0x0  }
0x12: {  	s1 =	sld [smem:$0x3F99];
	s0 =	simm.s32 @p0 $0x1  }
0x13: {  	[smem:$0x3FB4] =	sst s0;
	s0 =	simm.s32 @!p1 $0x0  }
0x14: {  	s2 =	sld [smem:$0x3F98];
	s0 =	simm.s32 @p1 $0x1  }
0x15: {  	[smem:$0x3FB5] =	sst s0;
	s0 =	simm.s32 @!p2 $0x0  }
0x16: {  	s3 =	sld [smem:$0x3FDB];
	s0 =	simm.s32 @p2 $0x1  }
0x17: {  	s4 =	simm.s32 $0x1BF5;
	[smem:$0x3FB7] =	sst s0  }
0x18: {  	s0 =	sld [smem:$0x3F9A];
	_ =	swait.ge [sflag:s4], $0x0  }
0x19: {  	s7 =	sld [smem:$0x3F9B]  }
0x1a: {  	s8 =	sadd.s32 $0xFFFFE003, lr  }
0x1b: {  	s9 =	sadd.s32 $0xFFFFFEF7, lr;
	s5 =	simm.s32 $0xFFFFFFFF;
	p2 =	slt.u32 s8, $0xFFFFF086  }
0x1c: {  	p1 =	slt.u32 s9, $0xF7A;
	s5 =	simm.s32 @!p2 $0x0  }
0x1d: {  	s5 =	simm.s32 @p1 $0x1;
	p0 =	seq.s32 s7, s2  }
0x1e: {  	s7 =	smul.u32 @!p0 $0xF7A, s2;
	p2 =	seq.s32 @!p0 s5, $0x0  }
0x1f: {  	s9 =	smul.u32 $0xF7A, s1;
	s8 =	simm.s32 @!p0 $0x1BF5;
	p2 =	por !p2, p0  }
0x20: {  	[sflag:s8] =	ssyncset.s32 @!p0 $0xFFFFF086;
	s6 =	sadd.s32 @!p0 s3, s7;
	s7 =	simm.s32 @!p0 $0x108  }
0x21: {  	s3 =	sadd.s32 s3, s9;
	s6 =	sadd.s32 @!p0 $0x88, s6;
	s7 =	simm.s32 @p2 $0x1082  }
0x22: {  	[simem:s7], [sflag:s8] =	dma.local @!p0 [hbm:s6], $0xF7A  }
0x23: {  	s9 =	sor.u32 $0xD0000000, s2;
	s6 =	simm.s32 $0x108;
	_ =	swait.ge @!p0 [sflag:s8], $0x0  }
0x24: {  	s3 =	sadd.s32 $0x88, s3;
	s6 =	simm.s32 @!p1 $0x1082;
	[sflag:s4] =	ssyncset.s32 $0xFFFFF086  }
0x25: {  	[simem:s6], [sflag:s4] =	dma.local [hbm:s3], $0xF7A  }
0x26: {  	[smem:$0x3F9B] =	sst s1;
	(tag) =	ssettag s2;
	_ =	strace s9  }
0x27: {  	s1 =	sld [smem:$0x3FAB]  }
0x28: {  	s2 =	sld [smem:$0x3FAC]  }
0x29: {  	s4 =	sld [smem:$0x3FAE]  }
0x2a: {  	p0 =	seq.s32 s5, $0x0;
	s5 =	sld [smem:$0x3FAF]  }
0x2b: {  	s6 =	sld [smem:$0x3FB0]  }
0x2c: {  	s7 =	sld [smem:$0x3FB1]  }
0x2d: {  	s3 =	simm.s32 $0x108;
	s8 =	sld [smem:$0x3FB2]  }
0x2e: {  	s3 =	simm.s32 @!p0 $0x1082;
	s9 =	sld [smem:$0x3FB3]  }
0x2f: {  	lr =	sadd.s32 s0, s3;
	s0 =	sld [smem:$0x3FAA]  }
0x30: {  	s3 =	sld [smem:$0x3FAD]  }
0x31: {  	[smem:$0x3FB6] =	sst s10  }
0x32: {  	s10 =	sld [smem:$0x3FB4];
	_ =	sdelay $0x3  }
0x33: {  	p0 =	seq.s32 s10, $0x1;
	s10 =	sld [smem:$0x3FB6];
	_ =	sdelay $0x3  }
0x34: {  	[smem:$0x3FB6] =	sst s10  }
0x35: {  	s10 =	sld [smem:$0x3FB5];
	_ =	sdelay $0x3  }
0x36: {  	p1 =	seq.s32 s10, $0x1;
	s10 =	sld [smem:$0x3FB6];
	_ =	sdelay $0x3  }
0x37: {  	[smem:$0x3FB6] =	sst s10  }
0x38: {  	s10 =	sld [smem:$0x3FB7]  }
0x39: {  	_ = 	snop;
	(pc) =	sbr.ind lr, $3  }
0x3a: {  	_ = 	snop  }
0x3b: {  	_ = 	snop  }
0x3c: {  	p2 =	seq.s32 s10, $0x1;
	s10 =	sld [smem:$0x3FB6]  }
0x3d: {  	_ =	shalt  }
0x3e: {  	_ =	shalt  }
0x3f: {  	_ =	shalt  }
0x40: {  	_ =	shalt  }
0x41: {  	_ =	shalt  }
0x42: {  	_ =	shalt  }
0x43: {  	_ =	shalt  }
0x44: {  	_ =	shalt  }
0x45: {  	_ =	shalt  }
0x46: {  	_ =	shalt  }
0x47: {  	_ =	shalt  }
0x48: {  	_ =	shalt  }
0x49: {  	_ =	shalt  }
0x4a: {  	_ =	shalt  }
0x4b: {  	_ =	shalt  }
0x4c: {  	_ =	shalt  }
0x4d: {  	_ =	shalt  }
0x4e: {  	_ =	shalt  }
0x4f: {  	_ =	shalt  }
0x50: {  	_ =	shalt  }
0x51: {  	_ =	shalt  }
0x52: {  	_ =	shalt  }
0x53: {  	_ =	shalt  }
0x54: {  	_ =	shalt  }
0x55: {  	_ =	shalt  }
0x56: {  	_ =	shalt  }
0x57: {  	_ =	shalt  }
0x58: {  	_ =	shalt  }
0x59: {  	_ =	shalt  }
0x5a: {  	_ =	shalt  }
0x5b: {  	_ =	shalt  }
0x5c: {  	_ =	shalt  }
0x5d: {  	_ =	shalt  }
0x5e: {  	_ =	shalt  }
0x5f: {  	_ =	shalt  }
0x60: {  	_ =	shalt  }
0x61: {  	_ =	shalt  }
0x62: {  	_ =	shalt  }
0x63: {  	_ =	shalt  }
0x64: {  	_ =	shalt  }
0x65: {  	_ =	shalt  }
0x66: {  	_ =	shalt  }
0x67: {  	_ =	shalt  }
0x68: {  	_ =	shalt  }
0x69: {  	_ =	shalt  }
0x6a: {  	_ =	shalt  }
0x6b: {  	_ =	shalt  }
0x6c: {  	_ =	shalt  }
0x6d: {  	_ =	shalt  }
0x6e: {  	_ =	shalt  }
0x6f: {  	_ =	shalt  }
0x70: {  	_ =	shalt  }
0x71: {  	_ =	shalt  }
0x72: {  	_ =	shalt  }
0x73: {  	_ =	shalt  }
0x74: {  	_ =	shalt  }
0x75: {  	_ =	shalt  }
0x76: {  	_ =	shalt  }
0x77: {  	_ =	shalt  }
0x78: {  	_ =	shalt  }
0x79: {  	_ =	shalt  }
0x7a: {  	_ =	shalt  }
0x7b: {  	_ =	shalt  }
0x7c: {  	_ =	shalt  }
0x7d: {  	_ =	shalt  }
0x7e: {  	_ =	shalt  }
0x7f: {  	_ =	shalt  }
0x80: {  	_ =	shalt  }
0x81: {  	_ =	shalt  }
0x82: {  	_ =	shalt  }
0x83: {  	_ =	shalt  }
0x84: {  	_ =	shalt  }
0x85: {  	_ =	shalt  }
0x86: {  	_ =	shalt  }
0x87: {  	_ =	shalt  }
.Lfunc_end0:
.L_simem_size_0:
called_computation_lowered:
.L_overlay_start_0:
0x88: {  	s2 =	sld [smem:$0x3FD9]  }
0x89: {  	s3 =	sld [smem:$0x3FFE];
	_ =	sdelay $0x1  }
0x8a: {  	s1 =	srdreg.scid  }
0x8b: {  	s0 =	sand.u32 $0x1, s1  }
0x8c: {  	s17 =	sshll.u32 s0, $0xA;
	s2 =	sadd.s32 s3, s2  }
0x8d: {  	s2 =	sadd.s32 s2, s17  }
0x8e: {  	[smem:$0x3FC2] =	sst s2  }
0x8f: {  	_ = 	snop  }
0x90: {  	s2 =	sld [smem:$0x3FD0];
	(tm) =	ssettm $0x1  }
0x91: {  	s18 =	sld [smem:$0x3FFB];
	_ =	sdelay $0x3  }
0x92: {  	_ =	strace s18  }
0x93: {  	s3 =	sld [smem:$0x3FFC];
	_ =	sdelay $0x3  }
0x94: {  	_ =	strace s3  }
0x95: {  	s3 =	sld [smem:$0x3FFD];
	_ =	sdelay $0x3  }
0x96: {  	_ =	strace s3  }
0x97: {  	_ =	strace $0x8FFFFFFF  }
0x98: {  	s19 =	sld [smem:$0x3FDB];
	_ =	sdelay $0x1  }
0x99: {  	s4 =	simm.s32 $_scs_section_size  }
0x9a: {  	s5 =	simm.s32 $_size__tile_overlayer_lowered;
	s6 =	simm.s32 $_tile_overlayer_lowered  }
0x9b: {  	s22 =	simm.s32 $0x1BFF;
	s21 =	sshll.u32 s6, $0x1;
	s3 =	sadd.s32 s4, s19  }
0x9c: {  	s7 =	simm.s32 $0x0;
	s20 =	sshll.u32 s5, $0x1;
	s5 =	sadd.s32 s21, s3  }
0x9d: {  	[timem:s7], [sflag:s22] =	dma.local [hbm:s5], s20  }
0x9e: {  	_ =	swait.ge [sflag:s22], s20  }
0x9f: {  	s4 =	ssub.s32 $0x0, s20;
	[sflag:s22] =	ssyncset.done $0x0  }
0xa0: {  	[sflag:s22] =	ssyncadd.s32 s4;
	_ =	sdelay $0x1  }
0xa1: {  	s23 =	simm.s32 $0x1B8B  }
0xa2: {  	_ =	swait.ge [sflag:s23], $0x1  }
0xa3: {  	[sflag:s23] =	ssyncset.done $0x0  }
0xa4: {  	s25 =	simm.s32 $0x1B8E;
	s24 =	sld [smem:$0x3FFE];
	[sflag:s23] =	ssyncadd.s32 $0xFFFFFFFF  }
0xa5: {  	s26 =	simm.s32 $execute0_lowered;
	[smem:$0x3FD2] =	sst s25  }
0xa6: {  	s5 =	sshll.u32 s26, $0x1;
	_ =	strace $0x80000046;
	[dreg:$0x1] =	wrdreg $0xFFFFFFFF  }
0xa7: {  	s28 =	simm.s32 $_size_execute0_lowered;
	s3 =	sadd.s32 s3, s5;
	[dreg:$0x0] =	wrdreg $0x0  }
0xa8: {  	s5 =	sshll.u32 s28, $0x1;
	[dreg:$0x2] =	wrdreg s3  }
0xa9: {  	[dreg:$0x3] =	wrdreg s5  }
0xaa: {  	[dreg:$0x4] =	wrdreg $0xC0  }
0xab: {  	_ =	task [dreg:s7], $0x5FFFF  }
0xac: {  	[dreg:$0x1] =	wrdreg $0xFFFFFFFF  }
0xad: {  	[dreg:$0x0] =	wrdreg $0x60  }
0xae: {  	[dreg:$0x2] =	wrdreg s2  }
0xaf: {  	[dreg:$0x3] =	wrdreg s24  }
0xb0: {  	[dreg:$0x4] =	wrdreg $0x2F800  }
0xb1: {  	[dreg:$0x5] =	wrdreg $0x9  }
0xb2: {  	_ =	task.clear_ibuf [dreg:s7], $0x6FFFF;
	_ =	strace $0x90000046  }
0xb3: {  	s29 =	simm.s32 $0x9;
	_ =	strace $0x80000048  }
0xb4: {  	_ =	swait.ge [sflag:s29], $0x1  }
0xb5: {  	[sflag:s29] =	ssyncadd.s32 $0xFFFFFFFF  }
0xb6: {  	_ =	strace $0x90000048  }
0xb7: {  	_ =	sfence  }
0xb8: {  	s30 =	sld [smem:$0x0];
	_ =	sdelay $0x2  }
0xb9: {  	s31 =	sshll.u32 s1, $0xD;
	s1 =	sshrl.u32 s1, $0x2  }
0xba: {  	s3 =	sand.u32 $0x4000, s31;
	s1 =	sadd.s32 s1, s30  }
0xbb: {  	s0 =	sor.u32 s3, s0;
	s1 =	sshll.u32 s1, $0x11  }
0xbc: {  	s0 =	sor.u32 s1, s0  }
0xbd: {  	s0 =	sadd.s32 $0x8F2B, s0  }
0xbe: {  	[sflag:s0] =	ssyncadd.remote.s32 $0x1  }
0xbf: {  	_ =	sfence.sel $0xFFFF  }
0xc0: {  	[dreg:$0x0] =	wrdreg $0xFFFFFFFF;
	(pc) =	sbr.abs _section_cstart, $3  }
0xc1: {  	[dreg:$0x1] =	wrdreg $0xFFFFFFFF  }
0xc2: {  	_ =	task.clear_ibuf [dreg:s7], $0x2FFFF;
	_ =	strace $0x9FFFFFFF  }
0xc3: {  	(tm) =	ssettm $0x7FFFFFFF  }
tec
execute0_lowered:
.L_overlay_start_1:
0x0: {  	(tag) =	ssettag $0x1  }
0x1: {  	s4 =	rddreg [dreg:$0x0]  }
0x2: {  	s5 =	rddreg [dreg:$0x1]  }
0x3: {  	s2 =	rddreg [dreg:$0x2]  }
0x4: {  	s0 =	rddreg [dreg:$0x3]  }
0x5: {  	s3 =	simm.s32 $0x0;
	s1 =	stileid.u32;
	s7 =	srdreg.scid  }
0x6: {  	s13 =	simm.s32 $0x80;
	s14 =	simm.s32 $0x2780;
	s15 =	simm.s32 $0x2  }
0x7: {  	s16 =	simm.s32 $0x0;
	[smem:$0x7FF] =	sst s3;
	s6 =	smul.u32 $0x2800, s1  }
0x8: {  	s7 =	sand.u32 $0x1, s7;
	s9 =	smul.u32 $0x5000, s1;
	s11 =	sshll.u32 s1, $0x1  }
0x9: {  	s26 =	sadd.s32 $0x9C40, s4;
	s30 =	sshll.u32 s1, $0x6;
	p0 =	sgt.u32 s1, $0x1  }
0xa: {  	_ =	strace $0x80000047;
	s10 =	sshll.u32 s7, $0x4;
	s24 =	ssub.s32 $0x2, s7  }
0xb: {  	s7 =	sor.u32 s7, s11;
	s11 =	simm.s32 $0x4;
	s8 =	sshrl.u32 s6, $0x3  }
0xc: {  	s9 =	sor.u32 s10, s9;
	s25 =	sshrl.u32 s24, $0x1;
	s12 =	smul.u32 $0x4E0, s7  }
0xd: {  	s28 =	sadd.s32 s6, s2;
	s29 =	sshll.u32 s7, $0x4;
	s6 =	sor.u32 $0x1C04, s30  }
0xe: {  	s8 =	sadd.s32 s8, s5;
	s9 =	sshrl.u32 s9, $0x3;
	s10 =	ssub.s32 s24, s25  }
0xf: {  	s31 =	sadd.s32 s29, s26;
	s9 =	sadd.s32 s9, s5;
	s4 =	sadd.s32 s12, s26  }
0x10: {  	s5 =	sadd.s32 $0x2800, s8;
	s7 =	sadd.s32 $0x9C00, s31;
	s12 =	simm.s32 $0x1  }
0x11: {  	v0 =	vimm.f32 $1.000000000e+00;
	s8 =	sadd.s32 $0x7800, s9;
	s9 =	smax.u32 s10, $0x1;
	s10 =	sshrl.u32 s28, $0x3  }
.LBB2_1:
0x12: {  	[tilespmem:s3], [sflag:$0x1] =	stream.linear.gather [hbm4b:s4+s3], $0x2700, $0x38;
	[tilespmem:$0x5780] =	vst v63  }
0x13: {  	s17 =	simm.s32 $0x40;
	s18 =	simm.s32 $0x0  }
.LBB2_2:
0x14: {  	p1 =	sne.s32 s17, $0x1FC0;
	[tilespmem:s18+$0x2780] =	vst v0;
	s18 =	smov.u32 s17;
	s17 =	sadd.s32 $0x40, s17  }
.Ltmp0:
0x15: {  	(pc) =	sbr.rel @p1 .LBB2_2-.Ltmp0, $2  }
0x16: {  	_ =	sdelay $0x2  }
0x17: {  	s18 =	sshra.s32 s18, $0x2  }
0x18: {  	[tilespmem:s18+$0x2780] =	vst v0  }
0x19: {  	[spmem:s10], [sflag:s6] =	dma.local [hbm:s5], $0x500  }
0x1a: {  	_ =	swait.ge [sflag:s11], $0x500  }
0x1b: {  	[sflag:s11] =	ssyncset.done $0x0  }
0x1c: {  	[sflag:s11] =	ssyncadd.s32 $0xFFFFFB00  }
0x1d: {  	[bflag:$0x0] =	sbarrier.arrive $0xFFFF  }
0x1e: {  	_ =	swait.ge [sflag:s12], $0x2700  }
0x1f: {  	[sflag:s12] =	ssyncset.done $0x0  }
0x20: {  	s17 =	simm.s32 $0x0;
	[sflag:s12] =	ssyncadd.s32 $0xFFFFD900  }
.LBB2_4:
0x21: {  	p1 =	sne.s32 s17, $0x9A00  }
.Ltmp1:
0x22: {  	_ = 	snop;
	(pc) =	sbr.rel @p1 .LBB2_4-.Ltmp1, $3  }
0x23: {  	_ =	sdelay $0x1  }
0x24: {  	s18 =	sshra.s32 s17, $0x2;
	s17 =	sadd.s32 $0x200, s17  }
0x25: {  	[spmem:s2] =	stream.indirect.scatter.add.f32 [tilespmem:s14], [sflag:$0x2], $0x10, s18, s13, $0xb8;
	[tilespmem:$0x5780] =	vst v63  }
0x26: {  	_ =	swait.ge [sflag:s15], $0x800  }
0x27: {  	s17 =	simm.s32 $0x4D;
	[sflag:s15] =	ssyncset.done $0x0  }
.LBB2_6:
0x28: {  	p1 =	sne.s32 s17, $0x1;
	s17 =	sadd.s32 $0xFFFFFFFF, s17;
	[sflag:s15] =	ssyncadd.s32 $0xFFFFF800  }
.Ltmp2:
0x29: {  	(pc) =	sbr.rel @p1 .LBB2_6-.Ltmp2, $3  }
0x2a: {  	_ =	sdelay $0x1  }
0x2b: {  	_ =	swait.ge [sflag:s15], $0x800  }
0x2c: {  	[sflag:s15] =	ssyncset.done $0x0  }
0x2d: {  	[sflag:s15] =	ssyncadd.s32 $0xFFFFF800;
	s17 =	simm.s32 @!p0 $0x0;
	s18 =	simm.s32 @!p0 $0x2700  }
0x2e: {  	[tilespmem:s18], [sflag:$0x4] =	stream.linear.gather @!p0 [hbm4b:s7+s17], $0x80, $0x38;
	[tilespmem:$0x5780] =	vst v63  }
0x2f: {  	s17 =	simm.s32 @!p0 $0x4  }
0x30: {  	_ =	swait.ge @!p0 [sflag:s17], $0x80  }
0x31: {  	[sflag:s17] =	ssyncset.done @!p0 $0x0  }
0x32: {  	s19 =	simm.s32 @!p0 $0x2780;
	[sflag:s17] =	ssyncadd.s32 @!p0 $0xFFFFFF80;
	s17 =	simm.s32 @!p0 $0x80  }
0x33: {  	[spmem:s2] =	stream.indirect.scatter.add.f32 @!p0 [tilespmem:s19], [sflag:$0x3], $0x10, s18, s17, $0xb8;
	[tilespmem:$0x5780] =	vst v63  }
0x34: {  	s17 =	simm.s32 @!p0 $0x3  }
0x35: {  	_ =	swait.ge @!p0 [sflag:s17], $0x800  }
0x36: {  	s16 =	sadd.s32 $0x1, s16;
	[sflag:s17] =	ssyncset.done @!p0 $0x0  }
0x37: {  	p1 =	sne.s32 s16, s9;
	[sflag:s17] =	ssyncadd.s32 @!p0 $0xFFFFF800  }
.Ltmp3:
0x38: {  	[bflag:$0x0] =	sbarrier.arrive $0xFFFF;
	(pc) =	sbr.rel @p1 .LBB2_1-.Ltmp3, $4  }
0x39: {  	[hbm:s8@s11], [sflag:s6] =	dma.strided [spmem:s10@s15], $0x500, s12, $0x2   }
0x3a: {  	_ =	swait.ge [sflag:s11], $0x500  }
0x3b: {  	[sflag:s11] =	ssyncset.done $0x0  }
0x3c: {  	[sflag:s11] =	ssyncadd.s32 $0xFFFFFB00  }
0x3d: {  	_ =	sfence.sel $0x180000  }
0x3e: {  	[bflag:$0x0] =	sbarrier.arrive $0xFFFF  }
0x3f: {  	p0 =	sne.s32 s1, $0x0;
	_ =	strace $0x90000047  }
0x40: {  	s0 =	sadd.s32 @!p0 $0x100000, s0;
	[bflag:$0x2] =	sbarrier.arrive $0xFFFF  }
0x41: {  	[sflag:s0] =	ssyncadd.tile.s32 @!p0 $0x1;
	_ =	shalt  }
.Lfunc_end2:
_tile_overlayer_lowered:
.L_overlay_start_2:
0x42: {  	(tag) =	ssettag $0x2  }
0x43: {  	s0 =	rddreg [dreg:$0x0];
	s2 =	stileid.u32  }
0x44: {  	s1 =	rddreg [dreg:$0x1];
	p0 =	sne.s32 s2, $0x0  }
0x45: {  	s3 =	rddreg [dreg:$0x2];
	[bflag:$0x3] =	sbarrier.arrive $0xFFFF;
	s2 =	simm.s32 @!p0 $0x1C04  }
0x46: {  	[timem:s3], [sflag:s2] =	dma.local @!p0 [hbm:s0], s1  }
0x47: {  	s0 =	simm.s32 @!p0 $0x4  }
0x48: {  	_ =	swait.ge @!p0 [sflag:s0], s1  }
0x49: {  	s1 =	ssub.s32 @!p0 $0x0, s1;
	[sflag:s0] =	ssyncset.done @!p0 $0x0  }
0x4a: {  	[sflag:s0] =	ssyncadd.s32 @!p0 s1  }
0x4b: {  	[bflag:$0x3] =	sbarrier.arrive $0xFFFF  }
0x4c: {  	_ =	shalt  }

</sc_bundles>
